<compile_context>
chip_gen: v7x
topology: tpu7x:2x2x1
jax: 0.10.2.dev20260603
libtpu: 0.0.44.dev20260713+nightly
codegen_flags: <defaults>
</compile_context>

<pallas_src>
import functools

import numpy as np
import jax
import jax.numpy as jnp
from jax import lax
from jax.experimental import pallas as pl
from jax.experimental.pallas import tpu as pltpu
from jax.experimental.pallas import tpu_sc as plsc

_ALPHA = 0.1
_THETA = 0.5
_NUM_LAYERS = 2

_NW = 32
_LANES = 128


def _make_sc_scatter(n_rows_h, feat, ch, nrows_acc):
    zr = nrows_acc // 16
    nseg = 2 if ch % 4 == 0 else 1
    seg = ch // nseg
    assert nrows_acc % (16 * _LANES) == 0 and seg % 2 == 0 and seg >= 4
    mesh = plsc.VectorSubcoreMesh(core_axis_name="c", subcore_axis_name="s")

    @functools.partial(
        pl.kernel,
        out_type=jax.ShapeDtypeStruct((2, nrows_acc, feat), jnp.float32),
        mesh=mesh,
        scratch_types=[
            pltpu.VMEM((seg, _LANES), jnp.int32),
            pltpu.VMEM((seg, _LANES), jnp.int32),
            pltpu.VMEM((2, _LANES, feat), jnp.float32),
            pltpu.VMEM_SHARED((nrows_acc, feat), jnp.float32),
            pltpu.SemaphoreType.DMA,
            pltpu.SemaphoreType.DMA,
            pltpu.SemaphoreType.DMA,
            pltpu.SemaphoreType.DMA,
        ],
    )
    def scatter_kernel(h_hbm, src_hbm, dst_hbm, out_hbm,
                       src_v, dst_v, rows_v, acc_sh, sem0, sem1, ssem0, ssem1):
        cid = lax.axis_index("c")
        sid = lax.axis_index("s")
        wid = cid * 16 + sid

        zero16 = jnp.zeros((16,), jnp.float32)

        def zrow(r, carry):
            for c in range(feat // 16):
                rows_v[0, r, pl.ds(c * 16, 16)] = zero16
            return carry

        lax.fori_loop(0, _LANES, zrow, 0)
        for k in range(zr // _LANES):
            pltpu.sync_copy(rows_v.at[0],
                            acc_sh.at[pl.ds(sid * zr + k * _LANES, _LANES)])

        plsc.subcore_barrier()

        gsem = (sem0, sem1)
        ssem = (ssem0, ssem1)

        def wait_gather(j, b):
            pltpu.make_async_copy(h_hbm.at[src_v.at[j]],
                                  rows_v.at[b], gsem[b]).wait()

        def wait_scatter(j, b):
            pltpu.make_async_copy(rows_v.at[b],
                                  acc_sh.at[dst_v.at[j]], ssem[b]).wait()

        for s in range(nseg):
            pltpu.sync_copy(src_hbm.at[wid, pl.ds(s * seg, seg)], src_v)
            pltpu.sync_copy(dst_hbm.at[wid, pl.ds(s * seg, seg)], dst_v)

            pltpu.async_copy(h_hbm.at[src_v.at[0]], rows_v.at[0], gsem[0])
            pltpu.async_copy(h_hbm.at[src_v.at[1]], rows_v.at[1], gsem[1])

            def pair(p, carry):
                for b in range(2):
                    j = p * 2 + b
                    wait_gather(j, b)
                    pltpu.sync_copy(rows_v.at[b], acc_sh.at[dst_v.at[j]],
                                    add=True)
                    pltpu.async_copy(h_hbm.at[src_v.at[j + 2]],
                                     rows_v.at[b], gsem[b], priority=1)
                return carry

            lax.fori_loop(0, seg // 2 - 1, pair, 0)
            for b in range(2):
                j = seg - 2 + b
                wait_gather(j, b)
                pltpu.sync_copy(rows_v.at[b], acc_sh.at[dst_v.at[j]], add=True)

        plsc.subcore_barrier()
        pltpu.sync_copy(acc_sh.at[pl.ds(sid * zr, zr)],
                        out_hbm.at[cid, pl.ds(sid * zr, zr)])

    return scatter_kernel


def _linrelu_body(x_ref, w_ref, b_ref, o_ref):
    o_ref[...] = jnp.maximum(
        jnp.dot(x_ref[...], w_ref[...], preferred_element_type=jnp.float32)
        + b_ref[...], 0.0)


def _combine_body(p_ref, x0_ref, wc_ref, o_ref, *, beta):
    t = (1.0 - _ALPHA) * (p_ref[0] + p_ref[1]) + _ALPHA * x0_ref[...]
    o_ref[...] = jnp.maximum(
        (1.0 - beta) * t
        + beta * jnp.dot(t, wc_ref[...], preferred_element_type=jnp.float32),
        0.0)


def _combine_final_body(p_ref, x0_ref, wc_ref, w1_ref, b1_ref, o_ref, *, beta):
    t = (1.0 - _ALPHA) * (p_ref[0] + p_ref[1]) + _ALPHA * x0_ref[...]
    h = jnp.maximum(
        (1.0 - beta) * t
        + beta * jnp.dot(t, wc_ref[...], preferred_element_type=jnp.float32),
        0.0)
    logits = (jnp.dot(h, w1_ref[...], preferred_element_type=jnp.float32)
              + b1_ref[...])
    m = jnp.max(logits, axis=-1, keepdims=True)
    s = jnp.sum(jnp.exp(logits - m), axis=-1, keepdims=True)
    o_ref[...] = logits - m - jnp.log(s)


def _linrelu(x, w, b, br):
    m, k = x.shape
    h = w.shape[1]
    return pl.pallas_call(
        _linrelu_body,
        grid=(m // br,),
        in_specs=[
            pl.BlockSpec((br, k), lambda i: (i, 0)),
            pl.BlockSpec((k, h), lambda i: (0, 0)),
            pl.BlockSpec((1, h), lambda i: (0, 0)),
        ],
        out_specs=pl.BlockSpec((br, h), lambda i: (i, 0)),
        out_shape=jax.ShapeDtypeStruct((m, h), jnp.float32),
    )(x, w, b)


def _combine(parts, x0, wc, beta, br):
    m, h = x0.shape
    return pl.pallas_call(
        functools.partial(_combine_body, beta=beta),
        grid=(m // br,),
        in_specs=[
            pl.BlockSpec((2, br, h), lambda i: (0, i, 0)),
            pl.BlockSpec((br, h), lambda i: (i, 0)),
            pl.BlockSpec((h, h), lambda i: (0, 0)),
        ],
        out_specs=pl.BlockSpec((br, h), lambda i: (i, 0)),
        out_shape=jax.ShapeDtypeStruct((m, h), jnp.float32),
    )(parts, x0, wc)


def _combine_final(parts, x0, wc, w1, b1, beta, br):
    m, h = x0.shape
    out = w1.shape[1]
    return pl.pallas_call(
        functools.partial(_combine_final_body, beta=beta),
        grid=(m // br,),
        in_specs=[
            pl.BlockSpec((2, br, h), lambda i: (0, i, 0)),
            pl.BlockSpec((br, h), lambda i: (i, 0)),
            pl.BlockSpec((h, h), lambda i: (0, 0)),
            pl.BlockSpec((h, out), lambda i: (0, 0)),
            pl.BlockSpec((1, out), lambda i: (0, 0)),
        ],
        out_specs=pl.BlockSpec((br, out), lambda i: (i, 0)),
        out_shape=jax.ShapeDtypeStruct((m, out), jnp.float32),
    )(parts, x0, wc, w1, b1)


def kernel(x, edge_index, W0, b0, Wc, W1, b1):
    n, _ = x.shape
    h_dim = W0.shape[1]
    e = edge_index.shape[1]

    ch = -(-e // (_NW * _LANES))
    ch += ch % 2
    e_pad = _NW * ch * _LANES
    nrows_acc = -(-(n + 16) // (16 * _LANES)) * (16 * _LANES)

    pad = e_pad - e
    ar = jnp.arange(pad, dtype=jnp.int32)
    src_p = jnp.concatenate([edge_index[0], ar % jnp.int32(n)])
    dst_p = jnp.concatenate([edge_index[1], jnp.int32(n) + (ar % 16)])
    src_r = src_p.reshape(_NW, ch, _LANES)
    dst_r = dst_p.reshape(_NW, ch, _LANES)

    sc_scatter = _make_sc_scatter(n, h_dim, ch, nrows_acc)

    br = 2000 if n % 2000 == 0 else 8
    h = _linrelu(x, W0, b0.reshape(1, -1), br)
    x0 = h
    for l in range(_NUM_LAYERS - 1):
        beta = float(np.log(_THETA / (l + 1) + 1.0))
        parts = sc_scatter(h, src_r, dst_r)
        h = _combine(parts, x0, Wc[l], beta, br)
    beta = float(np.log(_THETA / _NUM_LAYERS + 1.0))
    parts = sc_scatter(h, src_r, dst_r)
    return _combine_final(parts, x0, Wc[_NUM_LAYERS - 1], W1,
                          b1.reshape(1, -1), beta, br)

# --- scband reference (transcript-rebuilt; emitter-appended) ---
"""Pipeline reference for scband-gcn2-45681272161001 (READ-ONLY COPY).

The authoritative reference and input builder live on the scoring server;
editing this copy changes nothing except your own understanding.
"""

import jax, jax.numpy as jnp
import numpy as np

N = 10000
E = 320000
IN = 128
H = 128
OUT = 128
NUM_LAYERS = 2
ALPHA = 0.1
THETA = 0.5


def setup_inputs(seed: int = 0) -> dict:
    key = jax.random.key(seed)
    ks = jax.random.split(key, 8)
    x = jax.random.normal(ks[0], (N, IN), dtype=jnp.float32)
    edge_index = jax.random.randint(ks[1], (2, E), 0, N, dtype=jnp.int32)
    W0 = jax.random.normal(ks[2], (IN, H), dtype=jnp.float32) * (1.0 / np.sqrt(IN))
    b0 = jnp.zeros((H,), dtype=jnp.float32)
    Wc = jax.random.normal(ks[3], (NUM_LAYERS, H, H), dtype=jnp.float32) * (1.0 / np.sqrt(H))
    W1 = jax.random.normal(ks[4], (H, OUT), dtype=jnp.float32) * (1.0 / np.sqrt(H))
    b1 = jnp.zeros((OUT,), dtype=jnp.float32)
    return {"x": x, "edge_index": edge_index, "W0": W0, "b0": b0, "Wc": Wc, "W1": W1, "b1": b1}


def reference(x, edge_index, W0, b0, Wc, W1, b1):
    # GCN2 forward (PyG GCN2Conv with normalize=False, shared_weights=True, no edge_weight)
    src = edge_index[0]
    dst = edge_index[1]
    h = jnp.maximum(x @ W0 + b0, 0.0)  # lins[0] + relu
    x0 = h
    for l in range(NUM_LAYERS):
        beta = float(np.log(THETA / (l + 1) + 1.0))
        # propagate: scatter-add of source features onto destination nodes
        agg = jnp.zeros_like(h).at[dst].add(h[src])
        t = agg * (1.0 - ALPHA) + ALPHA * x0  # initial residual
        out = (1.0 - beta) * t + beta * (t @ Wc[l])  # identity mapping (addmm)
        h = jnp.maximum(out, 0.0)
    logits = h @ W1 + b1  # lins[1]
    return jax.nn.log_softmax(logits, axis=-1)

if __name__ == "__main__":
    import jax
    _d = setup_inputs()
    print(jax.jit(kernel)(*tuple(_d.values())))

</pallas_src>

<mosaic_0001>
#map = affine_map<(d0, d1) -> (0, 0)>
#map1 = affine_map<(d0, d1) -> (0, 0, 0)>
module attributes {stable_mosaic.version = 14 : i64} {
  func.func @scatter_kernel(%arg0: i32, %arg1: i32, %arg2: memref<10000x128xf32, #tpu.memory_space<hbm>>, %arg3: memref<32x80x128xi32, #tpu.memory_space<hbm>>, %arg4: memref<32x80x128xi32, #tpu.memory_space<hbm>>, %arg5: memref<2x10240x128xf32, #tpu.memory_space<hbm>>, %arg6: memref<40x128xi32, #tpu.memory_space<vmem>>, %arg7: memref<40x128xi32, #tpu.memory_space<vmem>>, %arg8: memref<2x128x128xf32, #tpu.memory_space<vmem>>, %arg9: memref<10240x128xf32, #tpu.memory_space<vmem_shared>>, %arg10: memref<!tpu.dma_semaphore, #tpu.memory_space<semaphore_mem>>, %arg11: memref<!tpu.dma_semaphore, #tpu.memory_space<semaphore_mem>>, %arg12: memref<!tpu.dma_semaphore, #tpu.memory_space<semaphore_mem>>, %arg13: memref<!tpu.dma_semaphore, #tpu.memory_space<semaphore_mem>>) attributes {dimension_semantics = [#tpu.dimension_semantics<core_parallel>, #tpu.dimension_semantics<subcore_parallel>], iteration_bounds = array<i64: 2, 16>, scalar_prefetch = 0 : i64, scratch_operands = 8 : i64, tpu.core_type = #tpu.core_type<sc_vector_subcore>, window_params = [{transform_indices = #map}, {transform_indices = #map1}, {transform_indices = #map1}, {transform_indices = #map1}]} {
    %mul3A = arith.constant 16 : i32
    %mul3A_0 = arith.muli %arg0, %mul3A : i32
    %add3A = arith.addi %mul3A_0, %arg1 : i32
    %broadcast_in_dim3A = arith.constant 0.000000e+00 : f32
    %broadcast_in_dim3A_1 = vector.broadcast %broadcast_in_dim3A : f32 to vector<16xf32>
    %scan3A = arith.constant 0 : i32
    %scan3A_2 = arith.constant 0 : i32
    %scan3A_3 = arith.constant 128 : i32
    %scan3A_4 = arith.addi %scan3A_2, %scan3A_3 : i32
    %scan3A_5 = arith.constant 1 : i32
    scf.for %scan3A_150 = %scan3A_2 to %scan3A_4 step %scan3A_5  : i32 {
      %swap3A = arith.constant 0 : i32
      %swap3A_151 = arith.index_cast %swap3A : i32 to index
      %swap3A_152 = arith.index_cast %scan3A_150 : i32 to index
      %swap3A_153 = arith.constant 0 : index
      %swap3A_154 = tpu.vector_load %arg8[%swap3A_151, %swap3A_152, %swap3A_153] {strides = array<i32>} : memref<2x128x128xf32, #tpu.memory_space<vmem>>, vector<1x1x16xf32>,
      %swap3A_155 = vector.shape_cast %swap3A_154 : vector<1x1x16xf32> to vector<16xf32>
      %swap3A_156 = vector.shape_cast %broadcast_in_dim3A_1 : vector<16xf32> to vector<1x1x16xf32>
      tpu.vector_store %arg8[%swap3A_151, %swap3A_152, %swap3A_153], %swap3A_156 {strides = array<i32>} : memref<2x128x128xf32, #tpu.memory_space<vmem>>, vector<1x1x16xf32>,
      %swap3A_157 = arith.constant 0 : i32
      %swap3A_158 = arith.index_cast %swap3A_157 : i32 to index
      %swap3A_159 = arith.index_cast %scan3A_150 : i32 to index
      %swap3A_160 = arith.constant 16 : index
      %swap3A_161 = tpu.vector_load %arg8[%swap3A_158, %swap3A_159, %swap3A_160] {strides = array<i32>} : memref<2x128x128xf32, #tpu.memory_space<vmem>>, vector<1x1x16xf32>,
      %swap3A_162 = vector.shape_cast %swap3A_161 : vector<1x1x16xf32> to vector<16xf32>
      %swap3A_163 = vector.shape_cast %broadcast_in_dim3A_1 : vector<16xf32> to vector<1x1x16xf32>
      tpu.vector_store %arg8[%swap3A_158, %swap3A_159, %swap3A_160], %swap3A_163 {strides = array<i32>} : memref<2x128x128xf32, #tpu.memory_space<vmem>>, vector<1x1x16xf32>,
      %swap3A_164 = arith.constant 0 : i32
      %swap3A_165 = arith.index_cast %swap3A_164 : i32 to index
      %swap3A_166 = arith.index_cast %scan3A_150 : i32 to index
      %swap3A_167 = arith.constant 32 : index
      %swap3A_168 = tpu.vector_load %arg8[%swap3A_165, %swap3A_166, %swap3A_167] {strides = array<i32>} : memref<2x128x128xf32, #tpu.memory_space<vmem>>, vector<1x1x16xf32>,
      %swap3A_169 = vector.shape_cast %swap3A_168 : vector<1x1x16xf32> to vector<16xf32>
      %swap3A_170 = vector.shape_cast %broadcast_in_dim3A_1 : vector<16xf32> to vector<1x1x16xf32>
      tpu.vector_store %arg8[%swap3A_165, %swap3A_166, %swap3A_167], %swap3A_170 {strides = array<i32>} : memref<2x128x128xf32, #tpu.memory_space<vmem>>, vector<1x1x16xf32>,
      %swap3A_171 = arith.constant 0 : i32
      %swap3A_172 = arith.index_cast %swap3A_171 : i32 to index
      %swap3A_173 = arith.index_cast %scan3A_150 : i32 to index
      %swap3A_174 = arith.constant 48 : index
      %swap3A_175 = tpu.vector_load %arg8[%swap3A_172, %swap3A_173, %swap3A_174] {strides = array<i32>} : memref<2x128x128xf32, #tpu.memory_space<vmem>>, vector<1x1x16xf32>,
      %swap3A_176 = vector.shape_cast %swap3A_175 : vector<1x1x16xf32> to vector<16xf32>
      %swap3A_177 = vector.shape_cast %broadcast_in_dim3A_1 : vector<16xf32> to vector<1x1x16xf32>
      tpu.vector_store %arg8[%swap3A_172, %swap3A_173, %swap3A_174], %swap3A_177 {strides = array<i32>} : memref<2x128x128xf32, #tpu.memory_space<vmem>>, vector<1x1x16xf32>,
      %swap3A_178 = arith.constant 0 : i32
      %swap3A_179 = arith.index_cast %swap3A_178 : i32 to index
      %swap3A_180 = arith.index_cast %scan3A_150 : i32 to index
      %swap3A_181 = arith.constant 64 : index
      %swap3A_182 = tpu.vector_load %arg8[%swap3A_179, %swap3A_180, %swap3A_181] {strides = array<i32>} : memref<2x128x128xf32, #tpu.memory_space<vmem>>, vector<1x1x16xf32>,
      %swap3A_183 = vector.shape_cast %swap3A_182 : vector<1x1x16xf32> to vector<16xf32>
      %swap3A_184 = vector.shape_cast %broadcast_in_dim3A_1 : vector<16xf32> to vector<1x1x16xf32>
      tpu.vector_store %arg8[%swap3A_179, %swap3A_180, %swap3A_181], %swap3A_184 {strides = array<i32>} : memref<2x128x128xf32, #tpu.memory_space<vmem>>, vector<1x1x16xf32>,
      %swap3A_185 = arith.constant 0 : i32
      %swap3A_186 = arith.index_cast %swap3A_185 : i32 to index
      %swap3A_187 = arith.index_cast %scan3A_150 : i32 to index
      %swap3A_188 = arith.constant 80 : index
      %swap3A_189 = tpu.vector_load %arg8[%swap3A_186, %swap3A_187, %swap3A_188] {strides = array<i32>} : memref<2x128x128xf32, #tpu.memory_space<vmem>>, vector<1x1x16xf32>,
      %swap3A_190 = vector.shape_cast %swap3A_189 : vector<1x1x16xf32> to vector<16xf32>
      %swap3A_191 = vector.shape_cast %broadcast_in_dim3A_1 : vector<16xf32> to vector<1x1x16xf32>
      tpu.vector_store %arg8[%swap3A_186, %swap3A_187, %swap3A_188], %swap3A_191 {strides = array<i32>} : memref<2x128x128xf32, #tpu.memory_space<vmem>>, vector<1x1x16xf32>,
      %swap3A_192 = arith.constant 0 : i32
      %swap3A_193 = arith.index_cast %swap3A_192 : i32 to index
      %swap3A_194 = arith.index_cast %scan3A_150 : i32 to index
      %swap3A_195 = arith.constant 96 : index
      %swap3A_196 = tpu.vector_load %arg8[%swap3A_193, %swap3A_194, %swap3A_195] {strides = array<i32>} : memref<2x128x128xf32, #tpu.memory_space<vmem>>, vector<1x1x16xf32>,
      %swap3A_197 = vector.shape_cast %swap3A_196 : vector<1x1x16xf32> to vector<16xf32>
      %swap3A_198 = vector.shape_cast %broadcast_in_dim3A_1 : vector<16xf32> to vector<1x1x16xf32>
      tpu.vector_store %arg8[%swap3A_193, %swap3A_194, %swap3A_195], %swap3A_198 {strides = array<i32>} : memref<2x128x128xf32, #tpu.memory_space<vmem>>, vector<1x1x16xf32>,
      %swap3A_199 = arith.constant 0 : i32
      %swap3A_200 = arith.index_cast %swap3A_199 : i32 to index
      %swap3A_201 = arith.index_cast %scan3A_150 : i32 to index
      %swap3A_202 = arith.constant 112 : index
      %swap3A_203 = tpu.vector_load %arg8[%swap3A_200, %swap3A_201, %swap3A_202] {strides = array<i32>} : memref<2x128x128xf32, #tpu.memory_space<vmem>>, vector<1x1x16xf32>,
      %swap3A_204 = vector.shape_cast %swap3A_203 : vector<1x1x16xf32> to vector<16xf32>
      %swap3A_205 = vector.shape_cast %broadcast_in_dim3A_1 : vector<16xf32> to vector<1x1x16xf32>
      tpu.vector_store %arg8[%swap3A_200, %swap3A_201, %swap3A_202], %swap3A_205 {strides = array<i32>} : memref<2x128x128xf32, #tpu.memory_space<vmem>>, vector<1x1x16xf32>,
    }
    %scan3A_6 = arith.constant 128 : i32
    %mul3A_7 = arith.constant 640 : i32
    %mul3A_8 = arith.muli %arg1, %mul3A_7 : i32
    %add3A_9 = arith.constant 0 : i32
    %add3A_10 = arith.addi %mul3A_8, %add3A_9 : i32
    %run_scoped3A = arith.constant 0 : i32
    "tpu.region"() ({
      %run_scoped3A_150 = tpu.sem_alloc : memref<!tpu.dma_semaphore, #tpu.memory_space<semaphore_mem>>
      %dma_start3A_151 = arith.constant 0 : i32
      %dma_start3A_152 = arith.constant 0 : i32
      %dma_start3A_153 = tpu.memref_slice %arg8[%run_scoped3A, %dma_start3A_151, %dma_start3A_152] : memref<2x128x128xf32, #tpu.memory_space<vmem>> -> memref<1x128x128xf32, #tpu.memory_space<vmem>>
      %dma_start3A_154 = tpu.memref_squeeze %dma_start3A_153 : memref<1x128x128xf32, #tpu.memory_space<vmem>> -> memref<128x128xf32, #tpu.memory_space<vmem>>
      %dma_start3A_155 = arith.constant 0 : i32
      %dma_start3A_156 = tpu.memref_slice %arg9[%add3A_10, %dma_start3A_155] : memref<10240x128xf32, #tpu.memory_space<vmem_shared>> -> memref<128x128xf32, #tpu.memory_space<vmem_shared>>
      %dma_start3A_157 = arith.constant 0 : i32
      %dma_start3A_158 = tpu.memref_slice %arg9[%add3A_10, %dma_start3A_157] : memref<10240x128xf32, #tpu.memory_space<vmem_shared>> -> memref<128x128xf32, #tpu.memory_space<vmem_shared>>
      %dma_start3A_159 = arith.constant 0 : i32
      %dma_start3A_160 = arith.constant 0 : i32
      %dma_start3A_161 = tpu.memref_slice %arg8[%run_scoped3A, %dma_start3A_159, %dma_start3A_160] : memref<2x128x128xf32, #tpu.memory_space<vmem>> -> memref<1x128x128xf32, #tpu.memory_space<vmem>>
      %dma_start3A_162 = tpu.memref_squeeze %dma_start3A_161 : memref<1x128x128xf32, #tpu.memory_space<vmem>> -> memref<128x128xf32, #tpu.memory_space<vmem>>
      tpu.enqueue_dma source(%dma_start3A_162 : memref<128x128xf32, #tpu.memory_space<vmem>>) target(%dma_start3A_158 : memref<128x128xf32, #tpu.memory_space<vmem_shared>>) target_semaphore(%run_scoped3A_150 : memref<!tpu.dma_semaphore, #tpu.memory_space<semaphore_mem>>)
      %dma_wait3A_163 = arith.constant 0 : i32
      %dma_wait3A_164 = arith.constant 0 : i32
      %dma_wait3A_165 = tpu.memref_slice %arg8[%run_scoped3A, %dma_wait3A_163, %dma_wait3A_164] : memref<2x128x128xf32, #tpu.memory_space<vmem>> -> memref<1x128x128xf32, #tpu.memory_space<vmem>>
      %dma_wait3A_166 = tpu.memref_squeeze %dma_wait3A_165 : memref<1x128x128xf32, #tpu.memory_space<vmem>> -> memref<128x128xf32, #tpu.memory_space<vmem>>
      %dma_wait3A_167 = arith.constant 0 : i32
      %dma_wait3A_168 = tpu.memref_slice %arg9[%add3A_10, %dma_wait3A_167] : memref<10240x128xf32, #tpu.memory_space<vmem_shared>> -> memref<128x128xf32, #tpu.memory_space<vmem_shared>>
      %dma_wait3A_169 = arith.constant 0 : i32
      %dma_wait3A_170 = tpu.memref_slice %arg9[%add3A_10, %dma_wait3A_169] : memref<10240x128xf32, #tpu.memory_space<vmem_shared>> -> memref<128x128xf32, #tpu.memory_space<vmem_shared>>
      %dma_wait3A_171 = arith.constant 0 : i32
      %dma_wait3A_172 = arith.constant 0 : i32
      %dma_wait3A_173 = tpu.memref_slice %arg8[%run_scoped3A, %dma_wait3A_171, %dma_wait3A_172] : memref<2x128x128xf32, #tpu.memory_space<vmem>> -> memref<1x128x128xf32, #tpu.memory_space<vmem>>
      %dma_wait3A_174 = tpu.memref_squeeze %dma_wait3A_173 : memref<1x128x128xf32, #tpu.memory_space<vmem>> -> memref<128x128xf32, #tpu.memory_space<vmem>>
      tpu.wait_dma2 semaphore(%run_scoped3A_150 : memref<!tpu.dma_semaphore, #tpu.memory_space<semaphore_mem>>) src(%dma_wait3A_174 : memref<128x128xf32, #tpu.memory_space<vmem>>) dst(%dma_wait3A_170 : memref<128x128xf32, #tpu.memory_space<vmem_shared>>)
      tpu.yield
    }) : () -> ()
    %mul3A_11 = arith.constant 640 : i32
    %mul3A_12 = arith.muli %arg1, %mul3A_11 : i32
    %add3A_13 = arith.constant 128 : i32
    %add3A_14 = arith.addi %mul3A_12, %add3A_13 : i32
    %run_scoped3A_15 = arith.constant 0 : i32
    "tpu.region"() ({
      %run_scoped3A_150 = tpu.sem_alloc : memref<!tpu.dma_semaphore, #tpu.memory_space<semaphore_mem>>
      %dma_start3A_151 = arith.constant 0 : i32
      %dma_start3A_152 = arith.constant 0 : i32
      %dma_start3A_153 = tpu.memref_slice %arg8[%run_scoped3A_15, %dma_start3A_151, %dma_start3A_152] : memref<2x128x128xf32, #tpu.memory_space<vmem>> -> memref<1x128x128xf32, #tpu.memory_space<vmem>>
      %dma_start3A_154 = tpu.memref_squeeze %dma_start3A_153 : memref<1x128x128xf32, #tpu.memory_space<vmem>> -> memref<128x128xf32, #tpu.memory_space<vmem>>
      %dma_start3A_155 = arith.constant 0 : i32
      %dma_start3A_156 = tpu.memref_slice %arg9[%add3A_14, %dma_start3A_155] : memref<10240x128xf32, #tpu.memory_space<vmem_shared>> -> memref<128x128xf32, #tpu.memory_space<vmem_shared>>
      %dma_start3A_157 = arith.constant 0 : i32
      %dma_start3A_158 = tpu.memref_slice %arg9[%add3A_14, %dma_start3A_157] : memref<10240x128xf32, #tpu.memory_space<vmem_shared>> -> memref<128x128xf32, #tpu.memory_space<vmem_shared>>
      %dma_start3A_159 = arith.constant 0 : i32
      %dma_start3A_160 = arith.constant 0 : i32
      %dma_start3A_161 = tpu.memref_slice %arg8[%run_scoped3A_15, %dma_start3A_159, %dma_start3A_160] : memref<2x128x128xf32, #tpu.memory_space<vmem>> -> memref<1x128x128xf32, #tpu.memory_space<vmem>>
      %dma_start3A_162 = tpu.memref_squeeze %dma_start3A_161 : memref<1x128x128xf32, #tpu.memory_space<vmem>> -> memref<128x128xf32, #tpu.memory_space<vmem>>
      tpu.enqueue_dma source(%dma_start3A_162 : memref<128x128xf32, #tpu.memory_space<vmem>>) target(%dma_start3A_158 : memref<128x128xf32, #tpu.memory_space<vmem_shared>>) target_semaphore(%run_scoped3A_150 : memref<!tpu.dma_semaphore, #tpu.memory_space<semaphore_mem>>)
      %dma_wait3A_163 = arith.constant 0 : i32
      %dma_wait3A_164 = arith.constant 0 : i32
      %dma_wait3A_165 = tpu.memref_slice %arg8[%run_scoped3A_15, %dma_wait3A_163, %dma_wait3A_164] : memref<2x128x128xf32, #tpu.memory_space<vmem>> -> memref<1x128x128xf32, #tpu.memory_space<vmem>>
      %dma_wait3A_166 = tpu.memref_squeeze %dma_wait3A_165 : memref<1x128x128xf32, #tpu.memory_space<vmem>> -> memref<128x128xf32, #tpu.memory_space<vmem>>
      %dma_wait3A_167 = arith.constant 0 : i32
      %dma_wait3A_168 = tpu.memref_slice %arg9[%add3A_14, %dma_wait3A_167] : memref<10240x128xf32, #tpu.memory_space<vmem_shared>> -> memref<128x128xf32, #tpu.memory_space<vmem_shared>>
      %dma_wait3A_169 = arith.constant 0 : i32
      %dma_wait3A_170 = tpu.memref_slice %arg9[%add3A_14, %dma_wait3A_169] : memref<10240x128xf32, #tpu.memory_space<vmem_shared>> -> memref<128x128xf32, #tpu.memory_space<vmem_shared>>
      %dma_wait3A_171 = arith.constant 0 : i32
      %dma_wait3A_172 = arith.constant 0 : i32
      %dma_wait3A_173 = tpu.memref_slice %arg8[%run_scoped3A_15, %dma_wait3A_171, %dma_wait3A_172] : memref<2x128x128xf32, #tpu.memory_space<vmem>> -> memref<1x128x128xf32, #tpu.memory_space<vmem>>
      %dma_wait3A_174 = tpu.memref_squeeze %dma_wait3A_173 : memref<1x128x128xf32, #tpu.memory_space<vmem>> -> memref<128x128xf32, #tpu.memory_space<vmem>>
      tpu.wait_dma2 semaphore(%run_scoped3A_150 : memref<!tpu.dma_semaphore, #tpu.memory_space<semaphore_mem>>) src(%dma_wait3A_174 : memref<128x128xf32, #tpu.memory_space<vmem>>) dst(%dma_wait3A_170 : memref<128x128xf32, #tpu.memory_space<vmem_shared>>)
      tpu.yield
    }) : () -> ()
    %mul3A_16 = arith.constant 640 : i32
    %mul3A_17 = arith.muli %arg1, %mul3A_16 : i32
    %add3A_18 = arith.constant 256 : i32
    %add3A_19 = arith.addi %mul3A_17, %add3A_18 : i32
    %run_scoped3A_20 = arith.constant 0 : i32
    "tpu.region"() ({
      %run_scoped3A_150 = tpu.sem_alloc : memref<!tpu.dma_semaphore, #tpu.memory_space<semaphore_mem>>
      %dma_start3A_151 = arith.constant 0 : i32
      %dma_start3A_152 = arith.constant 0 : i32
      %dma_start3A_153 = tpu.memref_slice %arg8[%run_scoped3A_20, %dma_start3A_151, %dma_start3A_152] : memref<2x128x128xf32, #tpu.memory_space<vmem>> -> memref<1x128x128xf32, #tpu.memory_space<vmem>>
      %dma_start3A_154 = tpu.memref_squeeze %dma_start3A_153 : memref<1x128x128xf32, #tpu.memory_space<vmem>> -> memref<128x128xf32, #tpu.memory_space<vmem>>
      %dma_start3A_155 = arith.constant 0 : i32
      %dma_start3A_156 = tpu.memref_slice %arg9[%add3A_19, %dma_start3A_155] : memref<10240x128xf32, #tpu.memory_space<vmem_shared>> -> memref<128x128xf32, #tpu.memory_space<vmem_shared>>
      %dma_start3A_157 = arith.constant 0 : i32
      %dma_start3A_158 = tpu.memref_slice %arg9[%add3A_19, %dma_start3A_157] : memref<10240x128xf32, #tpu.memory_space<vmem_shared>> -> memref<128x128xf32, #tpu.memory_space<vmem_shared>>
      %dma_start3A_159 = arith.constant 0 : i32
      %dma_start3A_160 = arith.constant 0 : i32
      %dma_start3A_161 = tpu.memref_slice %arg8[%run_scoped3A_20, %dma_start3A_159, %dma_start3A_160] : memref<2x128x128xf32, #tpu.memory_space<vmem>> -> memref<1x128x128xf32, #tpu.memory_space<vmem>>
      %dma_start3A_162 = tpu.memref_squeeze %dma_start3A_161 : memref<1x128x128xf32, #tpu.memory_space<vmem>> -> memref<128x128xf32, #tpu.memory_space<vmem>>
      tpu.enqueue_dma source(%dma_start3A_162 : memref<128x128xf32, #tpu.memory_space<vmem>>) target(%dma_start3A_158 : memref<128x128xf32, #tpu.memory_space<vmem_shared>>) target_semaphore(%run_scoped3A_150 : memref<!tpu.dma_semaphore, #tpu.memory_space<semaphore_mem>>)
      %dma_wait3A_163 = arith.constant 0 : i32
      %dma_wait3A_164 = arith.constant 0 : i32
      %dma_wait3A_165 = tpu.memref_slice %arg8[%run_scoped3A_20, %dma_wait3A_163, %dma_wait3A_164] : memref<2x128x128xf32, #tpu.memory_space<vmem>> -> memref<1x128x128xf32, #tpu.memory_space<vmem>>
      %dma_wait3A_166 = tpu.memref_squeeze %dma_wait3A_165 : memref<1x128x128xf32, #tpu.memory_space<vmem>> -> memref<128x128xf32, #tpu.memory_space<vmem>>
      %dma_wait3A_167 = arith.constant 0 : i32
      %dma_wait3A_168 = tpu.memref_slice %arg9[%add3A_19, %dma_wait3A_167] : memref<10240x128xf32, #tpu.memory_space<vmem_shared>> -> memref<128x128xf32, #tpu.memory_space<vmem_shared>>
      %dma_wait3A_169 = arith.constant 0 : i32
      %dma_wait3A_170 = tpu.memref_slice %arg9[%add3A_19, %dma_wait3A_169] : memref<10240x128xf32, #tpu.memory_space<vmem_shared>> -> memref<128x128xf32, #tpu.memory_space<vmem_shared>>
      %dma_wait3A_171 = arith.constant 0 : i32
      %dma_wait3A_172 = arith.constant 0 : i32
      %dma_wait3A_173 = tpu.memref_slice %arg8[%run_scoped3A_20, %dma_wait3A_171, %dma_wait3A_172] : memref<2x128x128xf32, #tpu.memory_space<vmem>> -> memref<1x128x128xf32, #tpu.memory_space<vmem>>
      %dma_wait3A_174 = tpu.memref_squeeze %dma_wait3A_173 : memref<1x128x128xf32, #tpu.memory_space<vmem>> -> memref<128x128xf32, #tpu.memory_space<vmem>>
      tpu.wait_dma2 semaphore(%run_scoped3A_150 : memref<!tpu.dma_semaphore, #tpu.memory_space<semaphore_mem>>) src(%dma_wait3A_174 : memref<128x128xf32, #tpu.memory_space<vmem>>) dst(%dma_wait3A_170 : memref<128x128xf32, #tpu.memory_space<vmem_shared>>)
      tpu.yield
    }) : () -> ()
    %mul3A_21 = arith.constant 640 : i32
    %mul3A_22 = arith.muli %arg1, %mul3A_21 : i32
    %add3A_23 = arith.constant 384 : i32
    %add3A_24 = arith.addi %mul3A_22, %add3A_23 : i32
    %run_scoped3A_25 = arith.constant 0 : i32
    "tpu.region"() ({
      %run_scoped3A_150 = tpu.sem_alloc : memref<!tpu.dma_semaphore, #tpu.memory_space<semaphore_mem>>
      %dma_start3A_151 = arith.constant 0 : i32
      %dma_start3A_152 = arith.constant 0 : i32
      %dma_start3A_153 = tpu.memref_slice %arg8[%run_scoped3A_25, %dma_start3A_151, %dma_start3A_152] : memref<2x128x128xf32, #tpu.memory_space<vmem>> -> memref<1x128x128xf32, #tpu.memory_space<vmem>>
      %dma_start3A_154 = tpu.memref_squeeze %dma_start3A_153 : memref<1x128x128xf32, #tpu.memory_space<vmem>> -> memref<128x128xf32, #tpu.memory_space<vmem>>
      %dma_start3A_155 = arith.constant 0 : i32
      %dma_start3A_156 = tpu.memref_slice %arg9[%add3A_24, %dma_start3A_155] : memref<10240x128xf32, #tpu.memory_space<vmem_shared>> -> memref<128x128xf32, #tpu.memory_space<vmem_shared>>
      %dma_start3A_157 = arith.constant 0 : i32
      %dma_start3A_158 = tpu.memref_slice %arg9[%add3A_24, %dma_start3A_157] : memref<10240x128xf32, #tpu.memory_space<vmem_shared>> -> memref<128x128xf32, #tpu.memory_space<vmem_shared>>
      %dma_start3A_159 = arith.constant 0 : i32
      %dma_start3A_160 = arith.constant 0 : i32
      %dma_start3A_161 = tpu.memref_slice %arg8[%run_scoped3A_25, %dma_start3A_159, %dma_start3A_160] : memref<2x128x128xf32, #tpu.memory_space<vmem>> -> memref<1x128x128xf32, #tpu.memory_space<vmem>>
      %dma_start3A_162 = tpu.memref_squeeze %dma_start3A_161 : memref<1x128x128xf32, #tpu.memory_space<vmem>> -> memref<128x128xf32, #tpu.memory_space<vmem>>
      tpu.enqueue_dma source(%dma_start3A_162 : memref<128x128xf32, #tpu.memory_space<vmem>>) target(%dma_start3A_158 : memref<128x128xf32, #tpu.memory_space<vmem_shared>>) target_semaphore(%run_scoped3A_150 : memref<!tpu.dma_semaphore, #tpu.memory_space<semaphore_mem>>)
      %dma_wait3A_163 = arith.constant 0 : i32
      %dma_wait3A_164 = arith.constant 0 : i32
      %dma_wait3A_165 = tpu.memref_slice %arg8[%run_scoped3A_25, %dma_wait3A_163, %dma_wait3A_164] : memref<2x128x128xf32, #tpu.memory_space<vmem>> -> memref<1x128x128xf32, #tpu.memory_space<vmem>>
      %dma_wait3A_166 = tpu.memref_squeeze %dma_wait3A_165 : memref<1x128x128xf32, #tpu.memory_space<vmem>> -> memref<128x128xf32, #tpu.memory_space<vmem>>
      %dma_wait3A_167 = arith.constant 0 : i32
      %dma_wait3A_168 = tpu.memref_slice %arg9[%add3A_24, %dma_wait3A_167] : memref<10240x128xf32, #tpu.memory_space<vmem_shared>> -> memref<128x128xf32, #tpu.memory_space<vmem_shared>>
      %dma_wait3A_169 = arith.constant 0 : i32
      %dma_wait3A_170 = tpu.memref_slice %arg9[%add3A_24, %dma_wait3A_169] : memref<10240x128xf32, #tpu.memory_space<vmem_shared>> -> memref<128x128xf32, #tpu.memory_space<vmem_shared>>
      %dma_wait3A_171 = arith.constant 0 : i32
      %dma_wait3A_172 = arith.constant 0 : i32
      %dma_wait3A_173 = tpu.memref_slice %arg8[%run_scoped3A_25, %dma_wait3A_171, %dma_wait3A_172] : memref<2x128x128xf32, #tpu.memory_space<vmem>> -> memref<1x128x128xf32, #tpu.memory_space<vmem>>
      %dma_wait3A_174 = tpu.memref_squeeze %dma_wait3A_173 : memref<1x128x128xf32, #tpu.memory_space<vmem>> -> memref<128x128xf32, #tpu.memory_space<vmem>>
      tpu.wait_dma2 semaphore(%run_scoped3A_150 : memref<!tpu.dma_semaphore, #tpu.memory_space<semaphore_mem>>) src(%dma_wait3A_174 : memref<128x128xf32, #tpu.memory_space<vmem>>) dst(%dma_wait3A_170 : memref<128x128xf32, #tpu.memory_space<vmem_shared>>)
      tpu.yield
    }) : () -> ()
    %mul3A_26 = arith.constant 640 : i32
    %mul3A_27 = arith.muli %arg1, %mul3A_26 : i32
    %add3A_28 = arith.constant 512 : i32
    %add3A_29 = arith.addi %mul3A_27, %add3A_28 : i32
    %run_scoped3A_30 = arith.constant 0 : i32
    "tpu.region"() ({
      %run_scoped3A_150 = tpu.sem_alloc : memref<!tpu.dma_semaphore, #tpu.memory_space<semaphore_mem>>
      %dma_start3A_151 = arith.constant 0 : i32
      %dma_start3A_152 = arith.constant 0 : i32
      %dma_start3A_153 = tpu.memref_slice %arg8[%run_scoped3A_30, %dma_start3A_151, %dma_start3A_152] : memref<2x128x128xf32, #tpu.memory_space<vmem>> -> memref<1x128x128xf32, #tpu.memory_space<vmem>>
      %dma_start3A_154 = tpu.memref_squeeze %dma_start3A_153 : memref<1x128x128xf32, #tpu.memory_space<vmem>> -> memref<128x128xf32, #tpu.memory_space<vmem>>
      %dma_start3A_155 = arith.constant 0 : i32
      %dma_start3A_156 = tpu.memref_slice %arg9[%add3A_29, %dma_start3A_155] : memref<10240x128xf32, #tpu.memory_space<vmem_shared>> -> memref<128x128xf32, #tpu.memory_space<vmem_shared>>
      %dma_start3A_157 = arith.constant 0 : i32
      %dma_start3A_158 = tpu.memref_slice %arg9[%add3A_29, %dma_start3A_157] : memref<10240x128xf32, #tpu.memory_space<vmem_shared>> -> memref<128x128xf32, #tpu.memory_space<vmem_shared>>
      %dma_start3A_159 = arith.constant 0 : i32
      %dma_start3A_160 = arith.constant 0 : i32
      %dma_start3A_161 = tpu.memref_slice %arg8[%run_scoped3A_30, %dma_start3A_159, %dma_start3A_160] : memref<2x128x128xf32, #tpu.memory_space<vmem>> -> memref<1x128x128xf32, #tpu.memory_space<vmem>>
      %dma_start3A_162 = tpu.memref_squeeze %dma_start3A_161 : memref<1x128x128xf32, #tpu.memory_space<vmem>> -> memref<128x128xf32, #tpu.memory_space<vmem>>
      tpu.enqueue_dma source(%dma_start3A_162 : memref<128x128xf32, #tpu.memory_space<vmem>>) target(%dma_start3A_158 : memref<128x128xf32, #tpu.memory_space<vmem_shared>>) target_semaphore(%run_scoped3A_150 : memref<!tpu.dma_semaphore, #tpu.memory_space<semaphore_mem>>)
      %dma_wait3A_163 = arith.constant 0 : i32
      %dma_wait3A_164 = arith.constant 0 : i32
      %dma_wait3A_165 = tpu.memref_slice %arg8[%run_scoped3A_30, %dma_wait3A_163, %dma_wait3A_164] : memref<2x128x128xf32, #tpu.memory_space<vmem>> -> memref<1x128x128xf32, #tpu.memory_space<vmem>>
      %dma_wait3A_166 = tpu.memref_squeeze %dma_wait3A_165 : memref<1x128x128xf32, #tpu.memory_space<vmem>> -> memref<128x128xf32, #tpu.memory_space<vmem>>
      %dma_wait3A_167 = arith.constant 0 : i32
      %dma_wait3A_168 = tpu.memref_slice %arg9[%add3A_29, %dma_wait3A_167] : memref<10240x128xf32, #tpu.memory_space<vmem_shared>> -> memref<128x128xf32, #tpu.memory_space<vmem_shared>>
      %dma_wait3A_169 = arith.constant 0 : i32
      %dma_wait3A_170 = tpu.memref_slice %arg9[%add3A_29, %dma_wait3A_169] : memref<10240x128xf32, #tpu.memory_space<vmem_shared>> -> memref<128x128xf32, #tpu.memory_space<vmem_shared>>
      %dma_wait3A_171 = arith.constant 0 : i32
      %dma_wait3A_172 = arith.constant 0 : i32
      %dma_wait3A_173 = tpu.memref_slice %arg8[%run_scoped3A_30, %dma_wait3A_171, %dma_wait3A_172] : memref<2x128x128xf32, #tpu.memory_space<vmem>> -> memref<1x128x128xf32, #tpu.memory_space<vmem>>
      %dma_wait3A_174 = tpu.memref_squeeze %dma_wait3A_173 : memref<1x128x128xf32, #tpu.memory_space<vmem>> -> memref<128x128xf32, #tpu.memory_space<vmem>>
      tpu.wait_dma2 semaphore(%run_scoped3A_150 : memref<!tpu.dma_semaphore, #tpu.memory_space<semaphore_mem>>) src(%dma_wait3A_174 : memref<128x128xf32, #tpu.memory_space<vmem>>) dst(%dma_wait3A_170 : memref<128x128xf32, #tpu.memory_space<vmem_shared>>)
      tpu.yield
    }) : () -> ()
    %barrier3A = arith.constant 0 : index
    tpu.barrier barrier_id(%barrier3A)
    "tpu.region"() ({
      %run_scoped3A_150 = tpu.sem_alloc : memref<!tpu.dma_semaphore, #tpu.memory_space<semaphore_mem>>
      %dma_start3A_151 = arith.constant 0 : i32
      %dma_start3A_152 = arith.constant 0 : i32
      %dma_start3A_153 = tpu.memref_slice %arg3[%add3A, %dma_start3A_151, %dma_start3A_152] : memref<32x80x128xi32, #tpu.memory_space<hbm>> -> memref<1x40x128xi32, #tpu.memory_space<hbm>>
      %dma_start3A_154 = tpu.memref_squeeze %dma_start3A_153 : memref<1x40x128xi32, #tpu.memory_space<hbm>> -> memref<40x128xi32, #tpu.memory_space<hbm>>
      %dma_start3A_155 = arith.constant 0 : i32
      %dma_start3A_156 = arith.constant 0 : i32
      %dma_start3A_157 = tpu.memref_slice %arg3[%add3A, %dma_start3A_155, %dma_start3A_156] : memref<32x80x128xi32, #tpu.memory_space<hbm>> -> memref<1x40x128xi32, #tpu.memory_space<hbm>>
      %dma_start3A_158 = tpu.memref_squeeze %dma_start3A_157 : memref<1x40x128xi32, #tpu.memory_space<hbm>> -> memref<40x128xi32, #tpu.memory_space<hbm>>
      tpu.enqueue_dma source(%dma_start3A_158 : memref<40x128xi32, #tpu.memory_space<hbm>>) target(%arg6 : memref<40x128xi32, #tpu.memory_space<vmem>>) target_semaphore(%run_scoped3A_150 : memref<!tpu.dma_semaphore, #tpu.memory_space<semaphore_mem>>)
      %dma_wait3A_159 = arith.constant 0 : i32
      %dma_wait3A_160 = arith.constant 0 : i32
      %dma_wait3A_161 = tpu.memref_slice %arg3[%add3A, %dma_wait3A_159, %dma_wait3A_160] : memref<32x80x128xi32, #tpu.memory_space<hbm>> -> memref<1x40x128xi32, #tpu.memory_space<hbm>>
      %dma_wait3A_162 = tpu.memref_squeeze %dma_wait3A_161 : memref<1x40x128xi32, #tpu.memory_space<hbm>> -> memref<40x128xi32, #tpu.memory_space<hbm>>
      %dma_wait3A_163 = arith.constant 0 : i32
      %dma_wait3A_164 = arith.constant 0 : i32
      %dma_wait3A_165 = tpu.memref_slice %arg3[%add3A, %dma_wait3A_163, %dma_wait3A_164] : memref<32x80x128xi32, #tpu.memory_space<hbm>> -> memref<1x40x128xi32, #tpu.memory_space<hbm>>
      %dma_wait3A_166 = tpu.memref_squeeze %dma_wait3A_165 : memref<1x40x128xi32, #tpu.memory_space<hbm>> -> memref<40x128xi32, #tpu.memory_space<hbm>>
      tpu.wait_dma2 semaphore(%run_scoped3A_150 : memref<!tpu.dma_semaphore, #tpu.memory_space<semaphore_mem>>) src(%dma_wait3A_166 : memref<40x128xi32, #tpu.memory_space<hbm>>) dst(%arg6 : memref<40x128xi32, #tpu.memory_space<vmem>>)
      tpu.yield
    }) : () -> ()
    "tpu.region"() ({
      %run_scoped3A_150 = tpu.sem_alloc : memref<!tpu.dma_semaphore, #tpu.memory_space<semaphore_mem>>
      %dma_start3A_151 = arith.constant 0 : i32
      %dma_start3A_152 = arith.constant 0 : i32
      %dma_start3A_153 = tpu.memref_slice %arg4[%add3A, %dma_start3A_151, %dma_start3A_152] : memref<32x80x128xi32, #tpu.memory_space<hbm>> -> memref<1x40x128xi32, #tpu.memory_space<hbm>>
      %dma_start3A_154 = tpu.memref_squeeze %dma_start3A_153 : memref<1x40x128xi32, #tpu.memory_space<hbm>> -> memref<40x128xi32, #tpu.memory_space<hbm>>
      %dma_start3A_155 = arith.constant 0 : i32
      %dma_start3A_156 = arith.constant 0 : i32
      %dma_start3A_157 = tpu.memref_slice %arg4[%add3A, %dma_start3A_155, %dma_start3A_156] : memref<32x80x128xi32, #tpu.memory_space<hbm>> -> memref<1x40x128xi32, #tpu.memory_space<hbm>>
      %dma_start3A_158 = tpu.memref_squeeze %dma_start3A_157 : memref<1x40x128xi32, #tpu.memory_space<hbm>> -> memref<40x128xi32, #tpu.memory_space<hbm>>
      tpu.enqueue_dma source(%dma_start3A_158 : memref<40x128xi32, #tpu.memory_space<hbm>>) target(%arg7 : memref<40x128xi32, #tpu.memory_space<vmem>>) target_semaphore(%run_scoped3A_150 : memref<!tpu.dma_semaphore, #tpu.memory_space<semaphore_mem>>)
      %dma_wait3A_159 = arith.constant 0 : i32
      %dma_wait3A_160 = arith.constant 0 : i32
      %dma_wait3A_161 = tpu.memref_slice %arg4[%add3A, %dma_wait3A_159, %dma_wait3A_160] : memref<32x80x128xi32, #tpu.memory_space<hbm>> -> memref<1x40x128xi32, #tpu.memory_space<hbm>>
      %dma_wait3A_162 = tpu.memref_squeeze %dma_wait3A_161 : memref<1x40x128xi32, #tpu.memory_space<hbm>> -> memref<40x128xi32, #tpu.memory_space<hbm>>
      %dma_wait3A_163 = arith.constant 0 : i32
      %dma_wait3A_164 = arith.constant 0 : i32
      %dma_wait3A_165 = tpu.memref_slice %arg4[%add3A, %dma_wait3A_163, %dma_wait3A_164] : memref<32x80x128xi32, #tpu.memory_space<hbm>> -> memref<1x40x128xi32, #tpu.memory_space<hbm>>
      %dma_wait3A_166 = tpu.memref_squeeze %dma_wait3A_165 : memref<1x40x128xi32, #tpu.memory_space<hbm>> -> memref<40x128xi32, #tpu.memory_space<hbm>>
      tpu.wait_dma2 semaphore(%run_scoped3A_150 : memref<!tpu.dma_semaphore, #tpu.memory_space<semaphore_mem>>) src(%dma_wait3A_166 : memref<40x128xi32, #tpu.memory_space<hbm>>) dst(%arg7 : memref<40x128xi32, #tpu.memory_space<vmem>>)
      tpu.yield
    }) : () -> ()
    %dma_start3A = arith.constant 0 : i32
    %dma_start3A_31 = arith.constant 0 : i32
    %dma_start3A_32 = arith.constant 0 : i32
    %dma_start3A_33 = arith.constant 0 : i32
    %dma_start3A_34 = tpu.memref_slice %arg8[%dma_start3A_31, %dma_start3A_32, %dma_start3A_33] : memref<2x128x128xf32, #tpu.memory_space<vmem>> -> memref<1x128x128xf32, #tpu.memory_space<vmem>>
    %dma_start3A_35 = tpu.memref_squeeze %dma_start3A_34 : memref<1x128x128xf32, #tpu.memory_space<vmem>> -> memref<128x128xf32, #tpu.memory_space<vmem>>
    %dma_start3A_36 = arith.constant 0 : i32
    %dma_start3A_37 = tpu.memref_slice %arg6[%dma_start3A, %dma_start3A_36] : memref<40x128xi32, #tpu.memory_space<vmem>> -> memref<1x128xi32, #tpu.memory_space<vmem>>
    %dma_start3A_38 = tpu.memref_squeeze %dma_start3A_37 : memref<1x128xi32, #tpu.memory_space<vmem>> -> memref<128xi32, #tpu.memory_space<vmem>>
    %dma_start3A_39 = arith.constant 0 : i32
    %dma_start3A_40 = arith.constant 0 : i32
    %dma_start3A_41 = tpu.memref_slice %arg2[%dma_start3A_39, %dma_start3A_40] : memref<10000x128xf32, #tpu.memory_space<hbm>> -> memref<10000x128xf32, #tpu.memory_space<hbm>>
    tpu.enqueue_indirect_dma source(%dma_start3A_41 : memref<10000x128xf32, #tpu.memory_space<hbm>>) target(%dma_start3A_35 : memref<128x128xf32, #tpu.memory_space<vmem>>) offsets(%dma_start3A_38 : memref<128xi32, #tpu.memory_space<vmem>>) semaphore(%arg10 : memref<!tpu.dma_semaphore, #tpu.memory_space<semaphore_mem>>)
    %dma_start3A_42 = arith.constant 1 : i32
    %dma_start3A_43 = arith.constant 1 : i32
    %dma_start3A_44 = arith.constant 0 : i32
    %dma_start3A_45 = arith.constant 0 : i32
    %dma_start3A_46 = tpu.memref_slice %arg8[%dma_start3A_43, %dma_start3A_44, %dma_start3A_45] : memref<2x128x128xf32, #tpu.memory_space<vmem>> -> memref<1x128x128xf32, #tpu.memory_space<vmem>>
    %dma_start3A_47 = tpu.memref_squeeze %dma_start3A_46 : memref<1x128x128xf32, #tpu.memory_space<vmem>> -> memref<128x128xf32, #tpu.memory_space<vmem>>
    %dma_start3A_48 = arith.constant 0 : i32
    %dma_start3A_49 = tpu.memref_slice %arg6[%dma_start3A_42, %dma_start3A_48] : memref<40x128xi32, #tpu.memory_space<vmem>> -> memref<1x128xi32, #tpu.memory_space<vmem>>
    %dma_start3A_50 = tpu.memref_squeeze %dma_start3A_49 : memref<1x128xi32, #tpu.memory_space<vmem>> -> memref<128xi32, #tpu.memory_space<vmem>>
    %dma_start3A_51 = arith.constant 0 : i32
    %dma_start3A_52 = arith.constant 0 : i32
    %dma_start3A_53 = tpu.memref_slice %arg2[%dma_start3A_51, %dma_start3A_52] : memref<10000x128xf32, #tpu.memory_space<hbm>> -> memref<10000x128xf32, #tpu.memory_space<hbm>>
    tpu.enqueue_indirect_dma source(%dma_start3A_53 : memref<10000x128xf32, #tpu.memory_space<hbm>>) target(%dma_start3A_47 : memref<128x128xf32, #tpu.memory_space<vmem>>) offsets(%dma_start3A_50 : memref<128xi32, #tpu.memory_space<vmem>>) semaphore(%arg11 : memref<!tpu.dma_semaphore, #tpu.memory_space<semaphore_mem>>)
    %scan3A_54 = arith.constant 0 : i32
    %scan3A_55 = arith.constant 0 : i32
    %scan3A_56 = arith.constant 19 : i32
    %scan3A_57 = arith.addi %scan3A_55, %scan3A_56 : i32
    %scan3A_58 = arith.constant 1 : i32
    scf.for %scan3A_150 = %scan3A_55 to %scan3A_57 step %scan3A_58  : i32 {
      %mul3A_151 = arith.constant 2 : i32
      %mul3A_152 = arith.muli %scan3A_150, %mul3A_151 : i32
      %add3A_153 = arith.constant 0 : i32
      %add3A_154 = arith.addi %mul3A_152, %add3A_153 : i32
      %dma_wait3A_155 = arith.constant 0 : i32
      %dma_wait3A_156 = arith.constant 0 : i32
      %dma_wait3A_157 = arith.constant 0 : i32
      %dma_wait3A_158 = tpu.memref_slice %arg8[%dma_wait3A_155, %dma_wait3A_156, %dma_wait3A_157] : memref<2x128x128xf32, #tpu.memory_space<vmem>> -> memref<1x128x128xf32, #tpu.memory_space<vmem>>
      %dma_wait3A_159 = tpu.memref_squeeze %dma_wait3A_158 : memref<1x128x128xf32, #tpu.memory_space<vmem>> -> memref<128x128xf32, #tpu.memory_space<vmem>>
      %dma_wait3A_160 = arith.constant 0 : i32
      %dma_wait3A_161 = tpu.memref_slice %arg6[%add3A_154, %dma_wait3A_160] : memref<40x128xi32, #tpu.memory_space<vmem>> -> memref<1x128xi32, #tpu.memory_space<vmem>>
      %dma_wait3A_162 = tpu.memref_squeeze %dma_wait3A_161 : memref<1x128xi32, #tpu.memory_space<vmem>> -> memref<128xi32, #tpu.memory_space<vmem>>
      %dma_wait3A_163 = arith.constant 0 : i32
      %dma_wait3A_164 = arith.constant 0 : i32
      %dma_wait3A_165 = tpu.memref_slice %arg2[%dma_wait3A_163, %dma_wait3A_164] : memref<10000x128xf32, #tpu.memory_space<hbm>> -> memref<10000x128xf32, #tpu.memory_space<hbm>>
      tpu.wait_indirect_dma semaphore(%arg10 : memref<!tpu.dma_semaphore, #tpu.memory_space<semaphore_mem>>) src(%dma_wait3A_165 : memref<10000x128xf32, #tpu.memory_space<hbm>>) dst(%dma_wait3A_159 : memref<128x128xf32, #tpu.memory_space<vmem>>)
      %run_scoped3A_166 = arith.constant 0 : i32
      "tpu.region"() ({
        %run_scoped3A_209 = tpu.sem_alloc : memref<!tpu.dma_semaphore, #tpu.memory_space<semaphore_mem>>
        %dma_start3A_210 = arith.constant 0 : i32
        %dma_start3A_211 = arith.constant 0 : i32
        %dma_start3A_212 = tpu.memref_slice %arg8[%run_scoped3A_166, %dma_start3A_210, %dma_start3A_211] : memref<2x128x128xf32, #tpu.memory_space<vmem>> -> memref<1x128x128xf32, #tpu.memory_space<vmem>>
        %dma_start3A_213 = tpu.memref_squeeze %dma_start3A_212 : memref<1x128x128xf32, #tpu.memory_space<vmem>> -> memref<128x128xf32, #tpu.memory_space<vmem>>
        %dma_start3A_214 = arith.constant 0 : i32
        %dma_start3A_215 = tpu.memref_slice %arg7[%add3A_154, %dma_start3A_214] : memref<40x128xi32, #tpu.memory_space<vmem>> -> memref<1x128xi32, #tpu.memory_space<vmem>>
        %dma_start3A_216 = tpu.memref_squeeze %dma_start3A_215 : memref<1x128xi32, #tpu.memory_space<vmem>> -> memref<128xi32, #tpu.memory_space<vmem>>
        %dma_start3A_217 = arith.constant 0 : i32
        %dma_start3A_218 = arith.constant 0 : i32
        %dma_start3A_219 = tpu.memref_slice %arg9[%dma_start3A_217, %dma_start3A_218] : memref<10240x128xf32, #tpu.memory_space<vmem_shared>> -> memref<10240x128xf32, #tpu.memory_space<vmem_shared>>
        tpu.enqueue_indirect_dma source(%dma_start3A_213 : memref<128x128xf32, #tpu.memory_space<vmem>>) target(%dma_start3A_219 : memref<10240x128xf32, #tpu.memory_space<vmem_shared>>) offsets(%dma_start3A_216 : memref<128xi32, #tpu.memory_space<vmem>>) semaphore(%run_scoped3A_209 : memref<!tpu.dma_semaphore, #tpu.memory_space<semaphore_mem>>) {add = true}
        %dma_wait3A_220 = arith.constant 0 : i32
        %dma_wait3A_221 = arith.constant 0 : i32
        %dma_wait3A_222 = tpu.memref_slice %arg8[%run_scoped3A_166, %dma_wait3A_220, %dma_wait3A_221] : memref<2x128x128xf32, #tpu.memory_space<vmem>> -> memref<1x128x128xf32, #tpu.memory_space<vmem>>
        %dma_wait3A_223 = tpu.memref_squeeze %dma_wait3A_222 : memref<1x128x128xf32, #tpu.memory_space<vmem>> -> memref<128x128xf32, #tpu.memory_space<vmem>>
        %dma_wait3A_224 = arith.constant 0 : i32
        %dma_wait3A_225 = tpu.memref_slice %arg7[%add3A_154, %dma_wait3A_224] : memref<40x128xi32, #tpu.memory_space<vmem>> -> memref<1x128xi32, #tpu.memory_space<vmem>>
        %dma_wait3A_226 = tpu.memref_squeeze %dma_wait3A_225 : memref<1x128xi32, #tpu.memory_space<vmem>> -> memref<128xi32, #tpu.memory_space<vmem>>
        %dma_wait3A_227 = arith.constant 0 : i32
        %dma_wait3A_228 = arith.constant 0 : i32
        %dma_wait3A_229 = tpu.memref_slice %arg9[%dma_wait3A_227, %dma_wait3A_228] : memref<10240x128xf32, #tpu.memory_space<vmem_shared>> -> memref<10240x128xf32, #tpu.memory_space<vmem_shared>>
        tpu.wait_indirect_dma semaphore(%run_scoped3A_209 : memref<!tpu.dma_semaphore, #tpu.memory_space<semaphore_mem>>) src(%dma_wait3A_223 : memref<128x128xf32, #tpu.memory_space<vmem>>) dst(%dma_wait3A_229 : memref<10240x128xf32, #tpu.memory_space<vmem_shared>>)
        tpu.yield
      }) : () -> ()
      %add3A_167 = arith.constant 2 : i32
      %add3A_168 = arith.addi %add3A_154, %add3A_167 : i32
      %dma_start3A_169 = arith.constant 0 : i32
      %dma_start3A_170 = arith.constant 0 : i32
      %dma_start3A_171 = arith.constant 0 : i32
      %dma_start3A_172 = tpu.memref_slice %arg8[%dma_start3A_169, %dma_start3A_170, %dma_start3A_171] : memref<2x128x128xf32, #tpu.memory_space<vmem>> -> memref<1x128x128xf32, #tpu.memory_space<vmem>>
      %dma_start3A_173 = tpu.memref_squeeze %dma_start3A_172 : memref<1x128x128xf32, #tpu.memory_space<vmem>> -> memref<128x128xf32, #tpu.memory_space<vmem>>
      %dma_start3A_174 = arith.constant 0 : i32
      %dma_start3A_175 = tpu.memref_slice %arg6[%add3A_168, %dma_start3A_174] : memref<40x128xi32, #tpu.memory_space<vmem>> -> memref<1x128xi32, #tpu.memory_space<vmem>>
      %dma_start3A_176 = tpu.memref_squeeze %dma_start3A_175 : memref<1x128xi32, #tpu.memory_space<vmem>> -> memref<128xi32, #tpu.memory_space<vmem>>
      %dma_start3A_177 = arith.constant 0 : i32
      %dma_start3A_178 = arith.constant 0 : i32
      %dma_start3A_179 = tpu.memref_slice %arg2[%dma_start3A_177, %dma_start3A_178] : memref<10000x128xf32, #tpu.memory_space<hbm>> -> memref<10000x128xf32, #tpu.memory_space<hbm>>
      tpu.enqueue_indirect_dma source(%dma_start3A_179 : memref<10000x128xf32, #tpu.memory_space<hbm>>) target(%dma_start3A_173 : memref<128x128xf32, #tpu.memory_space<vmem>>) offsets(%dma_start3A_176 : memref<128xi32, #tpu.memory_space<vmem>>) semaphore(%arg10 : memref<!tpu.dma_semaphore, #tpu.memory_space<semaphore_mem>>)
      %mul3A_180 = arith.constant 2 : i32
      %mul3A_181 = arith.muli %scan3A_150, %mul3A_180 : i32
      %add3A_182 = arith.constant 1 : i32
      %add3A_183 = arith.addi %mul3A_181, %add3A_182 : i32
      %dma_wait3A_184 = arith.constant 1 : i32
      %dma_wait3A_185 = arith.constant 0 : i32
      %dma_wait3A_186 = arith.constant 0 : i32
      %dma_wait3A_187 = tpu.memref_slice %arg8[%dma_wait3A_184, %dma_wait3A_185, %dma_wait3A_186] : memref<2x128x128xf32, #tpu.memory_space<vmem>> -> memref<1x128x128xf32, #tpu.memory_space<vmem>>
      %dma_wait3A_188 = tpu.memref_squeeze %dma_wait3A_187 : memref<1x128x128xf32, #tpu.memory_space<vmem>> -> memref<128x128xf32, #tpu.memory_space<vmem>>
      %dma_wait3A_189 = arith.constant 0 : i32
      %dma_wait3A_190 = tpu.memref_slice %arg6[%add3A_183, %dma_wait3A_189] : memref<40x128xi32, #tpu.memory_space<vmem>> -> memref<1x128xi32, #tpu.memory_space<vmem>>
      %dma_wait3A_191 = tpu.memref_squeeze %dma_wait3A_190 : memref<1x128xi32, #tpu.memory_space<vmem>> -> memref<128xi32, #tpu.memory_space<vmem>>
      %dma_wait3A_192 = arith.constant 0 : i32
      %dma_wait3A_193 = arith.constant 0 : i32
      %dma_wait3A_194 = tpu.memref_slice %arg2[%dma_wait3A_192, %dma_wait3A_193] : memref<10000x128xf32, #tpu.memory_space<hbm>> -> memref<10000x128xf32, #tpu.memory_space<hbm>>
      tpu.wait_indirect_dma semaphore(%arg11 : memref<!tpu.dma_semaphore, #tpu.memory_space<semaphore_mem>>) src(%dma_wait3A_194 : memref<10000x128xf32, #tpu.memory_space<hbm>>) dst(%dma_wait3A_188 : memref<128x128xf32, #tpu.memory_space<vmem>>)
      %run_scoped3A_195 = arith.constant 1 : i32
      "tpu.region"() ({
        %run_scoped3A_209 = tpu.sem_alloc : memref<!tpu.dma_semaphore, #tpu.memory_space<semaphore_mem>>
        %dma_start3A_210 = arith.constant 0 : i32
        %dma_start3A_211 = arith.constant 0 : i32
        %dma_start3A_212 = tpu.memref_slice %arg8[%run_scoped3A_195, %dma_start3A_210, %dma_start3A_211] : memref<2x128x128xf32, #tpu.memory_space<vmem>> -> memref<1x128x128xf32, #tpu.memory_space<vmem>>
        %dma_start3A_213 = tpu.memref_squeeze %dma_start3A_212 : memref<1x128x128xf32, #tpu.memory_space<vmem>> -> memref<128x128xf32, #tpu.memory_space<vmem>>
        %dma_start3A_214 = arith.constant 0 : i32
        %dma_start3A_215 = tpu.memref_slice %arg7[%add3A_183, %dma_start3A_214] : memref<40x128xi32, #tpu.memory_space<vmem>> -> memref<1x128xi32, #tpu.memory_space<vmem>>
        %dma_start3A_216 = tpu.memref_squeeze %dma_start3A_215 : memref<1x128xi32, #tpu.memory_space<vmem>> -> memref<128xi32, #tpu.memory_space<vmem>>
        %dma_start3A_217 = arith.constant 0 : i32
        %dma_start3A_218 = arith.constant 0 : i32
        %dma_start3A_219 = tpu.memref_slice %arg9[%dma_start3A_217, %dma_start3A_218] : memref<10240x128xf32, #tpu.memory_space<vmem_shared>> -> memref<10240x128xf32, #tpu.memory_space<vmem_shared>>
        tpu.enqueue_indirect_dma source(%dma_start3A_213 : memref<128x128xf32, #tpu.memory_space<vmem>>) target(%dma_start3A_219 : memref<10240x128xf32, #tpu.memory_space<vmem_shared>>) offsets(%dma_start3A_216 : memref<128xi32, #tpu.memory_space<vmem>>) semaphore(%run_scoped3A_209 : memref<!tpu.dma_semaphore, #tpu.memory_space<semaphore_mem>>) {add = true}
        %dma_wait3A_220 = arith.constant 0 : i32
        %dma_wait3A_221 = arith.constant 0 : i32
        %dma_wait3A_222 = tpu.memref_slice %arg8[%run_scoped3A_195, %dma_wait3A_220, %dma_wait3A_221] : memref<2x128x128xf32, #tpu.memory_space<vmem>> -> memref<1x128x128xf32, #tpu.memory_space<vmem>>
        %dma_wait3A_223 = tpu.memref_squeeze %dma_wait3A_222 : memref<1x128x128xf32, #tpu.memory_space<vmem>> -> memref<128x128xf32, #tpu.memory_space<vmem>>
        %dma_wait3A_224 = arith.constant 0 : i32
        %dma_wait3A_225 = tpu.memref_slice %arg7[%add3A_183, %dma_wait3A_224] : memref<40x128xi32, #tpu.memory_space<vmem>> -> memref<1x128xi32, #tpu.memory_space<vmem>>
        %dma_wait3A_226 = tpu.memref_squeeze %dma_wait3A_225 : memref<1x128xi32, #tpu.memory_space<vmem>> -> memref<128xi32, #tpu.memory_space<vmem>>
        %dma_wait3A_227 = arith.constant 0 : i32
        %dma_wait3A_228 = arith.constant 0 : i32
        %dma_wait3A_229 = tpu.memref_slice %arg9[%dma_wait3A_227, %dma_wait3A_228] : memref<10240x128xf32, #tpu.memory_space<vmem_shared>> -> memref<10240x128xf32, #tpu.memory_space<vmem_shared>>
        tpu.wait_indirect_dma semaphore(%run_scoped3A_209 : memref<!tpu.dma_semaphore, #tpu.memory_space<semaphore_mem>>) src(%dma_wait3A_223 : memref<128x128xf32, #tpu.memory_space<vmem>>) dst(%dma_wait3A_229 : memref<10240x128xf32, #tpu.memory_space<vmem_shared>>)
        tpu.yield
      }) : () -> ()
      %add3A_196 = arith.constant 2 : i32
      %add3A_197 = arith.addi %add3A_183, %add3A_196 : i32
      %dma_start3A_198 = arith.constant 1 : i32
      %dma_start3A_199 = arith.constant 0 : i32
      %dma_start3A_200 = arith.constant 0 : i32
      %dma_start3A_201 = tpu.memref_slice %arg8[%dma_start3A_198, %dma_start3A_199, %dma_start3A_200] : memref<2x128x128xf32, #tpu.memory_space<vmem>> -> memref<1x128x128xf32, #tpu.memory_space<vmem>>
      %dma_start3A_202 = tpu.memref_squeeze %dma_start3A_201 : memref<1x128x128xf32, #tpu.memory_space<vmem>> -> memref<128x128xf32, #tpu.memory_space<vmem>>
      %dma_start3A_203 = arith.constant 0 : i32
      %dma_start3A_204 = tpu.memref_slice %arg6[%add3A_197, %dma_start3A_203] : memref<40x128xi32, #tpu.memory_space<vmem>> -> memref<1x128xi32, #tpu.memory_space<vmem>>
      %dma_start3A_205 = tpu.memref_squeeze %dma_start3A_204 : memref<1x128xi32, #tpu.memory_space<vmem>> -> memref<128xi32, #tpu.memory_space<vmem>>
      %dma_start3A_206 = arith.constant 0 : i32
      %dma_start3A_207 = arith.constant 0 : i32
      %dma_start3A_208 = tpu.memref_slice %arg2[%dma_start3A_206, %dma_start3A_207] : memref<10000x128xf32, #tpu.memory_space<hbm>> -> memref<10000x128xf32, #tpu.memory_space<hbm>>
      tpu.enqueue_indirect_dma source(%dma_start3A_208 : memref<10000x128xf32, #tpu.memory_space<hbm>>) target(%dma_start3A_202 : memref<128x128xf32, #tpu.memory_space<vmem>>) offsets(%dma_start3A_205 : memref<128xi32, #tpu.memory_space<vmem>>) semaphore(%arg11 : memref<!tpu.dma_semaphore, #tpu.memory_space<semaphore_mem>>)
    }
    %scan3A_59 = arith.constant 19 : i32
    %dma_wait3A = arith.constant 38 : i32
    %dma_wait3A_60 = arith.constant 0 : i32
    %dma_wait3A_61 = arith.constant 0 : i32
    %dma_wait3A_62 = arith.constant 0 : i32
    %dma_wait3A_63 = tpu.memref_slice %arg8[%dma_wait3A_60, %dma_wait3A_61, %dma_wait3A_62] : memref<2x128x128xf32, #tpu.memory_space<vmem>> -> memref<1x128x128xf32, #tpu.memory_space<vmem>>
    %dma_wait3A_64 = tpu.memref_squeeze %dma_wait3A_63 : memref<1x128x128xf32, #tpu.memory_space<vmem>> -> memref<128x128xf32, #tpu.memory_space<vmem>>
    %dma_wait3A_65 = arith.constant 0 : i32
    %dma_wait3A_66 = tpu.memref_slice %arg6[%dma_wait3A, %dma_wait3A_65] : memref<40x128xi32, #tpu.memory_space<vmem>> -> memref<1x128xi32, #tpu.memory_space<vmem>>
    %dma_wait3A_67 = tpu.memref_squeeze %dma_wait3A_66 : memref<1x128xi32, #tpu.memory_space<vmem>> -> memref<128xi32, #tpu.memory_space<vmem>>
    %dma_wait3A_68 = arith.constant 0 : i32
    %dma_wait3A_69 = arith.constant 0 : i32
    %dma_wait3A_70 = tpu.memref_slice %arg2[%dma_wait3A_68, %dma_wait3A_69] : memref<10000x128xf32, #tpu.memory_space<hbm>> -> memref<10000x128xf32, #tpu.memory_space<hbm>>
    tpu.wait_indirect_dma semaphore(%arg10 : memref<!tpu.dma_semaphore, #tpu.memory_space<semaphore_mem>>) src(%dma_wait3A_70 : memref<10000x128xf32, #tpu.memory_space<hbm>>) dst(%dma_wait3A_64 : memref<128x128xf32, #tpu.memory_space<vmem>>)
    %run_scoped3A_71 = arith.constant 0 : i32
    %run_scoped3A_72 = arith.constant 38 : i32
    "tpu.region"() ({
      %run_scoped3A_150 = tpu.sem_alloc : memref<!tpu.dma_semaphore, #tpu.memory_space<semaphore_mem>>
      %dma_start3A_151 = arith.constant 0 : i32
      %dma_start3A_152 = arith.constant 0 : i32
      %dma_start3A_153 = tpu.memref_slice %arg8[%run_scoped3A_71, %dma_start3A_151, %dma_start3A_152] : memref<2x128x128xf32, #tpu.memory_space<vmem>> -> memref<1x128x128xf32, #tpu.memory_space<vmem>>
      %dma_start3A_154 = tpu.memref_squeeze %dma_start3A_153 : memref<1x128x128xf32, #tpu.memory_space<vmem>> -> memref<128x128xf32, #tpu.memory_space<vmem>>
      %dma_start3A_155 = arith.constant 0 : i32
      %dma_start3A_156 = tpu.memref_slice %arg7[%run_scoped3A_72, %dma_start3A_155] : memref<40x128xi32, #tpu.memory_space<vmem>> -> memref<1x128xi32, #tpu.memory_space<vmem>>
      %dma_start3A_157 = tpu.memref_squeeze %dma_start3A_156 : memref<1x128xi32, #tpu.memory_space<vmem>> -> memref<128xi32, #tpu.memory_space<vmem>>
      %dma_start3A_158 = arith.constant 0 : i32
      %dma_start3A_159 = arith.constant 0 : i32
      %dma_start3A_160 = tpu.memref_slice %arg9[%dma_start3A_158, %dma_start3A_159] : memref<10240x128xf32, #tpu.memory_space<vmem_shared>> -> memref<10240x128xf32, #tpu.memory_space<vmem_shared>>
      tpu.enqueue_indirect_dma source(%dma_start3A_154 : memref<128x128xf32, #tpu.memory_space<vmem>>) target(%dma_start3A_160 : memref<10240x128xf32, #tpu.memory_space<vmem_shared>>) offsets(%dma_start3A_157 : memref<128xi32, #tpu.memory_space<vmem>>) semaphore(%run_scoped3A_150 : memref<!tpu.dma_semaphore, #tpu.memory_space<semaphore_mem>>) {add = true}
      %dma_wait3A_161 = arith.constant 0 : i32
      %dma_wait3A_162 = arith.constant 0 : i32
      %dma_wait3A_163 = tpu.memref_slice %arg8[%run_scoped3A_71, %dma_wait3A_161, %dma_wait3A_162] : memref<2x128x128xf32, #tpu.memory_space<vmem>> -> memref<1x128x128xf32, #tpu.memory_space<vmem>>
      %dma_wait3A_164 = tpu.memref_squeeze %dma_wait3A_163 : memref<1x128x128xf32, #tpu.memory_space<vmem>> -> memref<128x128xf32, #tpu.memory_space<vmem>>
      %dma_wait3A_165 = arith.constant 0 : i32
      %dma_wait3A_166 = tpu.memref_slice %arg7[%run_scoped3A_72, %dma_wait3A_165] : memref<40x128xi32, #tpu.memory_space<vmem>> -> memref<1x128xi32, #tpu.memory_space<vmem>>
      %dma_wait3A_167 = tpu.memref_squeeze %dma_wait3A_166 : memref<1x128xi32, #tpu.memory_space<vmem>> -> memref<128xi32, #tpu.memory_space<vmem>>
      %dma_wait3A_168 = arith.constant 0 : i32
      %dma_wait3A_169 = arith.constant 0 : i32
      %dma_wait3A_170 = tpu.memref_slice %arg9[%dma_wait3A_168, %dma_wait3A_169] : memref<10240x128xf32, #tpu.memory_space<vmem_shared>> -> memref<10240x128xf32, #tpu.memory_space<vmem_shared>>
      tpu.wait_indirect_dma semaphore(%run_scoped3A_150 : memref<!tpu.dma_semaphore, #tpu.memory_space<semaphore_mem>>) src(%dma_wait3A_164 : memref<128x128xf32, #tpu.memory_space<vmem>>) dst(%dma_wait3A_170 : memref<10240x128xf32, #tpu.memory_space<vmem_shared>>)
      tpu.yield
    }) : () -> ()
    %dma_wait3A_73 = arith.constant 39 : i32
    %dma_wait3A_74 = arith.constant 1 : i32
    %dma_wait3A_75 = arith.constant 0 : i32
    %dma_wait3A_76 = arith.constant 0 : i32
    %dma_wait3A_77 = tpu.memref_slice %arg8[%dma_wait3A_74, %dma_wait3A_75, %dma_wait3A_76] : memref<2x128x128xf32, #tpu.memory_space<vmem>> -> memref<1x128x128xf32, #tpu.memory_space<vmem>>
    %dma_wait3A_78 = tpu.memref_squeeze %dma_wait3A_77 : memref<1x128x128xf32, #tpu.memory_space<vmem>> -> memref<128x128xf32, #tpu.memory_space<vmem>>
    %dma_wait3A_79 = arith.constant 0 : i32
    %dma_wait3A_80 = tpu.memref_slice %arg6[%dma_wait3A_73, %dma_wait3A_79] : memref<40x128xi32, #tpu.memory_space<vmem>> -> memref<1x128xi32, #tpu.memory_space<vmem>>
    %dma_wait3A_81 = tpu.memref_squeeze %dma_wait3A_80 : memref<1x128xi32, #tpu.memory_space<vmem>> -> memref<128xi32, #tpu.memory_space<vmem>>
    %dma_wait3A_82 = arith.constant 0 : i32
    %dma_wait3A_83 = arith.constant 0 : i32
    %dma_wait3A_84 = tpu.memref_slice %arg2[%dma_wait3A_82, %dma_wait3A_83] : memref<10000x128xf32, #tpu.memory_space<hbm>> -> memref<10000x128xf32, #tpu.memory_space<hbm>>
    tpu.wait_indirect_dma semaphore(%arg11 : memref<!tpu.dma_semaphore, #tpu.memory_space<semaphore_mem>>) src(%dma_wait3A_84 : memref<10000x128xf32, #tpu.memory_space<hbm>>) dst(%dma_wait3A_78 : memref<128x128xf32, #tpu.memory_space<vmem>>)
    %run_scoped3A_85 = arith.constant 1 : i32
    %run_scoped3A_86 = arith.constant 39 : i32
    "tpu.region"() ({
      %run_scoped3A_150 = tpu.sem_alloc : memref<!tpu.dma_semaphore, #tpu.memory_space<semaphore_mem>>
      %dma_start3A_151 = arith.constant 0 : i32
      %dma_start3A_152 = arith.constant 0 : i32
      %dma_start3A_153 = tpu.memref_slice %arg8[%run_scoped3A_85, %dma_start3A_151, %dma_start3A_152] : memref<2x128x128xf32, #tpu.memory_space<vmem>> -> memref<1x128x128xf32, #tpu.memory_space<vmem>>
      %dma_start3A_154 = tpu.memref_squeeze %dma_start3A_153 : memref<1x128x128xf32, #tpu.memory_space<vmem>> -> memref<128x128xf32, #tpu.memory_space<vmem>>
      %dma_start3A_155 = arith.constant 0 : i32
      %dma_start3A_156 = tpu.memref_slice %arg7[%run_scoped3A_86, %dma_start3A_155] : memref<40x128xi32, #tpu.memory_space<vmem>> -> memref<1x128xi32, #tpu.memory_space<vmem>>
      %dma_start3A_157 = tpu.memref_squeeze %dma_start3A_156 : memref<1x128xi32, #tpu.memory_space<vmem>> -> memref<128xi32, #tpu.memory_space<vmem>>
      %dma_start3A_158 = arith.constant 0 : i32
      %dma_start3A_159 = arith.constant 0 : i32
      %dma_start3A_160 = tpu.memref_slice %arg9[%dma_start3A_158, %dma_start3A_159] : memref<10240x128xf32, #tpu.memory_space<vmem_shared>> -> memref<10240x128xf32, #tpu.memory_space<vmem_shared>>
      tpu.enqueue_indirect_dma source(%dma_start3A_154 : memref<128x128xf32, #tpu.memory_space<vmem>>) target(%dma_start3A_160 : memref<10240x128xf32, #tpu.memory_space<vmem_shared>>) offsets(%dma_start3A_157 : memref<128xi32, #tpu.memory_space<vmem>>) semaphore(%run_scoped3A_150 : memref<!tpu.dma_semaphore, #tpu.memory_space<semaphore_mem>>) {add = true}
      %dma_wait3A_161 = arith.constant 0 : i32
      %dma_wait3A_162 = arith.constant 0 : i32
      %dma_wait3A_163 = tpu.memref_slice %arg8[%run_scoped3A_85, %dma_wait3A_161, %dma_wait3A_162] : memref<2x128x128xf32, #tpu.memory_space<vmem>> -> memref<1x128x128xf32, #tpu.memory_space<vmem>>
      %dma_wait3A_164 = tpu.memref_squeeze %dma_wait3A_163 : memref<1x128x128xf32, #tpu.memory_space<vmem>> -> memref<128x128xf32, #tpu.memory_space<vmem>>
      %dma_wait3A_165 = arith.constant 0 : i32
      %dma_wait3A_166 = tpu.memref_slice %arg7[%run_scoped3A_86, %dma_wait3A_165] : memref<40x128xi32, #tpu.memory_space<vmem>> -> memref<1x128xi32, #tpu.memory_space<vmem>>
      %dma_wait3A_167 = tpu.memref_squeeze %dma_wait3A_166 : memref<1x128xi32, #tpu.memory_space<vmem>> -> memref<128xi32, #tpu.memory_space<vmem>>
      %dma_wait3A_168 = arith.constant 0 : i32
      %dma_wait3A_169 = arith.constant 0 : i32
      %dma_wait3A_170 = tpu.memref_slice %arg9[%dma_wait3A_168, %dma_wait3A_169] : memref<10240x128xf32, #tpu.memory_space<vmem_shared>> -> memref<10240x128xf32, #tpu.memory_space<vmem_shared>>
      tpu.wait_indirect_dma semaphore(%run_scoped3A_150 : memref<!tpu.dma_semaphore, #tpu.memory_space<semaphore_mem>>) src(%dma_wait3A_164 : memref<128x128xf32, #tpu.memory_space<vmem>>) dst(%dma_wait3A_170 : memref<10240x128xf32, #tpu.memory_space<vmem_shared>>)
      tpu.yield
    }) : () -> ()
    "tpu.region"() ({
      %run_scoped3A_150 = tpu.sem_alloc : memref<!tpu.dma_semaphore, #tpu.memory_space<semaphore_mem>>
      %dma_start3A_151 = arith.constant 40 : i32
      %dma_start3A_152 = arith.constant 0 : i32
      %dma_start3A_153 = tpu.memref_slice %arg3[%add3A, %dma_start3A_151, %dma_start3A_152] : memref<32x80x128xi32, #tpu.memory_space<hbm>> -> memref<1x40x128xi32, #tpu.memory_space<hbm>>
      %dma_start3A_154 = tpu.memref_squeeze %dma_start3A_153 : memref<1x40x128xi32, #tpu.memory_space<hbm>> -> memref<40x128xi32, #tpu.memory_space<hbm>>
      %dma_start3A_155 = arith.constant 40 : i32
      %dma_start3A_156 = arith.constant 0 : i32
      %dma_start3A_157 = tpu.memref_slice %arg3[%add3A, %dma_start3A_155, %dma_start3A_156] : memref<32x80x128xi32, #tpu.memory_space<hbm>> -> memref<1x40x128xi32, #tpu.memory_space<hbm>>
      %dma_start3A_158 = tpu.memref_squeeze %dma_start3A_157 : memref<1x40x128xi32, #tpu.memory_space<hbm>> -> memref<40x128xi32, #tpu.memory_space<hbm>>
      tpu.enqueue_dma source(%dma_start3A_158 : memref<40x128xi32, #tpu.memory_space<hbm>>) target(%arg6 : memref<40x128xi32, #tpu.memory_space<vmem>>) target_semaphore(%run_scoped3A_150 : memref<!tpu.dma_semaphore, #tpu.memory_space<semaphore_mem>>)
      %dma_wait3A_159 = arith.constant 40 : i32
      %dma_wait3A_160 = arith.constant 0 : i32
      %dma_wait3A_161 = tpu.memref_slice %arg3[%add3A, %dma_wait3A_159, %dma_wait3A_160] : memref<32x80x128xi32, #tpu.memory_space<hbm>> -> memref<1x40x128xi32, #tpu.memory_space<hbm>>
      %dma_wait3A_162 = tpu.memref_squeeze %dma_wait3A_161 : memref<1x40x128xi32, #tpu.memory_space<hbm>> -> memref<40x128xi32, #tpu.memory_space<hbm>>
      %dma_wait3A_163 = arith.constant 40 : i32
      %dma_wait3A_164 = arith.constant 0 : i32
      %dma_wait3A_165 = tpu.memref_slice %arg3[%add3A, %dma_wait3A_163, %dma_wait3A_164] : memref<32x80x128xi32, #tpu.memory_space<hbm>> -> memref<1x40x128xi32, #tpu.memory_space<hbm>>
      %dma_wait3A_166 = tpu.memref_squeeze %dma_wait3A_165 : memref<1x40x128xi32, #tpu.memory_space<hbm>> -> memref<40x128xi32, #tpu.memory_space<hbm>>
      tpu.wait_dma2 semaphore(%run_scoped3A_150 : memref<!tpu.dma_semaphore, #tpu.memory_space<semaphore_mem>>) src(%dma_wait3A_166 : memref<40x128xi32, #tpu.memory_space<hbm>>) dst(%arg6 : memref<40x128xi32, #tpu.memory_space<vmem>>)
      tpu.yield
    }) : () -> ()
    "tpu.region"() ({
      %run_scoped3A_150 = tpu.sem_alloc : memref<!tpu.dma_semaphore, #tpu.memory_space<semaphore_mem>>
      %dma_start3A_151 = arith.constant 40 : i32
      %dma_start3A_152 = arith.constant 0 : i32
      %dma_start3A_153 = tpu.memref_slice %arg4[%add3A, %dma_start3A_151, %dma_start3A_152] : memref<32x80x128xi32, #tpu.memory_space<hbm>> -> memref<1x40x128xi32, #tpu.memory_space<hbm>>
      %dma_start3A_154 = tpu.memref_squeeze %dma_start3A_153 : memref<1x40x128xi32, #tpu.memory_space<hbm>> -> memref<40x128xi32, #tpu.memory_space<hbm>>
      %dma_start3A_155 = arith.constant 40 : i32
      %dma_start3A_156 = arith.constant 0 : i32
      %dma_start3A_157 = tpu.memref_slice %arg4[%add3A, %dma_start3A_155, %dma_start3A_156] : memref<32x80x128xi32, #tpu.memory_space<hbm>> -> memref<1x40x128xi32, #tpu.memory_space<hbm>>
      %dma_start3A_158 = tpu.memref_squeeze %dma_start3A_157 : memref<1x40x128xi32, #tpu.memory_space<hbm>> -> memref<40x128xi32, #tpu.memory_space<hbm>>
      tpu.enqueue_dma source(%dma_start3A_158 : memref<40x128xi32, #tpu.memory_space<hbm>>) target(%arg7 : memref<40x128xi32, #tpu.memory_space<vmem>>) target_semaphore(%run_scoped3A_150 : memref<!tpu.dma_semaphore, #tpu.memory_space<semaphore_mem>>)
      %dma_wait3A_159 = arith.constant 40 : i32
      %dma_wait3A_160 = arith.constant 0 : i32
      %dma_wait3A_161 = tpu.memref_slice %arg4[%add3A, %dma_wait3A_159, %dma_wait3A_160] : memref<32x80x128xi32, #tpu.memory_space<hbm>> -> memref<1x40x128xi32, #tpu.memory_space<hbm>>
      %dma_wait3A_162 = tpu.memref_squeeze %dma_wait3A_161 : memref<1x40x128xi32, #tpu.memory_space<hbm>> -> memref<40x128xi32, #tpu.memory_space<hbm>>
      %dma_wait3A_163 = arith.constant 40 : i32
      %dma_wait3A_164 = arith.constant 0 : i32
      %dma_wait3A_165 = tpu.memref_slice %arg4[%add3A, %dma_wait3A_163, %dma_wait3A_164] : memref<32x80x128xi32, #tpu.memory_space<hbm>> -> memref<1x40x128xi32, #tpu.memory_space<hbm>>
      %dma_wait3A_166 = tpu.memref_squeeze %dma_wait3A_165 : memref<1x40x128xi32, #tpu.memory_space<hbm>> -> memref<40x128xi32, #tpu.memory_space<hbm>>
      tpu.wait_dma2 semaphore(%run_scoped3A_150 : memref<!tpu.dma_semaphore, #tpu.memory_space<semaphore_mem>>) src(%dma_wait3A_166 : memref<40x128xi32, #tpu.memory_space<hbm>>) dst(%arg7 : memref<40x128xi32, #tpu.memory_space<vmem>>)
      tpu.yield
    }) : () -> ()
    %dma_start3A_87 = arith.constant 0 : i32
    %dma_start3A_88 = arith.constant 0 : i32
    %dma_start3A_89 = arith.constant 0 : i32
    %dma_start3A_90 = arith.constant 0 : i32
    %dma_start3A_91 = tpu.memref_slice %arg8[%dma_start3A_88, %dma_start3A_89, %dma_start3A_90] : memref<2x128x128xf32, #tpu.memory_space<vmem>> -> memref<1x128x128xf32, #tpu.memory_space<vmem>>
    %dma_start3A_92 = tpu.memref_squeeze %dma_start3A_91 : memref<1x128x128xf32, #tpu.memory_space<vmem>> -> memref<128x128xf32, #tpu.memory_space<vmem>>
    %dma_start3A_93 = arith.constant 0 : i32
    %dma_start3A_94 = tpu.memref_slice %arg6[%dma_start3A_87, %dma_start3A_93] : memref<40x128xi32, #tpu.memory_space<vmem>> -> memref<1x128xi32, #tpu.memory_space<vmem>>
    %dma_start3A_95 = tpu.memref_squeeze %dma_start3A_94 : memref<1x128xi32, #tpu.memory_space<vmem>> -> memref<128xi32, #tpu.memory_space<vmem>>
    %dma_start3A_96 = arith.constant 0 : i32
    %dma_start3A_97 = arith.constant 0 : i32
    %dma_start3A_98 = tpu.memref_slice %arg2[%dma_start3A_96, %dma_start3A_97] : memref<10000x128xf32, #tpu.memory_space<hbm>> -> memref<10000x128xf32, #tpu.memory_space<hbm>>
    tpu.enqueue_indirect_dma source(%dma_start3A_98 : memref<10000x128xf32, #tpu.memory_space<hbm>>) target(%dma_start3A_92 : memref<128x128xf32, #tpu.memory_space<vmem>>) offsets(%dma_start3A_95 : memref<128xi32, #tpu.memory_space<vmem>>) semaphore(%arg10 : memref<!tpu.dma_semaphore, #tpu.memory_space<semaphore_mem>>)
    %dma_start3A_99 = arith.constant 1 : i32
    %dma_start3A_100 = arith.constant 1 : i32
    %dma_start3A_101 = arith.constant 0 : i32
    %dma_start3A_102 = arith.constant 0 : i32
    %dma_start3A_103 = tpu.memref_slice %arg8[%dma_start3A_100, %dma_start3A_101, %dma_start3A_102] : memref<2x128x128xf32, #tpu.memory_space<vmem>> -> memref<1x128x128xf32, #tpu.memory_space<vmem>>
    %dma_start3A_104 = tpu.memref_squeeze %dma_start3A_103 : memref<1x128x128xf32, #tpu.memory_space<vmem>> -> memref<128x128xf32, #tpu.memory_space<vmem>>
    %dma_start3A_105 = arith.constant 0 : i32
    %dma_start3A_106 = tpu.memref_slice %arg6[%dma_start3A_99, %dma_start3A_105] : memref<40x128xi32, #tpu.memory_space<vmem>> -> memref<1x128xi32, #tpu.memory_space<vmem>>
    %dma_start3A_107 = tpu.memref_squeeze %dma_start3A_106 : memref<1x128xi32, #tpu.memory_space<vmem>> -> memref<128xi32, #tpu.memory_space<vmem>>
    %dma_start3A_108 = arith.constant 0 : i32
    %dma_start3A_109 = arith.constant 0 : i32
    %dma_start3A_110 = tpu.memref_slice %arg2[%dma_start3A_108, %dma_start3A_109] : memref<10000x128xf32, #tpu.memory_space<hbm>> -> memref<10000x128xf32, #tpu.memory_space<hbm>>
    tpu.enqueue_indirect_dma source(%dma_start3A_110 : memref<10000x128xf32, #tpu.memory_space<hbm>>) target(%dma_start3A_104 : memref<128x128xf32, #tpu.memory_space<vmem>>) offsets(%dma_start3A_107 : memref<128xi32, #tpu.memory_space<vmem>>) semaphore(%arg11 : memref<!tpu.dma_semaphore, #tpu.memory_space<semaphore_mem>>)
    %scan3A_111 = arith.constant 0 : i32
    %scan3A_112 = arith.constant 0 : i32
    %scan3A_113 = arith.constant 19 : i32
    %scan3A_114 = arith.addi %scan3A_112, %scan3A_113 : i32
    %scan3A_115 = arith.constant 1 : i32
    scf.for %scan3A_150 = %scan3A_112 to %scan3A_114 step %scan3A_115  : i32 {
      %mul3A_151 = arith.constant 2 : i32
      %mul3A_152 = arith.muli %scan3A_150, %mul3A_151 : i32
      %add3A_153 = arith.constant 0 : i32
      %add3A_154 = arith.addi %mul3A_152, %add3A_153 : i32
      %dma_wait3A_155 = arith.constant 0 : i32
      %dma_wait3A_156 = arith.constant 0 : i32
      %dma_wait3A_157 = arith.constant 0 : i32
      %dma_wait3A_158 = tpu.memref_slice %arg8[%dma_wait3A_155, %dma_wait3A_156, %dma_wait3A_157] : memref<2x128x128xf32, #tpu.memory_space<vmem>> -> memref<1x128x128xf32, #tpu.memory_space<vmem>>
      %dma_wait3A_159 = tpu.memref_squeeze %dma_wait3A_158 : memref<1x128x128xf32, #tpu.memory_space<vmem>> -> memref<128x128xf32, #tpu.memory_space<vmem>>
      %dma_wait3A_160 = arith.constant 0 : i32
      %dma_wait3A_161 = tpu.memref_slice %arg6[%add3A_154, %dma_wait3A_160] : memref<40x128xi32, #tpu.memory_space<vmem>> -> memref<1x128xi32, #tpu.memory_space<vmem>>
      %dma_wait3A_162 = tpu.memref_squeeze %dma_wait3A_161 : memref<1x128xi32, #tpu.memory_space<vmem>> -> memref<128xi32, #tpu.memory_space<vmem>>
      %dma_wait3A_163 = arith.constant 0 : i32
      %dma_wait3A_164 = arith.constant 0 : i32
      %dma_wait3A_165 = tpu.memref_slice %arg2[%dma_wait3A_163, %dma_wait3A_164] : memref<10000x128xf32, #tpu.memory_space<hbm>> -> memref<10000x128xf32, #tpu.memory_space<hbm>>
      tpu.wait_indirect_dma semaphore(%arg10 : memref<!tpu.dma_semaphore, #tpu.memory_space<semaphore_mem>>) src(%dma_wait3A_165 : memref<10000x128xf32, #tpu.memory_space<hbm>>) dst(%dma_wait3A_159 : memref<128x128xf32, #tpu.memory_space<vmem>>)
      %run_scoped3A_166 = arith.constant 0 : i32
      "tpu.region"() ({
        %run_scoped3A_209 = tpu.sem_alloc : memref<!tpu.dma_semaphore, #tpu.memory_space<semaphore_mem>>
        %dma_start3A_210 = arith.constant 0 : i32
        %dma_start3A_211 = arith.constant 0 : i32
        %dma_start3A_212 = tpu.memref_slice %arg8[%run_scoped3A_166, %dma_start3A_210, %dma_start3A_211] : memref<2x128x128xf32, #tpu.memory_space<vmem>> -> memref<1x128x128xf32, #tpu.memory_space<vmem>>
        %dma_start3A_213 = tpu.memref_squeeze %dma_start3A_212 : memref<1x128x128xf32, #tpu.memory_space<vmem>> -> memref<128x128xf32, #tpu.memory_space<vmem>>
        %dma_start3A_214 = arith.constant 0 : i32
        %dma_start3A_215 = tpu.memref_slice %arg7[%add3A_154, %dma_start3A_214] : memref<40x128xi32, #tpu.memory_space<vmem>> -> memref<1x128xi32, #tpu.memory_space<vmem>>
        %dma_start3A_216 = tpu.memref_squeeze %dma_start3A_215 : memref<1x128xi32, #tpu.memory_space<vmem>> -> memref<128xi32, #tpu.memory_space<vmem>>
        %dma_start3A_217 = arith.constant 0 : i32
        %dma_start3A_218 = arith.constant 0 : i32
        %dma_start3A_219 = tpu.memref_slice %arg9[%dma_start3A_217, %dma_start3A_218] : memref<10240x128xf32, #tpu.memory_space<vmem_shared>> -> memref<10240x128xf32, #tpu.memory_space<vmem_shared>>
        tpu.enqueue_indirect_dma source(%dma_start3A_213 : memref<128x128xf32, #tpu.memory_space<vmem>>) target(%dma_start3A_219 : memref<10240x128xf32, #tpu.memory_space<vmem_shared>>) offsets(%dma_start3A_216 : memref<128xi32, #tpu.memory_space<vmem>>) semaphore(%run_scoped3A_209 : memref<!tpu.dma_semaphore, #tpu.memory_space<semaphore_mem>>) {add = true}
        %dma_wait3A_220 = arith.constant 0 : i32
        %dma_wait3A_221 = arith.constant 0 : i32
        %dma_wait3A_222 = tpu.memref_slice %arg8[%run_scoped3A_166, %dma_wait3A_220, %dma_wait3A_221] : memref<2x128x128xf32, #tpu.memory_space<vmem>> -> memref<1x128x128xf32, #tpu.memory_space<vmem>>
        %dma_wait3A_223 = tpu.memref_squeeze %dma_wait3A_222 : memref<1x128x128xf32, #tpu.memory_space<vmem>> -> memref<128x128xf32, #tpu.memory_space<vmem>>
        %dma_wait3A_224 = arith.constant 0 : i32
        %dma_wait3A_225 = tpu.memref_slice %arg7[%add3A_154, %dma_wait3A_224] : memref<40x128xi32, #tpu.memory_space<vmem>> -> memref<1x128xi32, #tpu.memory_space<vmem>>
        %dma_wait3A_226 = tpu.memref_squeeze %dma_wait3A_225 : memref<1x128xi32, #tpu.memory_space<vmem>> -> memref<128xi32, #tpu.memory_space<vmem>>
        %dma_wait3A_227 = arith.constant 0 : i32
        %dma_wait3A_228 = arith.constant 0 : i32
        %dma_wait3A_229 = tpu.memref_slice %arg9[%dma_wait3A_227, %dma_wait3A_228] : memref<10240x128xf32, #tpu.memory_space<vmem_shared>> -> memref<10240x128xf32, #tpu.memory_space<vmem_shared>>
        tpu.wait_indirect_dma semaphore(%run_scoped3A_209 : memref<!tpu.dma_semaphore, #tpu.memory_space<semaphore_mem>>) src(%dma_wait3A_223 : memref<128x128xf32, #tpu.memory_space<vmem>>) dst(%dma_wait3A_229 : memref<10240x128xf32, #tpu.memory_space<vmem_shared>>)
        tpu.yield
      }) : () -> ()
      %add3A_167 = arith.constant 2 : i32
      %add3A_168 = arith.addi %add3A_154, %add3A_167 : i32
      %dma_start3A_169 = arith.constant 0 : i32
      %dma_start3A_170 = arith.constant 0 : i32
      %dma_start3A_171 = arith.constant 0 : i32
      %dma_start3A_172 = tpu.memref_slice %arg8[%dma_start3A_169, %dma_start3A_170, %dma_start3A_171] : memref<2x128x128xf32, #tpu.memory_space<vmem>> -> memref<1x128x128xf32, #tpu.memory_space<vmem>>
      %dma_start3A_173 = tpu.memref_squeeze %dma_start3A_172 : memref<1x128x128xf32, #tpu.memory_space<vmem>> -> memref<128x128xf32, #tpu.memory_space<vmem>>
      %dma_start3A_174 = arith.constant 0 : i32
      %dma_start3A_175 = tpu.memref_slice %arg6[%add3A_168, %dma_start3A_174] : memref<40x128xi32, #tpu.memory_space<vmem>> -> memref<1x128xi32, #tpu.memory_space<vmem>>
      %dma_start3A_176 = tpu.memref_squeeze %dma_start3A_175 : memref<1x128xi32, #tpu.memory_space<vmem>> -> memref<128xi32, #tpu.memory_space<vmem>>
      %dma_start3A_177 = arith.constant 0 : i32
      %dma_start3A_178 = arith.constant 0 : i32
      %dma_start3A_179 = tpu.memref_slice %arg2[%dma_start3A_177, %dma_start3A_178] : memref<10000x128xf32, #tpu.memory_space<hbm>> -> memref<10000x128xf32, #tpu.memory_space<hbm>>
      tpu.enqueue_indirect_dma source(%dma_start3A_179 : memref<10000x128xf32, #tpu.memory_space<hbm>>) target(%dma_start3A_173 : memref<128x128xf32, #tpu.memory_space<vmem>>) offsets(%dma_start3A_176 : memref<128xi32, #tpu.memory_space<vmem>>) semaphore(%arg10 : memref<!tpu.dma_semaphore, #tpu.memory_space<semaphore_mem>>)
      %mul3A_180 = arith.constant 2 : i32
      %mul3A_181 = arith.muli %scan3A_150, %mul3A_180 : i32
      %add3A_182 = arith.constant 1 : i32
      %add3A_183 = arith.addi %mul3A_181, %add3A_182 : i32
      %dma_wait3A_184 = arith.constant 1 : i32
      %dma_wait3A_185 = arith.constant 0 : i32
      %dma_wait3A_186 = arith.constant 0 : i32
      %dma_wait3A_187 = tpu.memref_slice %arg8[%dma_wait3A_184, %dma_wait3A_185, %dma_wait3A_186] : memref<2x128x128xf32, #tpu.memory_space<vmem>> -> memref<1x128x128xf32, #tpu.memory_space<vmem>>
      %dma_wait3A_188 = tpu.memref_squeeze %dma_wait3A_187 : memref<1x128x128xf32, #tpu.memory_space<vmem>> -> memref<128x128xf32, #tpu.memory_space<vmem>>
      %dma_wait3A_189 = arith.constant 0 : i32
      %dma_wait3A_190 = tpu.memref_slice %arg6[%add3A_183, %dma_wait3A_189] : memref<40x128xi32, #tpu.memory_space<vmem>> -> memref<1x128xi32, #tpu.memory_space<vmem>>
      %dma_wait3A_191 = tpu.memref_squeeze %dma_wait3A_190 : memref<1x128xi32, #tpu.memory_space<vmem>> -> memref<128xi32, #tpu.memory_space<vmem>>
      %dma_wait3A_192 = arith.constant 0 : i32
      %dma_wait3A_193 = arith.constant 0 : i32
      %dma_wait3A_194 = tpu.memref_slice %arg2[%dma_wait3A_192, %dma_wait3A_193] : memref<10000x128xf32, #tpu.memory_space<hbm>> -> memref<10000x128xf32, #tpu.memory_space<hbm>>
      tpu.wait_indirect_dma semaphore(%arg11 : memref<!tpu.dma_semaphore, #tpu.memory_space<semaphore_mem>>) src(%dma_wait3A_194 : memref<10000x128xf32, #tpu.memory_space<hbm>>) dst(%dma_wait3A_188 : memref<128x128xf32, #tpu.memory_space<vmem>>)
      %run_scoped3A_195 = arith.constant 1 : i32
      "tpu.region"() ({
        %run_scoped3A_209 = tpu.sem_alloc : memref<!tpu.dma_semaphore, #tpu.memory_space<semaphore_mem>>
        %dma_start3A_210 = arith.constant 0 : i32
        %dma_start3A_211 = arith.constant 0 : i32
        %dma_start3A_212 = tpu.memref_slice %arg8[%run_scoped3A_195, %dma_start3A_210, %dma_start3A_211] : memref<2x128x128xf32, #tpu.memory_space<vmem>> -> memref<1x128x128xf32, #tpu.memory_space<vmem>>
        %dma_start3A_213 = tpu.memref_squeeze %dma_start3A_212 : memref<1x128x128xf32, #tpu.memory_space<vmem>> -> memref<128x128xf32, #tpu.memory_space<vmem>>
        %dma_start3A_214 = arith.constant 0 : i32
        %dma_start3A_215 = tpu.memref_slice %arg7[%add3A_183, %dma_start3A_214] : memref<40x128xi32, #tpu.memory_space<vmem>> -> memref<1x128xi32, #tpu.memory_space<vmem>>
        %dma_start3A_216 = tpu.memref_squeeze %dma_start3A_215 : memref<1x128xi32, #tpu.memory_space<vmem>> -> memref<128xi32, #tpu.memory_space<vmem>>
        %dma_start3A_217 = arith.constant 0 : i32
        %dma_start3A_218 = arith.constant 0 : i32
        %dma_start3A_219 = tpu.memref_slice %arg9[%dma_start3A_217, %dma_start3A_218] : memref<10240x128xf32, #tpu.memory_space<vmem_shared>> -> memref<10240x128xf32, #tpu.memory_space<vmem_shared>>
        tpu.enqueue_indirect_dma source(%dma_start3A_213 : memref<128x128xf32, #tpu.memory_space<vmem>>) target(%dma_start3A_219 : memref<10240x128xf32, #tpu.memory_space<vmem_shared>>) offsets(%dma_start3A_216 : memref<128xi32, #tpu.memory_space<vmem>>) semaphore(%run_scoped3A_209 : memref<!tpu.dma_semaphore, #tpu.memory_space<semaphore_mem>>) {add = true}
        %dma_wait3A_220 = arith.constant 0 : i32
        %dma_wait3A_221 = arith.constant 0 : i32
        %dma_wait3A_222 = tpu.memref_slice %arg8[%run_scoped3A_195, %dma_wait3A_220, %dma_wait3A_221] : memref<2x128x128xf32, #tpu.memory_space<vmem>> -> memref<1x128x128xf32, #tpu.memory_space<vmem>>
        %dma_wait3A_223 = tpu.memref_squeeze %dma_wait3A_222 : memref<1x128x128xf32, #tpu.memory_space<vmem>> -> memref<128x128xf32, #tpu.memory_space<vmem>>
        %dma_wait3A_224 = arith.constant 0 : i32
        %dma_wait3A_225 = tpu.memref_slice %arg7[%add3A_183, %dma_wait3A_224] : memref<40x128xi32, #tpu.memory_space<vmem>> -> memref<1x128xi32, #tpu.memory_space<vmem>>
        %dma_wait3A_226 = tpu.memref_squeeze %dma_wait3A_225 : memref<1x128xi32, #tpu.memory_space<vmem>> -> memref<128xi32, #tpu.memory_space<vmem>>
        %dma_wait3A_227 = arith.constant 0 : i32
        %dma_wait3A_228 = arith.constant 0 : i32
        %dma_wait3A_229 = tpu.memref_slice %arg9[%dma_wait3A_227, %dma_wait3A_228] : memref<10240x128xf32, #tpu.memory_space<vmem_shared>> -> memref<10240x128xf32, #tpu.memory_space<vmem_shared>>
        tpu.wait_indirect_dma semaphore(%run_scoped3A_209 : memref<!tpu.dma_semaphore, #tpu.memory_space<semaphore_mem>>) src(%dma_wait3A_223 : memref<128x128xf32, #tpu.memory_space<vmem>>) dst(%dma_wait3A_229 : memref<10240x128xf32, #tpu.memory_space<vmem_shared>>)
        tpu.yield
      }) : () -> ()
      %add3A_196 = arith.constant 2 : i32
      %add3A_197 = arith.addi %add3A_183, %add3A_196 : i32
      %dma_start3A_198 = arith.constant 1 : i32
      %dma_start3A_199 = arith.constant 0 : i32
      %dma_start3A_200 = arith.constant 0 : i32
      %dma_start3A_201 = tpu.memref_slice %arg8[%dma_start3A_198, %dma_start3A_199, %dma_start3A_200] : memref<2x128x128xf32, #tpu.memory_space<vmem>> -> memref<1x128x128xf32, #tpu.memory_space<vmem>>
      %dma_start3A_202 = tpu.memref_squeeze %dma_start3A_201 : memref<1x128x128xf32, #tpu.memory_space<vmem>> -> memref<128x128xf32, #tpu.memory_space<vmem>>
      %dma_start3A_203 = arith.constant 0 : i32
      %dma_start3A_204 = tpu.memref_slice %arg6[%add3A_197, %dma_start3A_203] : memref<40x128xi32, #tpu.memory_space<vmem>> -> memref<1x128xi32, #tpu.memory_space<vmem>>
      %dma_start3A_205 = tpu.memref_squeeze %dma_start3A_204 : memref<1x128xi32, #tpu.memory_space<vmem>> -> memref<128xi32, #tpu.memory_space<vmem>>
      %dma_start3A_206 = arith.constant 0 : i32
      %dma_start3A_207 = arith.constant 0 : i32
      %dma_start3A_208 = tpu.memref_slice %arg2[%dma_start3A_206, %dma_start3A_207] : memref<10000x128xf32, #tpu.memory_space<hbm>> -> memref<10000x128xf32, #tpu.memory_space<hbm>>
      tpu.enqueue_indirect_dma source(%dma_start3A_208 : memref<10000x128xf32, #tpu.memory_space<hbm>>) target(%dma_start3A_202 : memref<128x128xf32, #tpu.memory_space<vmem>>) offsets(%dma_start3A_205 : memref<128xi32, #tpu.memory_space<vmem>>) semaphore(%arg11 : memref<!tpu.dma_semaphore, #tpu.memory_space<semaphore_mem>>)
    }
    %scan3A_116 = arith.constant 19 : i32
    %dma_wait3A_117 = arith.constant 38 : i32
    %dma_wait3A_118 = arith.constant 0 : i32
    %dma_wait3A_119 = arith.constant 0 : i32
    %dma_wait3A_120 = arith.constant 0 : i32
    %dma_wait3A_121 = tpu.memref_slice %arg8[%dma_wait3A_118, %dma_wait3A_119, %dma_wait3A_120] : memref<2x128x128xf32, #tpu.memory_space<vmem>> -> memref<1x128x128xf32, #tpu.memory_space<vmem>>
    %dma_wait3A_122 = tpu.memref_squeeze %dma_wait3A_121 : memref<1x128x128xf32, #tpu.memory_space<vmem>> -> memref<128x128xf32, #tpu.memory_space<vmem>>
    %dma_wait3A_123 = arith.constant 0 : i32
    %dma_wait3A_124 = tpu.memref_slice %arg6[%dma_wait3A_117, %dma_wait3A_123] : memref<40x128xi32, #tpu.memory_space<vmem>> -> memref<1x128xi32, #tpu.memory_space<vmem>>
    %dma_wait3A_125 = tpu.memref_squeeze %dma_wait3A_124 : memref<1x128xi32, #tpu.memory_space<vmem>> -> memref<128xi32, #tpu.memory_space<vmem>>
    %dma_wait3A_126 = arith.constant 0 : i32
    %dma_wait3A_127 = arith.constant 0 : i32
    %dma_wait3A_128 = tpu.memref_slice %arg2[%dma_wait3A_126, %dma_wait3A_127] : memref<10000x128xf32, #tpu.memory_space<hbm>> -> memref<10000x128xf32, #tpu.memory_space<hbm>>
    tpu.wait_indirect_dma semaphore(%arg10 : memref<!tpu.dma_semaphore, #tpu.memory_space<semaphore_mem>>) src(%dma_wait3A_128 : memref<10000x128xf32, #tpu.memory_space<hbm>>) dst(%dma_wait3A_122 : memref<128x128xf32, #tpu.memory_space<vmem>>)
    %run_scoped3A_129 = arith.constant 0 : i32
    %run_scoped3A_130 = arith.constant 38 : i32
    "tpu.region"() ({
      %run_scoped3A_150 = tpu.sem_alloc : memref<!tpu.dma_semaphore, #tpu.memory_space<semaphore_mem>>
      %dma_start3A_151 = arith.constant 0 : i32
      %dma_start3A_152 = arith.constant 0 : i32
      %dma_start3A_153 = tpu.memref_slice %arg8[%run_scoped3A_129, %dma_start3A_151, %dma_start3A_152] : memref<2x128x128xf32, #tpu.memory_space<vmem>> -> memref<1x128x128xf32, #tpu.memory_space<vmem>>
      %dma_start3A_154 = tpu.memref_squeeze %dma_start3A_153 : memref<1x128x128xf32, #tpu.memory_space<vmem>> -> memref<128x128xf32, #tpu.memory_space<vmem>>
      %dma_start3A_155 = arith.constant 0 : i32
      %dma_start3A_156 = tpu.memref_slice %arg7[%run_scoped3A_130, %dma_start3A_155] : memref<40x128xi32, #tpu.memory_space<vmem>> -> memref<1x128xi32, #tpu.memory_space<vmem>>
      %dma_start3A_157 = tpu.memref_squeeze %dma_start3A_156 : memref<1x128xi32, #tpu.memory_space<vmem>> -> memref<128xi32, #tpu.memory_space<vmem>>
      %dma_start3A_158 = arith.constant 0 : i32
      %dma_start3A_159 = arith.constant 0 : i32
      %dma_start3A_160 = tpu.memref_slice %arg9[%dma_start3A_158, %dma_start3A_159] : memref<10240x128xf32, #tpu.memory_space<vmem_shared>> -> memref<10240x128xf32, #tpu.memory_space<vmem_shared>>
      tpu.enqueue_indirect_dma source(%dma_start3A_154 : memref<128x128xf32, #tpu.memory_space<vmem>>) target(%dma_start3A_160 : memref<10240x128xf32, #tpu.memory_space<vmem_shared>>) offsets(%dma_start3A_157 : memref<128xi32, #tpu.memory_space<vmem>>) semaphore(%run_scoped3A_150 : memref<!tpu.dma_semaphore, #tpu.memory_space<semaphore_mem>>) {add = true}
      %dma_wait3A_161 = arith.constant 0 : i32
      %dma_wait3A_162 = arith.constant 0 : i32
      %dma_wait3A_163 = tpu.memref_slice %arg8[%run_scoped3A_129, %dma_wait3A_161, %dma_wait3A_162] : memref<2x128x128xf32, #tpu.memory_space<vmem>> -> memref<1x128x128xf32, #tpu.memory_space<vmem>>
      %dma_wait3A_164 = tpu.memref_squeeze %dma_wait3A_163 : memref<1x128x128xf32, #tpu.memory_space<vmem>> -> memref<128x128xf32, #tpu.memory_space<vmem>>
      %dma_wait3A_165 = arith.constant 0 : i32
      %dma_wait3A_166 = tpu.memref_slice %arg7[%run_scoped3A_130, %dma_wait3A_165] : memref<40x128xi32, #tpu.memory_space<vmem>> -> memref<1x128xi32, #tpu.memory_space<vmem>>
      %dma_wait3A_167 = tpu.memref_squeeze %dma_wait3A_166 : memref<1x128xi32, #tpu.memory_space<vmem>> -> memref<128xi32, #tpu.memory_space<vmem>>
      %dma_wait3A_168 = arith.constant 0 : i32
      %dma_wait3A_169 = arith.constant 0 : i32
      %dma_wait3A_170 = tpu.memref_slice %arg9[%dma_wait3A_168, %dma_wait3A_169] : memref<10240x128xf32, #tpu.memory_space<vmem_shared>> -> memref<10240x128xf32, #tpu.memory_space<vmem_shared>>
      tpu.wait_indirect_dma semaphore(%run_scoped3A_150 : memref<!tpu.dma_semaphore, #tpu.memory_space<semaphore_mem>>) src(%dma_wait3A_164 : memref<128x128xf32, #tpu.memory_space<vmem>>) dst(%dma_wait3A_170 : memref<10240x128xf32, #tpu.memory_space<vmem_shared>>)
      tpu.yield
    }) : () -> ()
    %dma_wait3A_131 = arith.constant 39 : i32
    %dma_wait3A_132 = arith.constant 1 : i32
    %dma_wait3A_133 = arith.constant 0 : i32
    %dma_wait3A_134 = arith.constant 0 : i32
    %dma_wait3A_135 = tpu.memref_slice %arg8[%dma_wait3A_132, %dma_wait3A_133, %dma_wait3A_134] : memref<2x128x128xf32, #tpu.memory_space<vmem>> -> memref<1x128x128xf32, #tpu.memory_space<vmem>>
    %dma_wait3A_136 = tpu.memref_squeeze %dma_wait3A_135 : memref<1x128x128xf32, #tpu.memory_space<vmem>> -> memref<128x128xf32, #tpu.memory_space<vmem>>
    %dma_wait3A_137 = arith.constant 0 : i32
    %dma_wait3A_138 = tpu.memref_slice %arg6[%dma_wait3A_131, %dma_wait3A_137] : memref<40x128xi32, #tpu.memory_space<vmem>> -> memref<1x128xi32, #tpu.memory_space<vmem>>
    %dma_wait3A_139 = tpu.memref_squeeze %dma_wait3A_138 : memref<1x128xi32, #tpu.memory_space<vmem>> -> memref<128xi32, #tpu.memory_space<vmem>>
    %dma_wait3A_140 = arith.constant 0 : i32
    %dma_wait3A_141 = arith.constant 0 : i32
    %dma_wait3A_142 = tpu.memref_slice %arg2[%dma_wait3A_140, %dma_wait3A_141] : memref<10000x128xf32, #tpu.memory_space<hbm>> -> memref<10000x128xf32, #tpu.memory_space<hbm>>
    tpu.wait_indirect_dma semaphore(%arg11 : memref<!tpu.dma_semaphore, #tpu.memory_space<semaphore_mem>>) src(%dma_wait3A_142 : memref<10000x128xf32, #tpu.memory_space<hbm>>) dst(%dma_wait3A_136 : memref<128x128xf32, #tpu.memory_space<vmem>>)
    %run_scoped3A_143 = arith.constant 1 : i32
    %run_scoped3A_144 = arith.constant 39 : i32
    "tpu.region"() ({
      %run_scoped3A_150 = tpu.sem_alloc : memref<!tpu.dma_semaphore, #tpu.memory_space<semaphore_mem>>
      %dma_start3A_151 = arith.constant 0 : i32
      %dma_start3A_152 = arith.constant 0 : i32
      %dma_start3A_153 = tpu.memref_slice %arg8[%run_scoped3A_143, %dma_start3A_151, %dma_start3A_152] : memref<2x128x128xf32, #tpu.memory_space<vmem>> -> memref<1x128x128xf32, #tpu.memory_space<vmem>>
      %dma_start3A_154 = tpu.memref_squeeze %dma_start3A_153 : memref<1x128x128xf32, #tpu.memory_space<vmem>> -> memref<128x128xf32, #tpu.memory_space<vmem>>
      %dma_start3A_155 = arith.constant 0 : i32
      %dma_start3A_156 = tpu.memref_slice %arg7[%run_scoped3A_144, %dma_start3A_155] : memref<40x128xi32, #tpu.memory_space<vmem>> -> memref<1x128xi32, #tpu.memory_space<vmem>>
      %dma_start3A_157 = tpu.memref_squeeze %dma_start3A_156 : memref<1x128xi32, #tpu.memory_space<vmem>> -> memref<128xi32, #tpu.memory_space<vmem>>
      %dma_start3A_158 = arith.constant 0 : i32
      %dma_start3A_159 = arith.constant 0 : i32
      %dma_start3A_160 = tpu.memref_slice %arg9[%dma_start3A_158, %dma_start3A_159] : memref<10240x128xf32, #tpu.memory_space<vmem_shared>> -> memref<10240x128xf32, #tpu.memory_space<vmem_shared>>
      tpu.enqueue_indirect_dma source(%dma_start3A_154 : memref<128x128xf32, #tpu.memory_space<vmem>>) target(%dma_start3A_160 : memref<10240x128xf32, #tpu.memory_space<vmem_shared>>) offsets(%dma_start3A_157 : memref<128xi32, #tpu.memory_space<vmem>>) semaphore(%run_scoped3A_150 : memref<!tpu.dma_semaphore, #tpu.memory_space<semaphore_mem>>) {add = true}
      %dma_wait3A_161 = arith.constant 0 : i32
      %dma_wait3A_162 = arith.constant 0 : i32
      %dma_wait3A_163 = tpu.memref_slice %arg8[%run_scoped3A_143, %dma_wait3A_161, %dma_wait3A_162] : memref<2x128x128xf32, #tpu.memory_space<vmem>> -> memref<1x128x128xf32, #tpu.memory_space<vmem>>
      %dma_wait3A_164 = tpu.memref_squeeze %dma_wait3A_163 : memref<1x128x128xf32, #tpu.memory_space<vmem>> -> memref<128x128xf32, #tpu.memory_space<vmem>>
      %dma_wait3A_165 = arith.constant 0 : i32
      %dma_wait3A_166 = tpu.memref_slice %arg7[%run_scoped3A_144, %dma_wait3A_165] : memref<40x128xi32, #tpu.memory_space<vmem>> -> memref<1x128xi32, #tpu.memory_space<vmem>>
      %dma_wait3A_167 = tpu.memref_squeeze %dma_wait3A_166 : memref<1x128xi32, #tpu.memory_space<vmem>> -> memref<128xi32, #tpu.memory_space<vmem>>
      %dma_wait3A_168 = arith.constant 0 : i32
      %dma_wait3A_169 = arith.constant 0 : i32
      %dma_wait3A_170 = tpu.memref_slice %arg9[%dma_wait3A_168, %dma_wait3A_169] : memref<10240x128xf32, #tpu.memory_space<vmem_shared>> -> memref<10240x128xf32, #tpu.memory_space<vmem_shared>>
      tpu.wait_indirect_dma semaphore(%run_scoped3A_150 : memref<!tpu.dma_semaphore, #tpu.memory_space<semaphore_mem>>) src(%dma_wait3A_164 : memref<128x128xf32, #tpu.memory_space<vmem>>) dst(%dma_wait3A_170 : memref<10240x128xf32, #tpu.memory_space<vmem_shared>>)
      tpu.yield
    }) : () -> ()
    %barrier3A_145 = arith.constant 0 : index
    tpu.barrier barrier_id(%barrier3A_145)
    %mul3A_146 = arith.constant 640 : i32
    %mul3A_147 = arith.muli %arg1, %mul3A_146 : i32
    %mul3A_148 = arith.constant 640 : i32
    %mul3A_149 = arith.muli %arg1, %mul3A_148 : i32
    "tpu.region"() ({
      %run_scoped3A_150 = tpu.sem_alloc : memref<!tpu.dma_semaphore, #tpu.memory_space<semaphore_mem>>
      %dma_start3A_151 = arith.constant 0 : i32
      %dma_start3A_152 = tpu.memref_slice %arg5[%arg0, %mul3A_149, %dma_start3A_151] : memref<2x10240x128xf32, #tpu.memory_space<hbm>> -> memref<1x640x128xf32, #tpu.memory_space<hbm>>
      %dma_start3A_153 = tpu.memref_squeeze %dma_start3A_152 : memref<1x640x128xf32, #tpu.memory_space<hbm>> -> memref<640x128xf32, #tpu.memory_space<hbm>>
      %dma_start3A_154 = arith.constant 0 : i32
      %dma_start3A_155 = tpu.memref_slice %arg9[%mul3A_147, %dma_start3A_154] : memref<10240x128xf32, #tpu.memory_space<vmem_shared>> -> memref<640x128xf32, #tpu.memory_space<vmem_shared>>
      tpu.enqueue_dma source(%dma_start3A_155 : memref<640x128xf32, #tpu.memory_space<vmem_shared>>) target(%dma_start3A_153 : memref<640x128xf32, #tpu.memory_space<hbm>>) target_semaphore(%run_scoped3A_150 : memref<!tpu.dma_semaphore, #tpu.memory_space<semaphore_mem>>)
      %dma_wait3A_156 = arith.constant 0 : i32
      %dma_wait3A_157 = tpu.memref_slice %arg5[%arg0, %mul3A_149, %dma_wait3A_156] : memref<2x10240x128xf32, #tpu.memory_space<hbm>> -> memref<1x640x128xf32, #tpu.memory_space<hbm>>
      %dma_wait3A_158 = tpu.memref_squeeze %dma_wait3A_157 : memref<1x640x128xf32, #tpu.memory_space<hbm>> -> memref<640x128xf32, #tpu.memory_space<hbm>>
      %dma_wait3A_159 = arith.constant 0 : i32
      %dma_wait3A_160 = tpu.memref_slice %arg9[%mul3A_147, %dma_wait3A_159] : memref<10240x128xf32, #tpu.memory_space<vmem_shared>> -> memref<640x128xf32, #tpu.memory_space<vmem_shared>>
      tpu.wait_dma2 semaphore(%run_scoped3A_150 : memref<!tpu.dma_semaphore, #tpu.memory_space<semaphore_mem>>) src(%dma_wait3A_160 : memref<640x128xf32, #tpu.memory_space<vmem_shared>>) dst(%dma_wait3A_158 : memref<640x128xf32, #tpu.memory_space<hbm>>)
      tpu.yield
    }) : () -> ()
    return
  }
}

#map = affine_map<(d0, d1) -> (0, 0)>
#map1 = affine_map<(d0, d1) -> (0, 0, 0)>
module attributes {stable_mosaic.version = 14 : i64} {
  func.func @scatter_kernel(%arg0: i32, %arg1: i32, %arg2: memref<10000x128xf32, #tpu.memory_space<hbm>>, %arg3: memref<32x80x128xi32, #tpu.memory_space<hbm>>, %arg4: memref<32x80x128xi32, #tpu.memory_space<hbm>>, %arg5: memref<2x10240x128xf32, #tpu.memory_space<hbm>>, %arg6: memref<40x128xi32, #tpu.memory_space<vmem>>, %arg7: memref<40x128xi32, #tpu.memory_space<vmem>>, %arg8: memref<2x128x128xf32, #tpu.memory_space<vmem>>, %arg9: memref<10240x128xf32, #tpu.memory_space<vmem_shared>>, %arg10: memref<!tpu.dma_semaphore, #tpu.memory_space<semaphore_mem>>, %arg11: memref<!tpu.dma_semaphore, #tpu.memory_space<semaphore_mem>>, %arg12: memref<!tpu.dma_semaphore, #tpu.memory_space<semaphore_mem>>, %arg13: memref<!tpu.dma_semaphore, #tpu.memory_space<semaphore_mem>>) attributes {dimension_semantics = [#tpu.dimension_semantics<core_parallel>, #tpu.dimension_semantics<subcore_parallel>], iteration_bounds = array<i64: 2, 16>, scalar_prefetch = 0 : i64, scratch_operands = 8 : i64, tpu.core_type = #tpu.core_type<sc_vector_subcore>, window_params = [{transform_indices = #map}, {transform_indices = #map1}, {transform_indices = #map1}, {transform_indices = #map1}]} {
    %mul3A = arith.constant 16 : i32
    %mul3A_0 = arith.muli %arg0, %mul3A : i32
    %add3A = arith.addi %mul3A_0, %arg1 : i32
    %broadcast_in_dim3A = arith.constant 0.000000e+00 : f32
    %broadcast_in_dim3A_1 = vector.broadcast %broadcast_in_dim3A : f32 to vector<16xf32>
    %scan3A = arith.constant 0 : i32
    %scan3A_2 = arith.constant 0 : i32
    %scan3A_3 = arith.constant 128 : i32
    %scan3A_4 = arith.addi %scan3A_2, %scan3A_3 : i32
    %scan3A_5 = arith.constant 1 : i32
    scf.for %scan3A_150 = %scan3A_2 to %scan3A_4 step %scan3A_5  : i32 {
      %swap3A = arith.constant 0 : i32
      %swap3A_151 = arith.index_cast %swap3A : i32 to index
      %swap3A_152 = arith.index_cast %scan3A_150 : i32 to index
      %swap3A_153 = arith.constant 0 : index
      %swap3A_154 = tpu.vector_load %arg8[%swap3A_151, %swap3A_152, %swap3A_153] {strides = array<i32>} : memref<2x128x128xf32, #tpu.memory_space<vmem>>, vector<1x1x16xf32>,
      %swap3A_155 = vector.shape_cast %swap3A_154 : vector<1x1x16xf32> to vector<16xf32>
      %swap3A_156 = vector.shape_cast %broadcast_in_dim3A_1 : vector<16xf32> to vector<1x1x16xf32>
      tpu.vector_store %arg8[%swap3A_151, %swap3A_152, %swap3A_153], %swap3A_156 {strides = array<i32>} : memref<2x128x128xf32, #tpu.memory_space<vmem>>, vector<1x1x16xf32>,
      %swap3A_157 = arith.constant 0 : i32
      %swap3A_158 = arith.index_cast %swap3A_157 : i32 to index
      %swap3A_159 = arith.index_cast %scan3A_150 : i32 to index
      %swap3A_160 = arith.constant 16 : index
      %swap3A_161 = tpu.vector_load %arg8[%swap3A_158, %swap3A_159, %swap3A_160] {strides = array<i32>} : memref<2x128x128xf32, #tpu.memory_space<vmem>>, vector<1x1x16xf32>,
      %swap3A_162 = vector.shape_cast %swap3A_161 : vector<1x1x16xf32> to vector<16xf32>
      %swap3A_163 = vector.shape_cast %broadcast_in_dim3A_1 : vector<16xf32> to vector<1x1x16xf32>
      tpu.vector_store %arg8[%swap3A_158, %swap3A_159, %swap3A_160], %swap3A_163 {strides = array<i32>} : memref<2x128x128xf32, #tpu.memory_space<vmem>>, vector<1x1x16xf32>,
      %swap3A_164 = arith.constant 0 : i32
      %swap3A_165 = arith.index_cast %swap3A_164 : i32 to index
      %swap3A_166 = arith.index_cast %scan3A_150 : i32 to index
      %swap3A_167 = arith.constant 32 : index
      %swap3A_168 = tpu.vector_load %arg8[%swap3A_165, %swap3A_166, %swap3A_167] {strides = array<i32>} : memref<2x128x128xf32, #tpu.memory_space<vmem>>, vector<1x1x16xf32>,
      %swap3A_169 = vector.shape_cast %swap3A_168 : vector<1x1x16xf32> to vector<16xf32>
      %swap3A_170 = vector.shape_cast %broadcast_in_dim3A_1 : vector<16xf32> to vector<1x1x16xf32>
      tpu.vector_store %arg8[%swap3A_165, %swap3A_166, %swap3A_167], %swap3A_170 {strides = array<i32>} : memref<2x128x128xf32, #tpu.memory_space<vmem>>, vector<1x1x16xf32>,
      %swap3A_171 = arith.constant 0 : i32
      %swap3A_172 = arith.index_cast %swap3A_171 : i32 to index
      %swap3A_173 = arith.index_cast %scan3A_150 : i32 to index
      %swap3A_174 = arith.constant 48 : index
      %swap3A_175 = tpu.vector_load %arg8[%swap3A_172, %swap3A_173, %swap3A_174] {strides = array<i32>} : memref<2x128x128xf32, #tpu.memory_space<vmem>>, vector<1x1x16xf32>,
      %swap3A_176 = vector.shape_cast %swap3A_175 : vector<1x1x16xf32> to vector<16xf32>
      %swap3A_177 = vector.shape_cast %broadcast_in_dim3A_1 : vector<16xf32> to vector<1x1x16xf32>
      tpu.vector_store %arg8[%swap3A_172, %swap3A_173, %swap3A_174], %swap3A_177 {strides = array<i32>} : memref<2x128x128xf32, #tpu.memory_space<vmem>>, vector<1x1x16xf32>,
      %swap3A_178 = arith.constant 0 : i32
      %swap3A_179 = arith.index_cast %swap3A_178 : i32 to index
      %swap3A_180 = arith.index_cast %scan3A_150 : i32 to index
      %swap3A_181 = arith.constant 64 : index
      %swap3A_182 = tpu.vector_load %arg8[%swap3A_179, %swap3A_180, %swap3A_181] {strides = array<i32>} : memref<2x128x128xf32, #tpu.memory_space<vmem>>, vector<1x1x16xf32>,
      %swap3A_183 = vector.shape_cast %swap3A_182 : vector<1x1x16xf32> to vector<16xf32>
      %swap3A_184 = vector.shape_cast %broadcast_in_dim3A_1 : vector<16xf32> to vector<1x1x16xf32>
      tpu.vector_store %arg8[%swap3A_179, %swap3A_180, %swap3A_181], %swap3A_184 {strides = array<i32>} : memref<2x128x128xf32, #tpu.memory_space<vmem>>, vector<1x1x16xf32>,
      %swap3A_185 = arith.constant 0 : i32
      %swap3A_186 = arith.index_cast %swap3A_185 : i32 to index
      %swap3A_187 = arith.index_cast %scan3A_150 : i32 to index
      %swap3A_188 = arith.constant 80 : index
      %swap3A_189 = tpu.vector_load %arg8[%swap3A_186, %swap3A_187, %swap3A_188] {strides = array<i32>} : memref<2x128x128xf32, #tpu.memory_space<vmem>>, vector<1x1x16xf32>,
      %swap3A_190 = vector.shape_cast %swap3A_189 : vector<1x1x16xf32> to vector<16xf32>
      %swap3A_191 = vector.shape_cast %broadcast_in_dim3A_1 : vector<16xf32> to vector<1x1x16xf32>
      tpu.vector_store %arg8[%swap3A_186, %swap3A_187, %swap3A_188], %swap3A_191 {strides = array<i32>} : memref<2x128x128xf32, #tpu.memory_space<vmem>>, vector<1x1x16xf32>,
      %swap3A_192 = arith.constant 0 : i32
      %swap3A_193 = arith.index_cast %swap3A_192 : i32 to index
      %swap3A_194 = arith.index_cast %scan3A_150 : i32 to index
      %swap3A_195 = arith.constant 96 : index
      %swap3A_196 = tpu.vector_load %arg8[%swap3A_193, %swap3A_194, %swap3A_195] {strides = array<i32>} : memref<2x128x128xf32, #tpu.memory_space<vmem>>, vector<1x1x16xf32>,
      %swap3A_197 = vector.shape_cast %swap3A_196 : vector<1x1x16xf32> to vector<16xf32>
      %swap3A_198 = vector.shape_cast %broadcast_in_dim3A_1 : vector<16xf32> to vector<1x1x16xf32>
      tpu.vector_store %arg8[%swap3A_193, %swap3A_194, %swap3A_195], %swap3A_198 {strides = array<i32>} : memref<2x128x128xf32, #tpu.memory_space<vmem>>, vector<1x1x16xf32>,
      %swap3A_199 = arith.constant 0 : i32
      %swap3A_200 = arith.index_cast %swap3A_199 : i32 to index
      %swap3A_201 = arith.index_cast %scan3A_150 : i32 to index
      %swap3A_202 = arith.constant 112 : index
      %swap3A_203 = tpu.vector_load %arg8[%swap3A_200, %swap3A_201, %swap3A_202] {strides = array<i32>} : memref<2x128x128xf32, #tpu.memory_space<vmem>>, vector<1x1x16xf32>,
      %swap3A_204 = vector.shape_cast %swap3A_203 : vector<1x1x16xf32> to vector<16xf32>
      %swap3A_205 = vector.shape_cast %broadcast_in_dim3A_1 : vector<16xf32> to vector<1x1x16xf32>
      tpu.vector_store %arg8[%swap3A_200, %swap3A_201, %swap3A_202], %swap3A_205 {strides = array<i32>} : memref<2x128x128xf32, #tpu.memory_space<vmem>>, vector<1x1x16xf32>,
    }
    %scan3A_6 = arith.constant 128 : i32
    %mul3A_7 = arith.constant 640 : i32
    %mul3A_8 = arith.muli %arg1, %mul3A_7 : i32
    %add3A_9 = arith.constant 0 : i32
    %add3A_10 = arith.addi %mul3A_8, %add3A_9 : i32
    %run_scoped3A = arith.constant 0 : i32
    "tpu.region"() ({
      %run_scoped3A_150 = tpu.sem_alloc : memref<!tpu.dma_semaphore, #tpu.memory_space<semaphore_mem>>
      %dma_start3A_151 = arith.constant 0 : i32
      %dma_start3A_152 = arith.constant 0 : i32
      %dma_start3A_153 = tpu.memref_slice %arg8[%run_scoped3A, %dma_start3A_151, %dma_start3A_152] : memref<2x128x128xf32, #tpu.memory_space<vmem>> -> memref<1x128x128xf32, #tpu.memory_space<vmem>>
      %dma_start3A_154 = tpu.memref_squeeze %dma_start3A_153 : memref<1x128x128xf32, #tpu.memory_space<vmem>> -> memref<128x128xf32, #tpu.memory_space<vmem>>
      %dma_start3A_155 = arith.constant 0 : i32
      %dma_start3A_156 = tpu.memref_slice %arg9[%add3A_10, %dma_start3A_155] : memref<10240x128xf32, #tpu.memory_space<vmem_shared>> -> memref<128x128xf32, #tpu.memory_space<vmem_shared>>
      %dma_start3A_157 = arith.constant 0 : i32
      %dma_start3A_158 = tpu.memref_slice %arg9[%add3A_10, %dma_start3A_157] : memref<10240x128xf32, #tpu.memory_space<vmem_shared>> -> memref<128x128xf32, #tpu.memory_space<vmem_shared>>
      %dma_start3A_159 = arith.constant 0 : i32
      %dma_start3A_160 = arith.constant 0 : i32
      %dma_start3A_161 = tpu.memref_slice %arg8[%run_scoped3A, %dma_start3A_159, %dma_start3A_160] : memref<2x128x128xf32, #tpu.memory_space<vmem>> -> memref<1x128x128xf32, #tpu.memory_space<vmem>>
      %dma_start3A_162 = tpu.memref_squeeze %dma_start3A_161 : memref<1x128x128xf32, #tpu.memory_space<vmem>> -> memref<128x128xf32, #tpu.memory_space<vmem>>
      tpu.enqueue_dma source(%dma_start3A_162 : memref<128x128xf32, #tpu.memory_space<vmem>>) target(%dma_start3A_158 : memref<128x128xf32, #tpu.memory_space<vmem_shared>>) target_semaphore(%run_scoped3A_150 : memref<!tpu.dma_semaphore, #tpu.memory_space<semaphore_mem>>)
      %dma_wait3A_163 = arith.constant 0 : i32
      %dma_wait3A_164 = arith.constant 0 : i32
      %dma_wait3A_165 = tpu.memref_slice %arg8[%run_scoped3A, %dma_wait3A_163, %dma_wait3A_164] : memref<2x128x128xf32, #tpu.memory_space<vmem>> -> memref<1x128x128xf32, #tpu.memory_space<vmem>>
      %dma_wait3A_166 = tpu.memref_squeeze %dma_wait3A_165 : memref<1x128x128xf32, #tpu.memory_space<vmem>> -> memref<128x128xf32, #tpu.memory_space<vmem>>
      %dma_wait3A_167 = arith.constant 0 : i32
      %dma_wait3A_168 = tpu.memref_slice %arg9[%add3A_10, %dma_wait3A_167] : memref<10240x128xf32, #tpu.memory_space<vmem_shared>> -> memref<128x128xf32, #tpu.memory_space<vmem_shared>>
      %dma_wait3A_169 = arith.constant 0 : i32
      %dma_wait3A_170 = tpu.memref_slice %arg9[%add3A_10, %dma_wait3A_169] : memref<10240x128xf32, #tpu.memory_space<vmem_shared>> -> memref<128x128xf32, #tpu.memory_space<vmem_shared>>
      %dma_wait3A_171 = arith.constant 0 : i32
      %dma_wait3A_172 = arith.constant 0 : i32
      %dma_wait3A_173 = tpu.memref_slice %arg8[%run_scoped3A, %dma_wait3A_171, %dma_wait3A_172] : memref<2x128x128xf32, #tpu.memory_space<vmem>> -> memref<1x128x128xf32, #tpu.memory_space<vmem>>
      %dma_wait3A_174 = tpu.memref_squeeze %dma_wait3A_173 : memref<1x128x128xf32, #tpu.memory_space<vmem>> -> memref<128x128xf32, #tpu.memory_space<vmem>>
      tpu.wait_dma2 semaphore(%run_scoped3A_150 : memref<!tpu.dma_semaphore, #tpu.memory_space<semaphore_mem>>) src(%dma_wait3A_174 : memref<128x128xf32, #tpu.memory_space<vmem>>) dst(%dma_wait3A_170 : memref<128x128xf32, #tpu.memory_space<vmem_shared>>)
      tpu.yield
    }) : () -> ()
    %mul3A_11 = arith.constant 640 : i32
    %mul3A_12 = arith.muli %arg1, %mul3A_11 : i32
    %add3A_13 = arith.constant 128 : i32
    %add3A_14 = arith.addi %mul3A_12, %add3A_13 : i32
    %run_scoped3A_15 = arith.constant 0 : i32
    "tpu.region"() ({
      %run_scoped3A_150 = tpu.sem_alloc : memref<!tpu.dma_semaphore, #tpu.memory_space<semaphore_mem>>
      %dma_start3A_151 = arith.constant 0 : i32
      %dma_start3A_152 = arith.constant 0 : i32
      %dma_start3A_153 = tpu.memref_slice %arg8[%run_scoped3A_15, %dma_start3A_151, %dma_start3A_152] : memref<2x128x128xf32, #tpu.memory_space<vmem>> -> memref<1x128x128xf32, #tpu.memory_space<vmem>>
      %dma_start3A_154 = tpu.memref_squeeze %dma_start3A_153 : memref<1x128x128xf32, #tpu.memory_space<vmem>> -> memref<128x128xf32, #tpu.memory_space<vmem>>
      %dma_start3A_155 = arith.constant 0 : i32
      %dma_start3A_156 = tpu.memref_slice %arg9[%add3A_14, %dma_start3A_155] : memref<10240x128xf32, #tpu.memory_space<vmem_shared>> -> memref<128x128xf32, #tpu.memory_space<vmem_shared>>
      %dma_start3A_157 = arith.constant 0 : i32
      %dma_start3A_158 = tpu.memref_slice %arg9[%add3A_14, %dma_start3A_157] : memref<10240x128xf32, #tpu.memory_space<vmem_shared>> -> memref<128x128xf32, #tpu.memory_space<vmem_shared>>
      %dma_start3A_159 = arith.constant 0 : i32
      %dma_start3A_160 = arith.constant 0 : i32
      %dma_start3A_161 = tpu.memref_slice %arg8[%run_scoped3A_15, %dma_start3A_159, %dma_start3A_160] : memref<2x128x128xf32, #tpu.memory_space<vmem>> -> memref<1x128x128xf32, #tpu.memory_space<vmem>>
      %dma_start3A_162 = tpu.memref_squeeze %dma_start3A_161 : memref<1x128x128xf32, #tpu.memory_space<vmem>> -> memref<128x128xf32, #tpu.memory_space<vmem>>
      tpu.enqueue_dma source(%dma_start3A_162 : memref<128x128xf32, #tpu.memory_space<vmem>>) target(%dma_start3A_158 : memref<128x128xf32, #tpu.memory_space<vmem_shared>>) target_semaphore(%run_scoped3A_150 : memref<!tpu.dma_semaphore, #tpu.memory_space<semaphore_mem>>)
      %dma_wait3A_163 = arith.constant 0 : i32
      %dma_wait3A_164 = arith.constant 0 : i32
      %dma_wait3A_165 = tpu.memref_slice %arg8[%run_scoped3A_15, %dma_wait3A_163, %dma_wait3A_164] : memref<2x128x128xf32, #tpu.memory_space<vmem>> -> memref<1x128x128xf32, #tpu.memory_space<vmem>>
      %dma_wait3A_166 = tpu.memref_squeeze %dma_wait3A_165 : memref<1x128x128xf32, #tpu.memory_space<vmem>> -> memref<128x128xf32, #tpu.memory_space<vmem>>
      %dma_wait3A_167 = arith.constant 0 : i32
      %dma_wait3A_168 = tpu.memref_slice %arg9[%add3A_14, %dma_wait3A_167] : memref<10240x128xf32, #tpu.memory_space<vmem_shared>> -> memref<128x128xf32, #tpu.memory_space<vmem_shared>>
      %dma_wait3A_169 = arith.constant 0 : i32
      %dma_wait3A_170 = tpu.memref_slice %arg9[%add3A_14, %dma_wait3A_169] : memref<10240x128xf32, #tpu.memory_space<vmem_shared>> -> memref<128x128xf32, #tpu.memory_space<vmem_shared>>
      %dma_wait3A_171 = arith.constant 0 : i32
      %dma_wait3A_172 = arith.constant 0 : i32
      %dma_wait3A_173 = tpu.memref_slice %arg8[%run_scoped3A_15, %dma_wait3A_171, %dma_wait3A_172] : memref<2x128x128xf32, #tpu.memory_space<vmem>> -> memref<1x128x128xf32, #tpu.memory_space<vmem>>
      %dma_wait3A_174 = tpu.memref_squeeze %dma_wait3A_173 : memref<1x128x128xf32, #tpu.memory_space<vmem>> -> memref<128x128xf32, #tpu.memory_space<vmem>>
      tpu.wait_dma2 semaphore(%run_scoped3A_150 : memref<!tpu.dma_semaphore, #tpu.memory_space<semaphore_mem>>) src(%dma_wait3A_174 : memref<128x128xf32, #tpu.memory_space<vmem>>) dst(%dma_wait3A_170 : memref<128x128xf32, #tpu.memory_space<vmem_shared>>)
      tpu.yield
    }) : () -> ()
    %mul3A_16 = arith.constant 640 : i32
    %mul3A_17 = arith.muli %arg1, %mul3A_16 : i32
    %add3A_18 = arith.constant 256 : i32
    %add3A_19 = arith.addi %mul3A_17, %add3A_18 : i32
    %run_scoped3A_20 = arith.constant 0 : i32
    "tpu.region"() ({
      %run_scoped3A_150 = tpu.sem_alloc : memref<!tpu.dma_semaphore, #tpu.memory_space<semaphore_mem>>
      %dma_start3A_151 = arith.constant 0 : i32
      %dma_start3A_152 = arith.constant 0 : i32
      %dma_start3A_153 = tpu.memref_slice %arg8[%run_scoped3A_20, %dma_start3A_151, %dma_start3A_152] : memref<2x128x128xf32, #tpu.memory_space<vmem>> -> memref<1x128x128xf32, #tpu.memory_space<vmem>>
      %dma_start3A_154 = tpu.memref_squeeze %dma_start3A_153 : memref<1x128x128xf32, #tpu.memory_space<vmem>> -> memref<128x128xf32, #tpu.memory_space<vmem>>
      %dma_start3A_155 = arith.constant 0 : i32
      %dma_start3A_156 = tpu.memref_slice %arg9[%add3A_19, %dma_start3A_155] : memref<10240x128xf32, #tpu.memory_space<vmem_shared>> -> memref<128x128xf32, #tpu.memory_space<vmem_shared>>
      %dma_start3A_157 = arith.constant 0 : i32
      %dma_start3A_158 = tpu.memref_slice %arg9[%add3A_19, %dma_start3A_157] : memref<10240x128xf32, #tpu.memory_space<vmem_shared>> -> memref<128x128xf32, #tpu.memory_space<vmem_shared>>
      %dma_start3A_159 = arith.constant 0 : i32
      %dma_start3A_160 = arith.constant 0 : i32
      %dma_start3A_161 = tpu.memref_slice %arg8[%run_scoped3A_20, %dma_start3A_159, %dma_start3A_160] : memref<2x128x128xf32, #tpu.memory_space<vmem>> -> memref<1x128x128xf32, #tpu.memory_space<vmem>>
      %dma_start3A_162 = tpu.memref_squeeze %dma_start3A_161 : memref<1x128x128xf32, #tpu.memory_space<vmem>> -> memref<128x128xf32, #tpu.memory_space<vmem>>
      tpu.enqueue_dma source(%dma_start3A_162 : memref<128x128xf32, #tpu.memory_space<vmem>>) target(%dma_start3A_158 : memref<128x128xf32, #tpu.memory_space<vmem_shared>>) target_semaphore(%run_scoped3A_150 : memref<!tpu.dma_semaphore, #tpu.memory_space<semaphore_mem>>)
      %dma_wait3A_163 = arith.constant 0 : i32
      %dma_wait3A_164 = arith.constant 0 : i32
      %dma_wait3A_165 = tpu.memref_slice %arg8[%run_scoped3A_20, %dma_wait3A_163, %dma_wait3A_164] : memref<2x128x128xf32, #tpu.memory_space<vmem>> -> memref<1x128x128xf32, #tpu.memory_space<vmem>>
      %dma_wait3A_166 = tpu.memref_squeeze %dma_wait3A_165 : memref<1x128x128xf32, #tpu.memory_space<vmem>> -> memref<128x128xf32, #tpu.memory_space<vmem>>
      %dma_wait3A_167 = arith.constant 0 : i32
      %dma_wait3A_168 = tpu.memref_slice %arg9[%add3A_19, %dma_wait3A_167] : memref<10240x128xf32, #tpu.memory_space<vmem_shared>> -> memref<128x128xf32, #tpu.memory_space<vmem_shared>>
      %dma_wait3A_169 = arith.constant 0 : i32
      %dma_wait3A_170 = tpu.memref_slice %arg9[%add3A_19, %dma_wait3A_169] : memref<10240x128xf32, #tpu.memory_space<vmem_shared>> -> memref<128x128xf32, #tpu.memory_space<vmem_shared>>
      %dma_wait3A_171 = arith.constant 0 : i32
      %dma_wait3A_172 = arith.constant 0 : i32
      %dma_wait3A_173 = tpu.memref_slice %arg8[%run_scoped3A_20, %dma_wait3A_171, %dma_wait3A_172] : memref<2x128x128xf32, #tpu.memory_space<vmem>> -> memref<1x128x128xf32, #tpu.memory_space<vmem>>
      %dma_wait3A_174 = tpu.memref_squeeze %dma_wait3A_173 : memref<1x128x128xf32, #tpu.memory_space<vmem>> -> memref<128x128xf32, #tpu.memory_space<vmem>>
      tpu.wait_dma2 semaphore(%run_scoped3A_150 : memref<!tpu.dma_semaphore, #tpu.memory_space<semaphore_mem>>) src(%dma_wait3A_174 : memref<128x128xf32, #tpu.memory_space<vmem>>) dst(%dma_wait3A_170 : memref<128x128xf32, #tpu.memory_space<vmem_shared>>)
      tpu.yield
    }) : () -> ()
    %mul3A_21 = arith.constant 640 : i32
    %mul3A_22 = arith.muli %arg1, %mul3A_21 : i32
    %add3A_23 = arith.constant 384 : i32
    %add3A_24 = arith.addi %mul3A_22, %add3A_23 : i32
    %run_scoped3A_25 = arith.constant 0 : i32
    "tpu.region"() ({
      %run_scoped3A_150 = tpu.sem_alloc : memref<!tpu.dma_semaphore, #tpu.memory_space<semaphore_mem>>
      %dma_start3A_151 = arith.constant 0 : i32
      %dma_start3A_152 = arith.constant 0 : i32
      %dma_start3A_153 = tpu.memref_slice %arg8[%run_scoped3A_25, %dma_start3A_151, %dma_start3A_152] : memref<2x128x128xf32, #tpu.memory_space<vmem>> -> memref<1x128x128xf32, #tpu.memory_space<vmem>>
      %dma_start3A_154 = tpu.memref_squeeze %dma_start3A_153 : memref<1x128x128xf32, #tpu.memory_space<vmem>> -> memref<128x128xf32, #tpu.memory_space<vmem>>
      %dma_start3A_155 = arith.constant 0 : i32
      %dma_start3A_156 = tpu.memref_slice %arg9[%add3A_24, %dma_start3A_155] : memref<10240x128xf32, #tpu.memory_space<vmem_shared>> -> memref<128x128xf32, #tpu.memory_space<vmem_shared>>
      %dma_start3A_157 = arith.constant 0 : i32
      %dma_start3A_158 = tpu.memref_slice %arg9[%add3A_24, %dma_start3A_157] : memref<10240x128xf32, #tpu.memory_space<vmem_shared>> -> memref<128x128xf32, #tpu.memory_space<vmem_shared>>
      %dma_start3A_159 = arith.constant 0 : i32
      %dma_start3A_160 = arith.constant 0 : i32
      %dma_start3A_161 = tpu.memref_slice %arg8[%run_scoped3A_25, %dma_start3A_159, %dma_start3A_160] : memref<2x128x128xf32, #tpu.memory_space<vmem>> -> memref<1x128x128xf32, #tpu.memory_space<vmem>>
      %dma_start3A_162 = tpu.memref_squeeze %dma_start3A_161 : memref<1x128x128xf32, #tpu.memory_space<vmem>> -> memref<128x128xf32, #tpu.memory_space<vmem>>
      tpu.enqueue_dma source(%dma_start3A_162 : memref<128x128xf32, #tpu.memory_space<vmem>>) target(%dma_start3A_158 : memref<128x128xf32, #tpu.memory_space<vmem_shared>>) target_semaphore(%run_scoped3A_150 : memref<!tpu.dma_semaphore, #tpu.memory_space<semaphore_mem>>)
      %dma_wait3A_163 = arith.constant 0 : i32
      %dma_wait3A_164 = arith.constant 0 : i32
      %dma_wait3A_165 = tpu.memref_slice %arg8[%run_scoped3A_25, %dma_wait3A_163, %dma_wait3A_164] : memref<2x128x128xf32, #tpu.memory_space<vmem>> -> memref<1x128x128xf32, #tpu.memory_space<vmem>>
      %dma_wait3A_166 = tpu.memref_squeeze %dma_wait3A_165 : memref<1x128x128xf32, #tpu.memory_space<vmem>> -> memref<128x128xf32, #tpu.memory_space<vmem>>
      %dma_wait3A_167 = arith.constant 0 : i32
      %dma_wait3A_168 = tpu.memref_slice %arg9[%add3A_24, %dma_wait3A_167] : memref<10240x128xf32, #tpu.memory_space<vmem_shared>> -> memref<128x128xf32, #tpu.memory_space<vmem_shared>>
      %dma_wait3A_169 = arith.constant 0 : i32
      %dma_wait3A_170 = tpu.memref_slice %arg9[%add3A_24, %dma_wait3A_169] : memref<10240x128xf32, #tpu.memory_space<vmem_shared>> -> memref<128x128xf32, #tpu.memory_space<vmem_shared>>
      %dma_wait3A_171 = arith.constant 0 : i32
      %dma_wait3A_172 = arith.constant 0 : i32
      %dma_wait3A_173 = tpu.memref_slice %arg8[%run_scoped3A_25, %dma_wait3A_171, %dma_wait3A_172] : memref<2x128x128xf32, #tpu.memory_space<vmem>> -> memref<1x128x128xf32, #tpu.memory_space<vmem>>
      %dma_wait3A_174 = tpu.memref_squeeze %dma_wait3A_173 : memref<1x128x128xf32, #tpu.memory_space<vmem>> -> memref<128x128xf32, #tpu.memory_space<vmem>>
      tpu.wait_dma2 semaphore(%run_scoped3A_150 : memref<!tpu.dma_semaphore, #tpu.memory_space<semaphore_mem>>) src(%dma_wait3A_174 : memref<128x128xf32, #tpu.memory_space<vmem>>) dst(%dma_wait3A_170 : memref<128x128xf32, #tpu.memory_space<vmem_shared>>)
      tpu.yield
    }) : () -> ()
    %mul3A_26 = arith.constant 640 : i32
    %mul3A_27 = arith.muli %arg1, %mul3A_26 : i32
    %add3A_28 = arith.constant 512 : i32
    %add3A_29 = arith.addi %mul3A_27, %add3A_28 : i32
    %run_scoped3A_30 = arith.constant 0 : i32
    "tpu.region"() ({
      %run_scoped3A_150 = tpu.sem_alloc : memref<!tpu.dma_semaphore, #tpu.memory_space<semaphore_mem>>
      %dma_start3A_151 = arith.constant 0 : i32
      %dma_start3A_152 = arith.constant 0 : i32
      %dma_start3A_153 = tpu.memref_slice %arg8[%run_scoped3A_30, %dma_start3A_151, %dma_start3A_152] : memref<2x128x128xf32, #tpu.memory_space<vmem>> -> memref<1x128x128xf32, #tpu.memory_space<vmem>>
      %dma_start3A_154 = tpu.memref_squeeze %dma_start3A_153 : memref<1x128x128xf32, #tpu.memory_space<vmem>> -> memref<128x128xf32, #tpu.memory_space<vmem>>
      %dma_start3A_155 = arith.constant 0 : i32
      %dma_start3A_156 = tpu.memref_slice %arg9[%add3A_29, %dma_start3A_155] : memref<10240x128xf32, #tpu.memory_space<vmem_shared>> -> memref<128x128xf32, #tpu.memory_space<vmem_shared>>
      %dma_start3A_157 = arith.constant 0 : i32
      %dma_start3A_158 = tpu.memref_slice %arg9[%add3A_29, %dma_start3A_157] : memref<10240x128xf32, #tpu.memory_space<vmem_shared>> -> memref<128x128xf32, #tpu.memory_space<vmem_shared>>
      %dma_start3A_159 = arith.constant 0 : i32
      %dma_start3A_160 = arith.constant 0 : i32
      %dma_start3A_161 = tpu.memref_slice %arg8[%run_scoped3A_30, %dma_start3A_159, %dma_start3A_160] : memref<2x128x128xf32, #tpu.memory_space<vmem>> -> memref<1x128x128xf32, #tpu.memory_space<vmem>>
      %dma_start3A_162 = tpu.memref_squeeze %dma_start3A_161 : memref<1x128x128xf32, #tpu.memory_space<vmem>> -> memref<128x128xf32, #tpu.memory_space<vmem>>
      tpu.enqueue_dma source(%dma_start3A_162 : memref<128x128xf32, #tpu.memory_space<vmem>>) target(%dma_start3A_158 : memref<128x128xf32, #tpu.memory_space<vmem_shared>>) target_semaphore(%run_scoped3A_150 : memref<!tpu.dma_semaphore, #tpu.memory_space<semaphore_mem>>)
      %dma_wait3A_163 = arith.constant 0 : i32
      %dma_wait3A_164 = arith.constant 0 : i32
      %dma_wait3A_165 = tpu.memref_slice %arg8[%run_scoped3A_30, %dma_wait3A_163, %dma_wait3A_164] : memref<2x128x128xf32, #tpu.memory_space<vmem>> -> memref<1x128x128xf32, #tpu.memory_space<vmem>>
      %dma_wait3A_166 = tpu.memref_squeeze %dma_wait3A_165 : memref<1x128x128xf32, #tpu.memory_space<vmem>> -> memref<128x128xf32, #tpu.memory_space<vmem>>
      %dma_wait3A_167 = arith.constant 0 : i32
      %dma_wait3A_168 = tpu.memref_slice %arg9[%add3A_29, %dma_wait3A_167] : memref<10240x128xf32, #tpu.memory_space<vmem_shared>> -> memref<128x128xf32, #tpu.memory_space<vmem_shared>>
      %dma_wait3A_169 = arith.constant 0 : i32
      %dma_wait3A_170 = tpu.memref_slice %arg9[%add3A_29, %dma_wait3A_169] : memref<10240x128xf32, #tpu.memory_space<vmem_shared>> -> memref<128x128xf32, #tpu.memory_space<vmem_shared>>
      %dma_wait3A_171 = arith.constant 0 : i32
      %dma_wait3A_172 = arith.constant 0 : i32
      %dma_wait3A_173 = tpu.memref_slice %arg8[%run_scoped3A_30, %dma_wait3A_171, %dma_wait3A_172] : memref<2x128x128xf32, #tpu.memory_space<vmem>> -> memref<1x128x128xf32, #tpu.memory_space<vmem>>
      %dma_wait3A_174 = tpu.memref_squeeze %dma_wait3A_173 : memref<1x128x128xf32, #tpu.memory_space<vmem>> -> memref<128x128xf32, #tpu.memory_space<vmem>>
      tpu.wait_dma2 semaphore(%run_scoped3A_150 : memref<!tpu.dma_semaphore, #tpu.memory_space<semaphore_mem>>) src(%dma_wait3A_174 : memref<128x128xf32, #tpu.memory_space<vmem>>) dst(%dma_wait3A_170 : memref<128x128xf32, #tpu.memory_space<vmem_shared>>)
      tpu.yield
    }) : () -> ()
    %barrier3A = arith.constant 0 : index
    tpu.barrier barrier_id(%barrier3A)
    "tpu.region"() ({
      %run_scoped3A_150 = tpu.sem_alloc : memref<!tpu.dma_semaphore, #tpu.memory_space<semaphore_mem>>
      %dma_start3A_151 = arith.constant 0 : i32
      %dma_start3A_152 = arith.constant 0 : i32
      %dma_start3A_153 = tpu.memref_slice %arg3[%add3A, %dma_start3A_151, %dma_start3A_152] : memref<32x80x128xi32, #tpu.memory_space<hbm>> -> memref<1x40x128xi32, #tpu.memory_space<hbm>>
      %dma_start3A_154 = tpu.memref_squeeze %dma_start3A_153 : memref<1x40x128xi32, #tpu.memory_space<hbm>> -> memref<40x128xi32, #tpu.memory_space<hbm>>
      %dma_start3A_155 = arith.constant 0 : i32
      %dma_start3A_156 = arith.constant 0 : i32
      %dma_start3A_157 = tpu.memref_slice %arg3[%add3A, %dma_start3A_155, %dma_start3A_156] : memref<32x80x128xi32, #tpu.memory_space<hbm>> -> memref<1x40x128xi32, #tpu.memory_space<hbm>>
      %dma_start3A_158 = tpu.memref_squeeze %dma_start3A_157 : memref<1x40x128xi32, #tpu.memory_space<hbm>> -> memref<40x128xi32, #tpu.memory_space<hbm>>
      tpu.enqueue_dma source(%dma_start3A_158 : memref<40x128xi32, #tpu.memory_space<hbm>>) target(%arg6 : memref<40x128xi32, #tpu.memory_space<vmem>>) target_semaphore(%run_scoped3A_150 : memref<!tpu.dma_semaphore, #tpu.memory_space<semaphore_mem>>)
      %dma_wait3A_159 = arith.constant 0 : i32
      %dma_wait3A_160 = arith.constant 0 : i32
      %dma_wait3A_161 = tpu.memref_slice %arg3[%add3A, %dma_wait3A_159, %dma_wait3A_160] : memref<32x80x128xi32, #tpu.memory_space<hbm>> -> memref<1x40x128xi32, #tpu.memory_space<hbm>>
      %dma_wait3A_162 = tpu.memref_squeeze %dma_wait3A_161 : memref<1x40x128xi32, #tpu.memory_space<hbm>> -> memref<40x128xi32, #tpu.memory_space<hbm>>
      %dma_wait3A_163 = arith.constant 0 : i32
      %dma_wait3A_164 = arith.constant 0 : i32
      %dma_wait3A_165 = tpu.memref_slice %arg3[%add3A, %dma_wait3A_163, %dma_wait3A_164] : memref<32x80x128xi32, #tpu.memory_space<hbm>> -> memref<1x40x128xi32, #tpu.memory_space<hbm>>
      %dma_wait3A_166 = tpu.memref_squeeze %dma_wait3A_165 : memref<1x40x128xi32, #tpu.memory_space<hbm>> -> memref<40x128xi32, #tpu.memory_space<hbm>>
      tpu.wait_dma2 semaphore(%run_scoped3A_150 : memref<!tpu.dma_semaphore, #tpu.memory_space<semaphore_mem>>) src(%dma_wait3A_166 : memref<40x128xi32, #tpu.memory_space<hbm>>) dst(%arg6 : memref<40x128xi32, #tpu.memory_space<vmem>>)
      tpu.yield
    }) : () -> ()
    "tpu.region"() ({
      %run_scoped3A_150 = tpu.sem_alloc : memref<!tpu.dma_semaphore, #tpu.memory_space<semaphore_mem>>
      %dma_start3A_151 = arith.constant 0 : i32
      %dma_start3A_152 = arith.constant 0 : i32
      %dma_start3A_153 = tpu.memref_slice %arg4[%add3A, %dma_start3A_151, %dma_start3A_152] : memref<32x80x128xi32, #tpu.memory_space<hbm>> -> memref<1x40x128xi32, #tpu.memory_space<hbm>>
      %dma_start3A_154 = tpu.memref_squeeze %dma_start3A_153 : memref<1x40x128xi32, #tpu.memory_space<hbm>> -> memref<40x128xi32, #tpu.memory_space<hbm>>
      %dma_start3A_155 = arith.constant 0 : i32
      %dma_start3A_156 = arith.constant 0 : i32
      %dma_start3A_157 = tpu.memref_slice %arg4[%add3A, %dma_start3A_155, %dma_start3A_156] : memref<32x80x128xi32, #tpu.memory_space<hbm>> -> memref<1x40x128xi32, #tpu.memory_space<hbm>>
      %dma_start3A_158 = tpu.memref_squeeze %dma_start3A_157 : memref<1x40x128xi32, #tpu.memory_space<hbm>> -> memref<40x128xi32, #tpu.memory_space<hbm>>
      tpu.enqueue_dma source(%dma_start3A_158 : memref<40x128xi32, #tpu.memory_space<hbm>>) target(%arg7 : memref<40x128xi32, #tpu.memory_space<vmem>>) target_semaphore(%run_scoped3A_150 : memref<!tpu.dma_semaphore, #tpu.memory_space<semaphore_mem>>)
      %dma_wait3A_159 = arith.constant 0 : i32
      %dma_wait3A_160 = arith.constant 0 : i32
      %dma_wait3A_161 = tpu.memref_slice %arg4[%add3A, %dma_wait3A_159, %dma_wait3A_160] : memref<32x80x128xi32, #tpu.memory_space<hbm>> -> memref<1x40x128xi32, #tpu.memory_space<hbm>>
      %dma_wait3A_162 = tpu.memref_squeeze %dma_wait3A_161 : memref<1x40x128xi32, #tpu.memory_space<hbm>> -> memref<40x128xi32, #tpu.memory_space<hbm>>
      %dma_wait3A_163 = arith.constant 0 : i32
      %dma_wait3A_164 = arith.constant 0 : i32
      %dma_wait3A_165 = tpu.memref_slice %arg4[%add3A, %dma_wait3A_163, %dma_wait3A_164] : memref<32x80x128xi32, #tpu.memory_space<hbm>> -> memref<1x40x128xi32, #tpu.memory_space<hbm>>
      %dma_wait3A_166 = tpu.memref_squeeze %dma_wait3A_165 : memref<1x40x128xi32, #tpu.memory_space<hbm>> -> memref<40x128xi32, #tpu.memory_space<hbm>>
      tpu.wait_dma2 semaphore(%run_scoped3A_150 : memref<!tpu.dma_semaphore, #tpu.memory_space<semaphore_mem>>) src(%dma_wait3A_166 : memref<40x128xi32, #tpu.memory_space<hbm>>) dst(%arg7 : memref<40x128xi32, #tpu.memory_space<vmem>>)
      tpu.yield
    }) : () -> ()
    %dma_start3A = arith.constant 0 : i32
    %dma_start3A_31 = arith.constant 0 : i32
    %dma_start3A_32 = arith.constant 0 : i32
    %dma_start3A_33 = arith.constant 0 : i32
    %dma_start3A_34 = tpu.memref_slice %arg8[%dma_start3A_31, %dma_start3A_32, %dma_start3A_33] : memref<2x128x128xf32, #tpu.memory_space<vmem>> -> memref<1x128x128xf32, #tpu.memory_space<vmem>>
    %dma_start3A_35 = tpu.memref_squeeze %dma_start3A_34 : memref<1x128x128xf32, #tpu.memory_space<vmem>> -> memref<128x128xf32, #tpu.memory_space<vmem>>
    %dma_start3A_36 = arith.constant 0 : i32
    %dma_start3A_37 = tpu.memref_slice %arg6[%dma_start3A, %dma_start3A_36] : memref<40x128xi32, #tpu.memory_space<vmem>> -> memref<1x128xi32, #tpu.memory_space<vmem>>
    %dma_start3A_38 = tpu.memref_squeeze %dma_start3A_37 : memref<1x128xi32, #tpu.memory_space<vmem>> -> memref<128xi32, #tpu.memory_space<vmem>>
    %dma_start3A_39 = arith.constant 0 : i32
    %dma_start3A_40 = arith.constant 0 : i32
    %dma_start3A_41 = tpu.memref_slice %arg2[%dma_start3A_39, %dma_start3A_40] : memref<10000x128xf32, #tpu.memory_space<hbm>> -> memref<10000x128xf32, #tpu.memory_space<hbm>>
    tpu.enqueue_indirect_dma source(%dma_start3A_41 : memref<10000x128xf32, #tpu.memory_space<hbm>>) target(%dma_start3A_35 : memref<128x128xf32, #tpu.memory_space<vmem>>) offsets(%dma_start3A_38 : memref<128xi32, #tpu.memory_space<vmem>>) semaphore(%arg10 : memref<!tpu.dma_semaphore, #tpu.memory_space<semaphore_mem>>)
    %dma_start3A_42 = arith.constant 1 : i32
    %dma_start3A_43 = arith.constant 1 : i32
    %dma_start3A_44 = arith.constant 0 : i32
    %dma_start3A_45 = arith.constant 0 : i32
    %dma_start3A_46 = tpu.memref_slice %arg8[%dma_start3A_43, %dma_start3A_44, %dma_start3A_45] : memref<2x128x128xf32, #tpu.memory_space<vmem>> -> memref<1x128x128xf32, #tpu.memory_space<vmem>>
    %dma_start3A_47 = tpu.memref_squeeze %dma_start3A_46 : memref<1x128x128xf32, #tpu.memory_space<vmem>> -> memref<128x128xf32, #tpu.memory_space<vmem>>
    %dma_start3A_48 = arith.constant 0 : i32
    %dma_start3A_49 = tpu.memref_slice %arg6[%dma_start3A_42, %dma_start3A_48] : memref<40x128xi32, #tpu.memory_space<vmem>> -> memref<1x128xi32, #tpu.memory_space<vmem>>
    %dma_start3A_50 = tpu.memref_squeeze %dma_start3A_49 : memref<1x128xi32, #tpu.memory_space<vmem>> -> memref<128xi32, #tpu.memory_space<vmem>>
    %dma_start3A_51 = arith.constant 0 : i32
    %dma_start3A_52 = arith.constant 0 : i32
    %dma_start3A_53 = tpu.memref_slice %arg2[%dma_start3A_51, %dma_start3A_52] : memref<10000x128xf32, #tpu.memory_space<hbm>> -> memref<10000x128xf32, #tpu.memory_space<hbm>>
    tpu.enqueue_indirect_dma source(%dma_start3A_53 : memref<10000x128xf32, #tpu.memory_space<hbm>>) target(%dma_start3A_47 : memref<128x128xf32, #tpu.memory_space<vmem>>) offsets(%dma_start3A_50 : memref<128xi32, #tpu.memory_space<vmem>>) semaphore(%arg11 : memref<!tpu.dma_semaphore, #tpu.memory_space<semaphore_mem>>)
    %scan3A_54 = arith.constant 0 : i32
    %scan3A_55 = arith.constant 0 : i32
    %scan3A_56 = arith.constant 19 : i32
    %scan3A_57 = arith.addi %scan3A_55, %scan3A_56 : i32
    %scan3A_58 = arith.constant 1 : i32
    scf.for %scan3A_150 = %scan3A_55 to %scan3A_57 step %scan3A_58  : i32 {
      %mul3A_151 = arith.constant 2 : i32
      %mul3A_152 = arith.muli %scan3A_150, %mul3A_151 : i32
      %add3A_153 = arith.constant 0 : i32
      %add3A_154 = arith.addi %mul3A_152, %add3A_153 : i32
      %dma_wait3A_155 = arith.constant 0 : i32
      %dma_wait3A_156 = arith.constant 0 : i32
      %dma_wait3A_157 = arith.constant 0 : i32
      %dma_wait3A_158 = tpu.memref_slice %arg8[%dma_wait3A_155, %dma_wait3A_156, %dma_wait3A_157] : memref<2x128x128xf32, #tpu.memory_space<vmem>> -> memref<1x128x128xf32, #tpu.memory_space<vmem>>
      %dma_wait3A_159 = tpu.memref_squeeze %dma_wait3A_158 : memref<1x128x128xf32, #tpu.memory_space<vmem>> -> memref<128x128xf32, #tpu.memory_space<vmem>>
      %dma_wait3A_160 = arith.constant 0 : i32
      %dma_wait3A_161 = tpu.memref_slice %arg6[%add3A_154, %dma_wait3A_160] : memref<40x128xi32, #tpu.memory_space<vmem>> -> memref<1x128xi32, #tpu.memory_space<vmem>>
      %dma_wait3A_162 = tpu.memref_squeeze %dma_wait3A_161 : memref<1x128xi32, #tpu.memory_space<vmem>> -> memref<128xi32, #tpu.memory_space<vmem>>
      %dma_wait3A_163 = arith.constant 0 : i32
      %dma_wait3A_164 = arith.constant 0 : i32
      %dma_wait3A_165 = tpu.memref_slice %arg2[%dma_wait3A_163, %dma_wait3A_164] : memref<10000x128xf32, #tpu.memory_space<hbm>> -> memref<10000x128xf32, #tpu.memory_space<hbm>>
      tpu.wait_indirect_dma semaphore(%arg10 : memref<!tpu.dma_semaphore, #tpu.memory_space<semaphore_mem>>) src(%dma_wait3A_165 : memref<10000x128xf32, #tpu.memory_space<hbm>>) dst(%dma_wait3A_159 : memref<128x128xf32, #tpu.memory_space<vmem>>)
      %run_scoped3A_166 = arith.constant 0 : i32
      "tpu.region"() ({
        %run_scoped3A_209 = tpu.sem_alloc : memref<!tpu.dma_semaphore, #tpu.memory_space<semaphore_mem>>
        %dma_start3A_210 = arith.constant 0 : i32
        %dma_start3A_211 = arith.constant 0 : i32
        %dma_start3A_212 = tpu.memref_slice %arg8[%run_scoped3A_166, %dma_start3A_210, %dma_start3A_211] : memref<2x128x128xf32, #tpu.memory_space<vmem>> -> memref<1x128x128xf32, #tpu.memory_space<vmem>>
        %dma_start3A_213 = tpu.memref_squeeze %dma_start3A_212 : memref<1x128x128xf32, #tpu.memory_space<vmem>> -> memref<128x128xf32, #tpu.memory_space<vmem>>
        %dma_start3A_214 = arith.constant 0 : i32
        %dma_start3A_215 = tpu.memref_slice %arg7[%add3A_154, %dma_start3A_214] : memref<40x128xi32, #tpu.memory_space<vmem>> -> memref<1x128xi32, #tpu.memory_space<vmem>>
        %dma_start3A_216 = tpu.memref_squeeze %dma_start3A_215 : memref<1x128xi32, #tpu.memory_space<vmem>> -> memref<128xi32, #tpu.memory_space<vmem>>
        %dma_start3A_217 = arith.constant 0 : i32
        %dma_start3A_218 = arith.constant 0 : i32
        %dma_start3A_219 = tpu.memref_slice %arg9[%dma_start3A_217, %dma_start3A_218] : memref<10240x128xf32, #tpu.memory_space<vmem_shared>> -> memref<10240x128xf32, #tpu.memory_space<vmem_shared>>
        tpu.enqueue_indirect_dma source(%dma_start3A_213 : memref<128x128xf32, #tpu.memory_space<vmem>>) target(%dma_start3A_219 : memref<10240x128xf32, #tpu.memory_space<vmem_shared>>) offsets(%dma_start3A_216 : memref<128xi32, #tpu.memory_space<vmem>>) semaphore(%run_scoped3A_209 : memref<!tpu.dma_semaphore, #tpu.memory_space<semaphore_mem>>) {add = true}
        %dma_wait3A_220 = arith.constant 0 : i32
        %dma_wait3A_221 = arith.constant 0 : i32
        %dma_wait3A_222 = tpu.memref_slice %arg8[%run_scoped3A_166, %dma_wait3A_220, %dma_wait3A_221] : memref<2x128x128xf32, #tpu.memory_space<vmem>> -> memref<1x128x128xf32, #tpu.memory_space<vmem>>
        %dma_wait3A_223 = tpu.memref_squeeze %dma_wait3A_222 : memref<1x128x128xf32, #tpu.memory_space<vmem>> -> memref<128x128xf32, #tpu.memory_space<vmem>>
        %dma_wait3A_224 = arith.constant 0 : i32
        %dma_wait3A_225 = tpu.memref_slice %arg7[%add3A_154, %dma_wait3A_224] : memref<40x128xi32, #tpu.memory_space<vmem>> -> memref<1x128xi32, #tpu.memory_space<vmem>>
        %dma_wait3A_226 = tpu.memref_squeeze %dma_wait3A_225 : memref<1x128xi32, #tpu.memory_space<vmem>> -> memref<128xi32, #tpu.memory_space<vmem>>
        %dma_wait3A_227 = arith.constant 0 : i32
        %dma_wait3A_228 = arith.constant 0 : i32
        %dma_wait3A_229 = tpu.memref_slice %arg9[%dma_wait3A_227, %dma_wait3A_228] : memref<10240x128xf32, #tpu.memory_space<vmem_shared>> -> memref<10240x128xf32, #tpu.memory_space<vmem_shared>>
        tpu.wait_indirect_dma semaphore(%run_scoped3A_209 : memref<!tpu.dma_semaphore, #tpu.memory_space<semaphore_mem>>) src(%dma_wait3A_223 : memref<128x128xf32, #tpu.memory_space<vmem>>) dst(%dma_wait3A_229 : memref<10240x128xf32, #tpu.memory_space<vmem_shared>>)
        tpu.yield
      }) : () -> ()
      %add3A_167 = arith.constant 2 : i32
      %add3A_168 = arith.addi %add3A_154, %add3A_167 : i32
      %dma_start3A_169 = arith.constant 0 : i32
      %dma_start3A_170 = arith.constant 0 : i32
      %dma_start3A_171 = arith.constant 0 : i32
      %dma_start3A_172 = tpu.memref_slice %arg8[%dma_start3A_169, %dma_start3A_170, %dma_start3A_171] : memref<2x128x128xf32, #tpu.memory_space<vmem>> -> memref<1x128x128xf32, #tpu.memory_space<vmem>>
      %dma_start3A_173 = tpu.memref_squeeze %dma_start3A_172 : memref<1x128x128xf32, #tpu.memory_space<vmem>> -> memref<128x128xf32, #tpu.memory_space<vmem>>
      %dma_start3A_174 = arith.constant 0 : i32
      %dma_start3A_175 = tpu.memref_slice %arg6[%add3A_168, %dma_start3A_174] : memref<40x128xi32, #tpu.memory_space<vmem>> -> memref<1x128xi32, #tpu.memory_space<vmem>>
      %dma_start3A_176 = tpu.memref_squeeze %dma_start3A_175 : memref<1x128xi32, #tpu.memory_space<vmem>> -> memref<128xi32, #tpu.memory_space<vmem>>
      %dma_start3A_177 = arith.constant 0 : i32
      %dma_start3A_178 = arith.constant 0 : i32
      %dma_start3A_179 = tpu.memref_slice %arg2[%dma_start3A_177, %dma_start3A_178] : memref<10000x128xf32, #tpu.memory_space<hbm>> -> memref<10000x128xf32, #tpu.memory_space<hbm>>
      tpu.enqueue_indirect_dma source(%dma_start3A_179 : memref<10000x128xf32, #tpu.memory_space<hbm>>) target(%dma_start3A_173 : memref<128x128xf32, #tpu.memory_space<vmem>>) offsets(%dma_start3A_176 : memref<128xi32, #tpu.memory_space<vmem>>) semaphore(%arg10 : memref<!tpu.dma_semaphore, #tpu.memory_space<semaphore_mem>>)
      %mul3A_180 = arith.constant 2 : i32
      %mul3A_181 = arith.muli %scan3A_150, %mul3A_180 : i32
      %add3A_182 = arith.constant 1 : i32
      %add3A_183 = arith.addi %mul3A_181, %add3A_182 : i32
      %dma_wait3A_184 = arith.constant 1 : i32
      %dma_wait3A_185 = arith.constant 0 : i32
      %dma_wait3A_186 = arith.constant 0 : i32
      %dma_wait3A_187 = tpu.memref_slice %arg8[%dma_wait3A_184, %dma_wait3A_185, %dma_wait3A_186] : memref<2x128x128xf32, #tpu.memory_space<vmem>> -> memref<1x128x128xf32, #tpu.memory_space<vmem>>
      %dma_wait3A_188 = tpu.memref_squeeze %dma_wait3A_187 : memref<1x128x128xf32, #tpu.memory_space<vmem>> -> memref<128x128xf32, #tpu.memory_space<vmem>>
      %dma_wait3A_189 = arith.constant 0 : i32
      %dma_wait3A_190 = tpu.memref_slice %arg6[%add3A_183, %dma_wait3A_189] : memref<40x128xi32, #tpu.memory_space<vmem>> -> memref<1x128xi32, #tpu.memory_space<vmem>>
      %dma_wait3A_191 = tpu.memref_squeeze %dma_wait3A_190 : memref<1x128xi32, #tpu.memory_space<vmem>> -> memref<128xi32, #tpu.memory_space<vmem>>
      %dma_wait3A_192 = arith.constant 0 : i32
      %dma_wait3A_193 = arith.constant 0 : i32
      %dma_wait3A_194 = tpu.memref_slice %arg2[%dma_wait3A_192, %dma_wait3A_193] : memref<10000x128xf32, #tpu.memory_space<hbm>> -> memref<10000x128xf32, #tpu.memory_space<hbm>>
      tpu.wait_indirect_dma semaphore(%arg11 : memref<!tpu.dma_semaphore, #tpu.memory_space<semaphore_mem>>) src(%dma_wait3A_194 : memref<10000x128xf32, #tpu.memory_space<hbm>>) dst(%dma_wait3A_188 : memref<128x128xf32, #tpu.memory_space<vmem>>)
      %run_scoped3A_195 = arith.constant 1 : i32
      "tpu.region"() ({
        %run_scoped3A_209 = tpu.sem_alloc : memref<!tpu.dma_semaphore, #tpu.memory_space<semaphore_mem>>
        %dma_start3A_210 = arith.constant 0 : i32
        %dma_start3A_211 = arith.constant 0 : i32
        %dma_start3A_212 = tpu.memref_slice %arg8[%run_scoped3A_195, %dma_start3A_210, %dma_start3A_211] : memref<2x128x128xf32, #tpu.memory_space<vmem>> -> memref<1x128x128xf32, #tpu.memory_space<vmem>>
        %dma_start3A_213 = tpu.memref_squeeze %dma_start3A_212 : memref<1x128x128xf32, #tpu.memory_space<vmem>> -> memref<128x128xf32, #tpu.memory_space<vmem>>
        %dma_start3A_214 = arith.constant 0 : i32
        %dma_start3A_215 = tpu.memref_slice %arg7[%add3A_183, %dma_start3A_214] : memref<40x128xi32, #tpu.memory_space<vmem>> -> memref<1x128xi32, #tpu.memory_space<vmem>>
        %dma_start3A_216 = tpu.memref_squeeze %dma_start3A_215 : memref<1x128xi32, #tpu.memory_space<vmem>> -> memref<128xi32, #tpu.memory_space<vmem>>
        %dma_start3A_217 = arith.constant 0 : i32
        %dma_start3A_218 = arith.constant 0 : i32
        %dma_start3A_219 = tpu.memref_slice %arg9[%dma_start3A_217, %dma_start3A_218] : memref<10240x128xf32, #tpu.memory_space<vmem_shared>> -> memref<10240x128xf32, #tpu.memory_space<vmem_shared>>
        tpu.enqueue_indirect_dma source(%dma_start3A_213 : memref<128x128xf32, #tpu.memory_space<vmem>>) target(%dma_start3A_219 : memref<10240x128xf32, #tpu.memory_space<vmem_shared>>) offsets(%dma_start3A_216 : memref<128xi32, #tpu.memory_space<vmem>>) semaphore(%run_scoped3A_209 : memref<!tpu.dma_semaphore, #tpu.memory_space<semaphore_mem>>) {add = true}
        %dma_wait3A_220 = arith.constant 0 : i32
        %dma_wait3A_221 = arith.constant 0 : i32
        %dma_wait3A_222 = tpu.memref_slice %arg8[%run_scoped3A_195, %dma_wait3A_220, %dma_wait3A_221] : memref<2x128x128xf32, #tpu.memory_space<vmem>> -> memref<1x128x128xf32, #tpu.memory_space<vmem>>
        %dma_wait3A_223 = tpu.memref_squeeze %dma_wait3A_222 : memref<1x128x128xf32, #tpu.memory_space<vmem>> -> memref<128x128xf32, #tpu.memory_space<vmem>>
        %dma_wait3A_224 = arith.constant 0 : i32
        %dma_wait3A_225 = tpu.memref_slice %arg7[%add3A_183, %dma_wait3A_224] : memref<40x128xi32, #tpu.memory_space<vmem>> -> memref<1x128xi32, #tpu.memory_space<vmem>>
        %dma_wait3A_226 = tpu.memref_squeeze %dma_wait3A_225 : memref<1x128xi32, #tpu.memory_space<vmem>> -> memref<128xi32, #tpu.memory_space<vmem>>
        %dma_wait3A_227 = arith.constant 0 : i32
        %dma_wait3A_228 = arith.constant 0 : i32
        %dma_wait3A_229 = tpu.memref_slice %arg9[%dma_wait3A_227, %dma_wait3A_228] : memref<10240x128xf32, #tpu.memory_space<vmem_shared>> -> memref<10240x128xf32, #tpu.memory_space<vmem_shared>>
        tpu.wait_indirect_dma semaphore(%run_scoped3A_209 : memref<!tpu.dma_semaphore, #tpu.memory_space<semaphore_mem>>) src(%dma_wait3A_223 : memref<128x128xf32, #tpu.memory_space<vmem>>) dst(%dma_wait3A_229 : memref<10240x128xf32, #tpu.memory_space<vmem_shared>>)
        tpu.yield
      }) : () -> ()
      %add3A_196 = arith.constant 2 : i32
      %add3A_197 = arith.addi %add3A_183, %add3A_196 : i32
      %dma_start3A_198 = arith.constant 1 : i32
      %dma_start3A_199 = arith.constant 0 : i32
      %dma_start3A_200 = arith.constant 0 : i32
      %dma_start3A_201 = tpu.memref_slice %arg8[%dma_start3A_198, %dma_start3A_199, %dma_start3A_200] : memref<2x128x128xf32, #tpu.memory_space<vmem>> -> memref<1x128x128xf32, #tpu.memory_space<vmem>>
      %dma_start3A_202 = tpu.memref_squeeze %dma_start3A_201 : memref<1x128x128xf32, #tpu.memory_space<vmem>> -> memref<128x128xf32, #tpu.memory_space<vmem>>
      %dma_start3A_203 = arith.constant 0 : i32
      %dma_start3A_204 = tpu.memref_slice %arg6[%add3A_197, %dma_start3A_203] : memref<40x128xi32, #tpu.memory_space<vmem>> -> memref<1x128xi32, #tpu.memory_space<vmem>>
      %dma_start3A_205 = tpu.memref_squeeze %dma_start3A_204 : memref<1x128xi32, #tpu.memory_space<vmem>> -> memref<128xi32, #tpu.memory_space<vmem>>
      %dma_start3A_206 = arith.constant 0 : i32
      %dma_start3A_207 = arith.constant 0 : i32
      %dma_start3A_208 = tpu.memref_slice %arg2[%dma_start3A_206, %dma_start3A_207] : memref<10000x128xf32, #tpu.memory_space<hbm>> -> memref<10000x128xf32, #tpu.memory_space<hbm>>
      tpu.enqueue_indirect_dma source(%dma_start3A_208 : memref<10000x128xf32, #tpu.memory_space<hbm>>) target(%dma_start3A_202 : memref<128x128xf32, #tpu.memory_space<vmem>>) offsets(%dma_start3A_205 : memref<128xi32, #tpu.memory_space<vmem>>) semaphore(%arg11 : memref<!tpu.dma_semaphore, #tpu.memory_space<semaphore_mem>>)
    }
    %scan3A_59 = arith.constant 19 : i32
    %dma_wait3A = arith.constant 38 : i32
    %dma_wait3A_60 = arith.constant 0 : i32
    %dma_wait3A_61 = arith.constant 0 : i32
    %dma_wait3A_62 = arith.constant 0 : i32
    %dma_wait3A_63 = tpu.memref_slice %arg8[%dma_wait3A_60, %dma_wait3A_61, %dma_wait3A_62] : memref<2x128x128xf32, #tpu.memory_space<vmem>> -> memref<1x128x128xf32, #tpu.memory_space<vmem>>
    %dma_wait3A_64 = tpu.memref_squeeze %dma_wait3A_63 : memref<1x128x128xf32, #tpu.memory_space<vmem>> -> memref<128x128xf32, #tpu.memory_space<vmem>>
    %dma_wait3A_65 = arith.constant 0 : i32
    %dma_wait3A_66 = tpu.memref_slice %arg6[%dma_wait3A, %dma_wait3A_65] : memref<40x128xi32, #tpu.memory_space<vmem>> -> memref<1x128xi32, #tpu.memory_space<vmem>>
    %dma_wait3A_67 = tpu.memref_squeeze %dma_wait3A_66 : memref<1x128xi32, #tpu.memory_space<vmem>> -> memref<128xi32, #tpu.memory_space<vmem>>
    %dma_wait3A_68 = arith.constant 0 : i32
    %dma_wait3A_69 = arith.constant 0 : i32
    %dma_wait3A_70 = tpu.memref_slice %arg2[%dma_wait3A_68, %dma_wait3A_69] : memref<10000x128xf32, #tpu.memory_space<hbm>> -> memref<10000x128xf32, #tpu.memory_space<hbm>>
    tpu.wait_indirect_dma semaphore(%arg10 : memref<!tpu.dma_semaphore, #tpu.memory_space<semaphore_mem>>) src(%dma_wait3A_70 : memref<10000x128xf32, #tpu.memory_space<hbm>>) dst(%dma_wait3A_64 : memref<128x128xf32, #tpu.memory_space<vmem>>)
    %run_scoped3A_71 = arith.constant 0 : i32
    %run_scoped3A_72 = arith.constant 38 : i32
    "tpu.region"() ({
      %run_scoped3A_150 = tpu.sem_alloc : memref<!tpu.dma_semaphore, #tpu.memory_space<semaphore_mem>>
      %dma_start3A_151 = arith.constant 0 : i32
      %dma_start3A_152 = arith.constant 0 : i32
      %dma_start3A_153 = tpu.memref_slice %arg8[%run_scoped3A_71, %dma_start3A_151, %dma_start3A_152] : memref<2x128x128xf32, #tpu.memory_space<vmem>> -> memref<1x128x128xf32, #tpu.memory_space<vmem>>
      %dma_start3A_154 = tpu.memref_squeeze %dma_start3A_153 : memref<1x128x128xf32, #tpu.memory_space<vmem>> -> memref<128x128xf32, #tpu.memory_space<vmem>>
      %dma_start3A_155 = arith.constant 0 : i32
      %dma_start3A_156 = tpu.memref_slice %arg7[%run_scoped3A_72, %dma_start3A_155] : memref<40x128xi32, #tpu.memory_space<vmem>> -> memref<1x128xi32, #tpu.memory_space<vmem>>
      %dma_start3A_157 = tpu.memref_squeeze %dma_start3A_156 : memref<1x128xi32, #tpu.memory_space<vmem>> -> memref<128xi32, #tpu.memory_space<vmem>>
      %dma_start3A_158 = arith.constant 0 : i32
      %dma_start3A_159 = arith.constant 0 : i32
      %dma_start3A_160 = tpu.memref_slice %arg9[%dma_start3A_158, %dma_start3A_159] : memref<10240x128xf32, #tpu.memory_space<vmem_shared>> -> memref<10240x128xf32, #tpu.memory_space<vmem_shared>>
      tpu.enqueue_indirect_dma source(%dma_start3A_154 : memref<128x128xf32, #tpu.memory_space<vmem>>) target(%dma_start3A_160 : memref<10240x128xf32, #tpu.memory_space<vmem_shared>>) offsets(%dma_start3A_157 : memref<128xi32, #tpu.memory_space<vmem>>) semaphore(%run_scoped3A_150 : memref<!tpu.dma_semaphore, #tpu.memory_space<semaphore_mem>>) {add = true}
      %dma_wait3A_161 = arith.constant 0 : i32
      %dma_wait3A_162 = arith.constant 0 : i32
      %dma_wait3A_163 = tpu.memref_slice %arg8[%run_scoped3A_71, %dma_wait3A_161, %dma_wait3A_162] : memref<2x128x128xf32, #tpu.memory_space<vmem>> -> memref<1x128x128xf32, #tpu.memory_space<vmem>>
      %dma_wait3A_164 = tpu.memref_squeeze %dma_wait3A_163 : memref<1x128x128xf32, #tpu.memory_space<vmem>> -> memref<128x128xf32, #tpu.memory_space<vmem>>
      %dma_wait3A_165 = arith.constant 0 : i32
      %dma_wait3A_166 = tpu.memref_slice %arg7[%run_scoped3A_72, %dma_wait3A_165] : memref<40x128xi32, #tpu.memory_space<vmem>> -> memref<1x128xi32, #tpu.memory_space<vmem>>
      %dma_wait3A_167 = tpu.memref_squeeze %dma_wait3A_166 : memref<1x128xi32, #tpu.memory_space<vmem>> -> memref<128xi32, #tpu.memory_space<vmem>>
      %dma_wait3A_168 = arith.constant 0 : i32
      %dma_wait3A_169 = arith.constant 0 : i32
      %dma_wait3A_170 = tpu.memref_slice %arg9[%dma_wait3A_168, %dma_wait3A_169] : memref<10240x128xf32, #tpu.memory_space<vmem_shared>> -> memref<10240x128xf32, #tpu.memory_space<vmem_shared>>
      tpu.wait_indirect_dma semaphore(%run_scoped3A_150 : memref<!tpu.dma_semaphore, #tpu.memory_space<semaphore_mem>>) src(%dma_wait3A_164 : memref<128x128xf32, #tpu.memory_space<vmem>>) dst(%dma_wait3A_170 : memref<10240x128xf32, #tpu.memory_space<vmem_shared>>)
      tpu.yield
    }) : () -> ()
    %dma_wait3A_73 = arith.constant 39 : i32
    %dma_wait3A_74 = arith.constant 1 : i32
    %dma_wait3A_75 = arith.constant 0 : i32
    %dma_wait3A_76 = arith.constant 0 : i32
    %dma_wait3A_77 = tpu.memref_slice %arg8[%dma_wait3A_74, %dma_wait3A_75, %dma_wait3A_76] : memref<2x128x128xf32, #tpu.memory_space<vmem>> -> memref<1x128x128xf32, #tpu.memory_space<vmem>>
    %dma_wait3A_78 = tpu.memref_squeeze %dma_wait3A_77 : memref<1x128x128xf32, #tpu.memory_space<vmem>> -> memref<128x128xf32, #tpu.memory_space<vmem>>
    %dma_wait3A_79 = arith.constant 0 : i32
    %dma_wait3A_80 = tpu.memref_slice %arg6[%dma_wait3A_73, %dma_wait3A_79] : memref<40x128xi32, #tpu.memory_space<vmem>> -> memref<1x128xi32, #tpu.memory_space<vmem>>
    %dma_wait3A_81 = tpu.memref_squeeze %dma_wait3A_80 : memref<1x128xi32, #tpu.memory_space<vmem>> -> memref<128xi32, #tpu.memory_space<vmem>>
    %dma_wait3A_82 = arith.constant 0 : i32
    %dma_wait3A_83 = arith.constant 0 : i32
    %dma_wait3A_84 = tpu.memref_slice %arg2[%dma_wait3A_82, %dma_wait3A_83] : memref<10000x128xf32, #tpu.memory_space<hbm>> -> memref<10000x128xf32, #tpu.memory_space<hbm>>
    tpu.wait_indirect_dma semaphore(%arg11 : memref<!tpu.dma_semaphore, #tpu.memory_space<semaphore_mem>>) src(%dma_wait3A_84 : memref<10000x128xf32, #tpu.memory_space<hbm>>) dst(%dma_wait3A_78 : memref<128x128xf32, #tpu.memory_space<vmem>>)
    %run_scoped3A_85 = arith.constant 1 : i32
    %run_scoped3A_86 = arith.constant 39 : i32
    "tpu.region"() ({
      %run_scoped3A_150 = tpu.sem_alloc : memref<!tpu.dma_semaphore, #tpu.memory_space<semaphore_mem>>
      %dma_start3A_151 = arith.constant 0 : i32
      %dma_start3A_152 = arith.constant 0 : i32
      %dma_start3A_153 = tpu.memref_slice %arg8[%run_scoped3A_85, %dma_start3A_151, %dma_start3A_152] : memref<2x128x128xf32, #tpu.memory_space<vmem>> -> memref<1x128x128xf32, #tpu.memory_space<vmem>>
      %dma_start3A_154 = tpu.memref_squeeze %dma_start3A_153 : memref<1x128x128xf32, #tpu.memory_space<vmem>> -> memref<128x128xf32, #tpu.memory_space<vmem>>
      %dma_start3A_155 = arith.constant 0 : i32
      %dma_start3A_156 = tpu.memref_slice %arg7[%run_scoped3A_86, %dma_start3A_155] : memref<40x128xi32, #tpu.memory_space<vmem>> -> memref<1x128xi32, #tpu.memory_space<vmem>>
      %dma_start3A_157 = tpu.memref_squeeze %dma_start3A_156 : memref<1x128xi32, #tpu.memory_space<vmem>> -> memref<128xi32, #tpu.memory_space<vmem>>
      %dma_start3A_158 = arith.constant 0 : i32
      %dma_start3A_159 = arith.constant 0 : i32
      %dma_start3A_160 = tpu.memref_slice %arg9[%dma_start3A_158, %dma_start3A_159] : memref<10240x128xf32, #tpu.memory_space<vmem_shared>> -> memref<10240x128xf32, #tpu.memory_space<vmem_shared>>
      tpu.enqueue_indirect_dma source(%dma_start3A_154 : memref<128x128xf32, #tpu.memory_space<vmem>>) target(%dma_start3A_160 : memref<10240x128xf32, #tpu.memory_space<vmem_shared>>) offsets(%dma_start3A_157 : memref<128xi32, #tpu.memory_space<vmem>>) semaphore(%run_scoped3A_150 : memref<!tpu.dma_semaphore, #tpu.memory_space<semaphore_mem>>) {add = true}
      %dma_wait3A_161 = arith.constant 0 : i32
      %dma_wait3A_162 = arith.constant 0 : i32
      %dma_wait3A_163 = tpu.memref_slice %arg8[%run_scoped3A_85, %dma_wait3A_161, %dma_wait3A_162] : memref<2x128x128xf32, #tpu.memory_space<vmem>> -> memref<1x128x128xf32, #tpu.memory_space<vmem>>
      %dma_wait3A_164 = tpu.memref_squeeze %dma_wait3A_163 : memref<1x128x128xf32, #tpu.memory_space<vmem>> -> memref<128x128xf32, #tpu.memory_space<vmem>>
      %dma_wait3A_165 = arith.constant 0 : i32
      %dma_wait3A_166 = tpu.memref_slice %arg7[%run_scoped3A_86, %dma_wait3A_165] : memref<40x128xi32, #tpu.memory_space<vmem>> -> memref<1x128xi32, #tpu.memory_space<vmem>>
      %dma_wait3A_167 = tpu.memref_squeeze %dma_wait3A_166 : memref<1x128xi32, #tpu.memory_space<vmem>> -> memref<128xi32, #tpu.memory_space<vmem>>
      %dma_wait3A_168 = arith.constant 0 : i32
      %dma_wait3A_169 = arith.constant 0 : i32
      %dma_wait3A_170 = tpu.memref_slice %arg9[%dma_wait3A_168, %dma_wait3A_169] : memref<10240x128xf32, #tpu.memory_space<vmem_shared>> -> memref<10240x128xf32, #tpu.memory_space<vmem_shared>>
      tpu.wait_indirect_dma semaphore(%run_scoped3A_150 : memref<!tpu.dma_semaphore, #tpu.memory_space<semaphore_mem>>) src(%dma_wait3A_164 : memref<128x128xf32, #tpu.memory_space<vmem>>) dst(%dma_wait3A_170 : memref<10240x128xf32, #tpu.memory_space<vmem_shared>>)
      tpu.yield
    }) : () -> ()
    "tpu.region"() ({
      %run_scoped3A_150 = tpu.sem_alloc : memref<!tpu.dma_semaphore, #tpu.memory_space<semaphore_mem>>
      %dma_start3A_151 = arith.constant 40 : i32
      %dma_start3A_152 = arith.constant 0 : i32
      %dma_start3A_153 = tpu.memref_slice %arg3[%add3A, %dma_start3A_151, %dma_start3A_152] : memref<32x80x128xi32, #tpu.memory_space<hbm>> -> memref<1x40x128xi32, #tpu.memory_space<hbm>>
      %dma_start3A_154 = tpu.memref_squeeze %dma_start3A_153 : memref<1x40x128xi32, #tpu.memory_space<hbm>> -> memref<40x128xi32, #tpu.memory_space<hbm>>
      %dma_start3A_155 = arith.constant 40 : i32
      %dma_start3A_156 = arith.constant 0 : i32
      %dma_start3A_157 = tpu.memref_slice %arg3[%add3A, %dma_start3A_155, %dma_start3A_156] : memref<32x80x128xi32, #tpu.memory_space<hbm>> -> memref<1x40x128xi32, #tpu.memory_space<hbm>>
      %dma_start3A_158 = tpu.memref_squeeze %dma_start3A_157 : memref<1x40x128xi32, #tpu.memory_space<hbm>> -> memref<40x128xi32, #tpu.memory_space<hbm>>
      tpu.enqueue_dma source(%dma_start3A_158 : memref<40x128xi32, #tpu.memory_space<hbm>>) target(%arg6 : memref<40x128xi32, #tpu.memory_space<vmem>>) target_semaphore(%run_scoped3A_150 : memref<!tpu.dma_semaphore, #tpu.memory_space<semaphore_mem>>)
      %dma_wait3A_159 = arith.constant 40 : i32
      %dma_wait3A_160 = arith.constant 0 : i32
      %dma_wait3A_161 = tpu.memref_slice %arg3[%add3A, %dma_wait3A_159, %dma_wait3A_160] : memref<32x80x128xi32, #tpu.memory_space<hbm>> -> memref<1x40x128xi32, #tpu.memory_space<hbm>>
      %dma_wait3A_162 = tpu.memref_squeeze %dma_wait3A_161 : memref<1x40x128xi32, #tpu.memory_space<hbm>> -> memref<40x128xi32, #tpu.memory_space<hbm>>
      %dma_wait3A_163 = arith.constant 40 : i32
      %dma_wait3A_164 = arith.constant 0 : i32
      %dma_wait3A_165 = tpu.memref_slice %arg3[%add3A, %dma_wait3A_163, %dma_wait3A_164] : memref<32x80x128xi32, #tpu.memory_space<hbm>> -> memref<1x40x128xi32, #tpu.memory_space<hbm>>
      %dma_wait3A_166 = tpu.memref_squeeze %dma_wait3A_165 : memref<1x40x128xi32, #tpu.memory_space<hbm>> -> memref<40x128xi32, #tpu.memory_space<hbm>>
      tpu.wait_dma2 semaphore(%run_scoped3A_150 : memref<!tpu.dma_semaphore, #tpu.memory_space<semaphore_mem>>) src(%dma_wait3A_166 : memref<40x128xi32, #tpu.memory_space<hbm>>) dst(%arg6 : memref<40x128xi32, #tpu.memory_space<vmem>>)
      tpu.yield
    }) : () -> ()
    "tpu.region"() ({
      %run_scoped3A_150 = tpu.sem_alloc : memref<!tpu.dma_semaphore, #tpu.memory_space<semaphore_mem>>
      %dma_start3A_151 = arith.constant 40 : i32
      %dma_start3A_152 = arith.constant 0 : i32
      %dma_start3A_153 = tpu.memref_slice %arg4[%add3A, %dma_start3A_151, %dma_start3A_152] : memref<32x80x128xi32, #tpu.memory_space<hbm>> -> memref<1x40x128xi32, #tpu.memory_space<hbm>>
      %dma_start3A_154 = tpu.memref_squeeze %dma_start3A_153 : memref<1x40x128xi32, #tpu.memory_space<hbm>> -> memref<40x128xi32, #tpu.memory_space<hbm>>
      %dma_start3A_155 = arith.constant 40 : i32
      %dma_start3A_156 = arith.constant 0 : i32
      %dma_start3A_157 = tpu.memref_slice %arg4[%add3A, %dma_start3A_155, %dma_start3A_156] : memref<32x80x128xi32, #tpu.memory_space<hbm>> -> memref<1x40x128xi32, #tpu.memory_space<hbm>>
      %dma_start3A_158 = tpu.memref_squeeze %dma_start3A_157 : memref<1x40x128xi32, #tpu.memory_space<hbm>> -> memref<40x128xi32, #tpu.memory_space<hbm>>
      tpu.enqueue_dma source(%dma_start3A_158 : memref<40x128xi32, #tpu.memory_space<hbm>>) target(%arg7 : memref<40x128xi32, #tpu.memory_space<vmem>>) target_semaphore(%run_scoped3A_150 : memref<!tpu.dma_semaphore, #tpu.memory_space<semaphore_mem>>)
      %dma_wait3A_159 = arith.constant 40 : i32
      %dma_wait3A_160 = arith.constant 0 : i32
      %dma_wait3A_161 = tpu.memref_slice %arg4[%add3A, %dma_wait3A_159, %dma_wait3A_160] : memref<32x80x128xi32, #tpu.memory_space<hbm>> -> memref<1x40x128xi32, #tpu.memory_space<hbm>>
      %dma_wait3A_162 = tpu.memref_squeeze %dma_wait3A_161 : memref<1x40x128xi32, #tpu.memory_space<hbm>> -> memref<40x128xi32, #tpu.memory_space<hbm>>
      %dma_wait3A_163 = arith.constant 40 : i32
      %dma_wait3A_164 = arith.constant 0 : i32
      %dma_wait3A_165 = tpu.memref_slice %arg4[%add3A, %dma_wait3A_163, %dma_wait3A_164] : memref<32x80x128xi32, #tpu.memory_space<hbm>> -> memref<1x40x128xi32, #tpu.memory_space<hbm>>
      %dma_wait3A_166 = tpu.memref_squeeze %dma_wait3A_165 : memref<1x40x128xi32, #tpu.memory_space<hbm>> -> memref<40x128xi32, #tpu.memory_space<hbm>>
      tpu.wait_dma2 semaphore(%run_scoped3A_150 : memref<!tpu.dma_semaphore, #tpu.memory_space<semaphore_mem>>) src(%dma_wait3A_166 : memref<40x128xi32, #tpu.memory_space<hbm>>) dst(%arg7 : memref<40x128xi32, #tpu.memory_space<vmem>>)
      tpu.yield
    }) : () -> ()
    %dma_start3A_87 = arith.constant 0 : i32
    %dma_start3A_88 = arith.constant 0 : i32
    %dma_start3A_89 = arith.constant 0 : i32
    %dma_start3A_90 = arith.constant 0 : i32
    %dma_start3A_91 = tpu.memref_slice %arg8[%dma_start3A_88, %dma_start3A_89, %dma_start3A_90] : memref<2x128x128xf32, #tpu.memory_space<vmem>> -> memref<1x128x128xf32, #tpu.memory_space<vmem>>
    %dma_start3A_92 = tpu.memref_squeeze %dma_start3A_91 : memref<1x128x128xf32, #tpu.memory_space<vmem>> -> memref<128x128xf32, #tpu.memory_space<vmem>>
    %dma_start3A_93 = arith.constant 0 : i32
    %dma_start3A_94 = tpu.memref_slice %arg6[%dma_start3A_87, %dma_start3A_93] : memref<40x128xi32, #tpu.memory_space<vmem>> -> memref<1x128xi32, #tpu.memory_space<vmem>>
    %dma_start3A_95 = tpu.memref_squeeze %dma_start3A_94 : memref<1x128xi32, #tpu.memory_space<vmem>> -> memref<128xi32, #tpu.memory_space<vmem>>
    %dma_start3A_96 = arith.constant 0 : i32
    %dma_start3A_97 = arith.constant 0 : i32
    %dma_start3A_98 = tpu.memref_slice %arg2[%dma_start3A_96, %dma_start3A_97] : memref<10000x128xf32, #tpu.memory_space<hbm>> -> memref<10000x128xf32, #tpu.memory_space<hbm>>
    tpu.enqueue_indirect_dma source(%dma_start3A_98 : memref<10000x128xf32, #tpu.memory_space<hbm>>) target(%dma_start3A_92 : memref<128x128xf32, #tpu.memory_space<vmem>>) offsets(%dma_start3A_95 : memref<128xi32, #tpu.memory_space<vmem>>) semaphore(%arg10 : memref<!tpu.dma_semaphore, #tpu.memory_space<semaphore_mem>>)
    %dma_start3A_99 = arith.constant 1 : i32
    %dma_start3A_100 = arith.constant 1 : i32
    %dma_start3A_101 = arith.constant 0 : i32
    %dma_start3A_102 = arith.constant 0 : i32
    %dma_start3A_103 = tpu.memref_slice %arg8[%dma_start3A_100, %dma_start3A_101, %dma_start3A_102] : memref<2x128x128xf32, #tpu.memory_space<vmem>> -> memref<1x128x128xf32, #tpu.memory_space<vmem>>
    %dma_start3A_104 = tpu.memref_squeeze %dma_start3A_103 : memref<1x128x128xf32, #tpu.memory_space<vmem>> -> memref<128x128xf32, #tpu.memory_space<vmem>>
    %dma_start3A_105 = arith.constant 0 : i32
    %dma_start3A_106 = tpu.memref_slice %arg6[%dma_start3A_99, %dma_start3A_105] : memref<40x128xi32, #tpu.memory_space<vmem>> -> memref<1x128xi32, #tpu.memory_space<vmem>>
    %dma_start3A_107 = tpu.memref_squeeze %dma_start3A_106 : memref<1x128xi32, #tpu.memory_space<vmem>> -> memref<128xi32, #tpu.memory_space<vmem>>
    %dma_start3A_108 = arith.constant 0 : i32
    %dma_start3A_109 = arith.constant 0 : i32
    %dma_start3A_110 = tpu.memref_slice %arg2[%dma_start3A_108, %dma_start3A_109] : memref<10000x128xf32, #tpu.memory_space<hbm>> -> memref<10000x128xf32, #tpu.memory_space<hbm>>
    tpu.enqueue_indirect_dma source(%dma_start3A_110 : memref<10000x128xf32, #tpu.memory_space<hbm>>) target(%dma_start3A_104 : memref<128x128xf32, #tpu.memory_space<vmem>>) offsets(%dma_start3A_107 : memref<128xi32, #tpu.memory_space<vmem>>) semaphore(%arg11 : memref<!tpu.dma_semaphore, #tpu.memory_space<semaphore_mem>>)
    %scan3A_111 = arith.constant 0 : i32
    %scan3A_112 = arith.constant 0 : i32
    %scan3A_113 = arith.constant 19 : i32
    %scan3A_114 = arith.addi %scan3A_112, %scan3A_113 : i32
    %scan3A_115 = arith.constant 1 : i32
    scf.for %scan3A_150 = %scan3A_112 to %scan3A_114 step %scan3A_115  : i32 {
      %mul3A_151 = arith.constant 2 : i32
      %mul3A_152 = arith.muli %scan3A_150, %mul3A_151 : i32
      %add3A_153 = arith.constant 0 : i32
      %add3A_154 = arith.addi %mul3A_152, %add3A_153 : i32
      %dma_wait3A_155 = arith.constant 0 : i32
      %dma_wait3A_156 = arith.constant 0 : i32
      %dma_wait3A_157 = arith.constant 0 : i32
      %dma_wait3A_158 = tpu.memref_slice %arg8[%dma_wait3A_155, %dma_wait3A_156, %dma_wait3A_157] : memref<2x128x128xf32, #tpu.memory_space<vmem>> -> memref<1x128x128xf32, #tpu.memory_space<vmem>>
      %dma_wait3A_159 = tpu.memref_squeeze %dma_wait3A_158 : memref<1x128x128xf32, #tpu.memory_space<vmem>> -> memref<128x128xf32, #tpu.memory_space<vmem>>
      %dma_wait3A_160 = arith.constant 0 : i32
      %dma_wait3A_161 = tpu.memref_slice %arg6[%add3A_154, %dma_wait3A_160] : memref<40x128xi32, #tpu.memory_space<vmem>> -> memref<1x128xi32, #tpu.memory_space<vmem>>
      %dma_wait3A_162 = tpu.memref_squeeze %dma_wait3A_161 : memref<1x128xi32, #tpu.memory_space<vmem>> -> memref<128xi32, #tpu.memory_space<vmem>>
      %dma_wait3A_163 = arith.constant 0 : i32
      %dma_wait3A_164 = arith.constant 0 : i32
      %dma_wait3A_165 = tpu.memref_slice %arg2[%dma_wait3A_163, %dma_wait3A_164] : memref<10000x128xf32, #tpu.memory_space<hbm>> -> memref<10000x128xf32, #tpu.memory_space<hbm>>
      tpu.wait_indirect_dma semaphore(%arg10 : memref<!tpu.dma_semaphore, #tpu.memory_space<semaphore_mem>>) src(%dma_wait3A_165 : memref<10000x128xf32, #tpu.memory_space<hbm>>) dst(%dma_wait3A_159 : memref<128x128xf32, #tpu.memory_space<vmem>>)
      %run_scoped3A_166 = arith.constant 0 : i32
      "tpu.region"() ({
        %run_scoped3A_209 = tpu.sem_alloc : memref<!tpu.dma_semaphore, #tpu.memory_space<semaphore_mem>>
        %dma_start3A_210 = arith.constant 0 : i32
        %dma_start3A_211 = arith.constant 0 : i32
        %dma_start3A_212 = tpu.memref_slice %arg8[%run_scoped3A_166, %dma_start3A_210, %dma_start3A_211] : memref<2x128x128xf32, #tpu.memory_space<vmem>> -> memref<1x128x128xf32, #tpu.memory_space<vmem>>
        %dma_start3A_213 = tpu.memref_squeeze %dma_start3A_212 : memref<1x128x128xf32, #tpu.memory_space<vmem>> -> memref<128x128xf32, #tpu.memory_space<vmem>>
        %dma_start3A_214 = arith.constant 0 : i32
        %dma_start3A_215 = tpu.memref_slice %arg7[%add3A_154, %dma_start3A_214] : memref<40x128xi32, #tpu.memory_space<vmem>> -> memref<1x128xi32, #tpu.memory_space<vmem>>
        %dma_start3A_216 = tpu.memref_squeeze %dma_start3A_215 : memref<1x128xi32, #tpu.memory_space<vmem>> -> memref<128xi32, #tpu.memory_space<vmem>>
        %dma_start3A_217 = arith.constant 0 : i32
        %dma_start3A_218 = arith.constant 0 : i32
        %dma_start3A_219 = tpu.memref_slice %arg9[%dma_start3A_217, %dma_start3A_218] : memref<10240x128xf32, #tpu.memory_space<vmem_shared>> -> memref<10240x128xf32, #tpu.memory_space<vmem_shared>>
        tpu.enqueue_indirect_dma source(%dma_start3A_213 : memref<128x128xf32, #tpu.memory_space<vmem>>) target(%dma_start3A_219 : memref<10240x128xf32, #tpu.memory_space<vmem_shared>>) offsets(%dma_start3A_216 : memref<128xi32, #tpu.memory_space<vmem>>) semaphore(%run_scoped3A_209 : memref<!tpu.dma_semaphore, #tpu.memory_space<semaphore_mem>>) {add = true}
        %dma_wait3A_220 = arith.constant 0 : i32
        %dma_wait3A_221 = arith.constant 0 : i32
        %dma_wait3A_222 = tpu.memref_slice %arg8[%run_scoped3A_166, %dma_wait3A_220, %dma_wait3A_221] : memref<2x128x128xf32, #tpu.memory_space<vmem>> -> memref<1x128x128xf32, #tpu.memory_space<vmem>>
        %dma_wait3A_223 = tpu.memref_squeeze %dma_wait3A_222 : memref<1x128x128xf32, #tpu.memory_space<vmem>> -> memref<128x128xf32, #tpu.memory_space<vmem>>
        %dma_wait3A_224 = arith.constant 0 : i32
        %dma_wait3A_225 = tpu.memref_slice %arg7[%add3A_154, %dma_wait3A_224] : memref<40x128xi32, #tpu.memory_space<vmem>> -> memref<1x128xi32, #tpu.memory_space<vmem>>
        %dma_wait3A_226 = tpu.memref_squeeze %dma_wait3A_225 : memref<1x128xi32, #tpu.memory_space<vmem>> -> memref<128xi32, #tpu.memory_space<vmem>>
        %dma_wait3A_227 = arith.constant 0 : i32
        %dma_wait3A_228 = arith.constant 0 : i32
        %dma_wait3A_229 = tpu.memref_slice %arg9[%dma_wait3A_227, %dma_wait3A_228] : memref<10240x128xf32, #tpu.memory_space<vmem_shared>> -> memref<10240x128xf32, #tpu.memory_space<vmem_shared>>
        tpu.wait_indirect_dma semaphore(%run_scoped3A_209 : memref<!tpu.dma_semaphore, #tpu.memory_space<semaphore_mem>>) src(%dma_wait3A_223 : memref<128x128xf32, #tpu.memory_space<vmem>>) dst(%dma_wait3A_229 : memref<10240x128xf32, #tpu.memory_space<vmem_shared>>)
        tpu.yield
      }) : () -> ()
      %add3A_167 = arith.constant 2 : i32
      %add3A_168 = arith.addi %add3A_154, %add3A_167 : i32
      %dma_start3A_169 = arith.constant 0 : i32
      %dma_start3A_170 = arith.constant 0 : i32
      %dma_start3A_171 = arith.constant 0 : i32
      %dma_start3A_172 = tpu.memref_slice %arg8[%dma_start3A_169, %dma_start3A_170, %dma_start3A_171] : memref<2x128x128xf32, #tpu.memory_space<vmem>> -> memref<1x128x128xf32, #tpu.memory_space<vmem>>
      %dma_start3A_173 = tpu.memref_squeeze %dma_start3A_172 : memref<1x128x128xf32, #tpu.memory_space<vmem>> -> memref<128x128xf32, #tpu.memory_space<vmem>>
      %dma_start3A_174 = arith.constant 0 : i32
      %dma_start3A_175 = tpu.memref_slice %arg6[%add3A_168, %dma_start3A_174] : memref<40x128xi32, #tpu.memory_space<vmem>> -> memref<1x128xi32, #tpu.memory_space<vmem>>
      %dma_start3A_176 = tpu.memref_squeeze %dma_start3A_175 : memref<1x128xi32, #tpu.memory_space<vmem>> -> memref<128xi32, #tpu.memory_space<vmem>>
      %dma_start3A_177 = arith.constant 0 : i32
      %dma_start3A_178 = arith.constant 0 : i32
      %dma_start3A_179 = tpu.memref_slice %arg2[%dma_start3A_177, %dma_start3A_178] : memref<10000x128xf32, #tpu.memory_space<hbm>> -> memref<10000x128xf32, #tpu.memory_space<hbm>>
      tpu.enqueue_indirect_dma source(%dma_start3A_179 : memref<10000x128xf32, #tpu.memory_space<hbm>>) target(%dma_start3A_173 : memref<128x128xf32, #tpu.memory_space<vmem>>) offsets(%dma_start3A_176 : memref<128xi32, #tpu.memory_space<vmem>>) semaphore(%arg10 : memref<!tpu.dma_semaphore, #tpu.memory_space<semaphore_mem>>)
      %mul3A_180 = arith.constant 2 : i32
      %mul3A_181 = arith.muli %scan3A_150, %mul3A_180 : i32
      %add3A_182 = arith.constant 1 : i32
      %add3A_183 = arith.addi %mul3A_181, %add3A_182 : i32
      %dma_wait3A_184 = arith.constant 1 : i32
      %dma_wait3A_185 = arith.constant 0 : i32
      %dma_wait3A_186 = arith.constant 0 : i32
      %dma_wait3A_187 = tpu.memref_slice %arg8[%dma_wait3A_184, %dma_wait3A_185, %dma_wait3A_186] : memref<2x128x128xf32, #tpu.memory_space<vmem>> -> memref<1x128x128xf32, #tpu.memory_space<vmem>>
      %dma_wait3A_188 = tpu.memref_squeeze %dma_wait3A_187 : memref<1x128x128xf32, #tpu.memory_space<vmem>> -> memref<128x128xf32, #tpu.memory_space<vmem>>
      %dma_wait3A_189 = arith.constant 0 : i32
      %dma_wait3A_190 = tpu.memref_slice %arg6[%add3A_183, %dma_wait3A_189] : memref<40x128xi32, #tpu.memory_space<vmem>> -> memref<1x128xi32, #tpu.memory_space<vmem>>
      %dma_wait3A_191 = tpu.memref_squeeze %dma_wait3A_190 : memref<1x128xi32, #tpu.memory_space<vmem>> -> memref<128xi32, #tpu.memory_space<vmem>>
      %dma_wait3A_192 = arith.constant 0 : i32
      %dma_wait3A_193 = arith.constant 0 : i32
      %dma_wait3A_194 = tpu.memref_slice %arg2[%dma_wait3A_192, %dma_wait3A_193] : memref<10000x128xf32, #tpu.memory_space<hbm>> -> memref<10000x128xf32, #tpu.memory_space<hbm>>
      tpu.wait_indirect_dma semaphore(%arg11 : memref<!tpu.dma_semaphore, #tpu.memory_space<semaphore_mem>>) src(%dma_wait3A_194 : memref<10000x128xf32, #tpu.memory_space<hbm>>) dst(%dma_wait3A_188 : memref<128x128xf32, #tpu.memory_space<vmem>>)
      %run_scoped3A_195 = arith.constant 1 : i32
      "tpu.region"() ({
        %run_scoped3A_209 = tpu.sem_alloc : memref<!tpu.dma_semaphore, #tpu.memory_space<semaphore_mem>>
        %dma_start3A_210 = arith.constant 0 : i32
        %dma_start3A_211 = arith.constant 0 : i32
        %dma_start3A_212 = tpu.memref_slice %arg8[%run_scoped3A_195, %dma_start3A_210, %dma_start3A_211] : memref<2x128x128xf32, #tpu.memory_space<vmem>> -> memref<1x128x128xf32, #tpu.memory_space<vmem>>
        %dma_start3A_213 = tpu.memref_squeeze %dma_start3A_212 : memref<1x128x128xf32, #tpu.memory_space<vmem>> -> memref<128x128xf32, #tpu.memory_space<vmem>>
        %dma_start3A_214 = arith.constant 0 : i32
        %dma_start3A_215 = tpu.memref_slice %arg7[%add3A_183, %dma_start3A_214] : memref<40x128xi32, #tpu.memory_space<vmem>> -> memref<1x128xi32, #tpu.memory_space<vmem>>
        %dma_start3A_216 = tpu.memref_squeeze %dma_start3A_215 : memref<1x128xi32, #tpu.memory_space<vmem>> -> memref<128xi32, #tpu.memory_space<vmem>>
        %dma_start3A_217 = arith.constant 0 : i32
        %dma_start3A_218 = arith.constant 0 : i32
        %dma_start3A_219 = tpu.memref_slice %arg9[%dma_start3A_217, %dma_start3A_218] : memref<10240x128xf32, #tpu.memory_space<vmem_shared>> -> memref<10240x128xf32, #tpu.memory_space<vmem_shared>>
        tpu.enqueue_indirect_dma source(%dma_start3A_213 : memref<128x128xf32, #tpu.memory_space<vmem>>) target(%dma_start3A_219 : memref<10240x128xf32, #tpu.memory_space<vmem_shared>>) offsets(%dma_start3A_216 : memref<128xi32, #tpu.memory_space<vmem>>) semaphore(%run_scoped3A_209 : memref<!tpu.dma_semaphore, #tpu.memory_space<semaphore_mem>>) {add = true}
        %dma_wait3A_220 = arith.constant 0 : i32
        %dma_wait3A_221 = arith.constant 0 : i32
        %dma_wait3A_222 = tpu.memref_slice %arg8[%run_scoped3A_195, %dma_wait3A_220, %dma_wait3A_221] : memref<2x128x128xf32, #tpu.memory_space<vmem>> -> memref<1x128x128xf32, #tpu.memory_space<vmem>>
        %dma_wait3A_223 = tpu.memref_squeeze %dma_wait3A_222 : memref<1x128x128xf32, #tpu.memory_space<vmem>> -> memref<128x128xf32, #tpu.memory_space<vmem>>
        %dma_wait3A_224 = arith.constant 0 : i32
        %dma_wait3A_225 = tpu.memref_slice %arg7[%add3A_183, %dma_wait3A_224] : memref<40x128xi32, #tpu.memory_space<vmem>> -> memref<1x128xi32, #tpu.memory_space<vmem>>
        %dma_wait3A_226 = tpu.memref_squeeze %dma_wait3A_225 : memref<1x128xi32, #tpu.memory_space<vmem>> -> memref<128xi32, #tpu.memory_space<vmem>>
        %dma_wait3A_227 = arith.constant 0 : i32
        %dma_wait3A_228 = arith.constant 0 : i32
        %dma_wait3A_229 = tpu.memref_slice %arg9[%dma_wait3A_227, %dma_wait3A_228] : memref<10240x128xf32, #tpu.memory_space<vmem_shared>> -> memref<10240x128xf32, #tpu.memory_space<vmem_shared>>
        tpu.wait_indirect_dma semaphore(%run_scoped3A_209 : memref<!tpu.dma_semaphore, #tpu.memory_space<semaphore_mem>>) src(%dma_wait3A_223 : memref<128x128xf32, #tpu.memory_space<vmem>>) dst(%dma_wait3A_229 : memref<10240x128xf32, #tpu.memory_space<vmem_shared>>)
        tpu.yield
      }) : () -> ()
      %add3A_196 = arith.constant 2 : i32
      %add3A_197 = arith.addi %add3A_183, %add3A_196 : i32
      %dma_start3A_198 = arith.constant 1 : i32
      %dma_start3A_199 = arith.constant 0 : i32
      %dma_start3A_200 = arith.constant 0 : i32
      %dma_start3A_201 = tpu.memref_slice %arg8[%dma_start3A_198, %dma_start3A_199, %dma_start3A_200] : memref<2x128x128xf32, #tpu.memory_space<vmem>> -> memref<1x128x128xf32, #tpu.memory_space<vmem>>
      %dma_start3A_202 = tpu.memref_squeeze %dma_start3A_201 : memref<1x128x128xf32, #tpu.memory_space<vmem>> -> memref<128x128xf32, #tpu.memory_space<vmem>>
      %dma_start3A_203 = arith.constant 0 : i32
      %dma_start3A_204 = tpu.memref_slice %arg6[%add3A_197, %dma_start3A_203] : memref<40x128xi32, #tpu.memory_space<vmem>> -> memref<1x128xi32, #tpu.memory_space<vmem>>
      %dma_start3A_205 = tpu.memref_squeeze %dma_start3A_204 : memref<1x128xi32, #tpu.memory_space<vmem>> -> memref<128xi32, #tpu.memory_space<vmem>>
      %dma_start3A_206 = arith.constant 0 : i32
      %dma_start3A_207 = arith.constant 0 : i32
      %dma_start3A_208 = tpu.memref_slice %arg2[%dma_start3A_206, %dma_start3A_207] : memref<10000x128xf32, #tpu.memory_space<hbm>> -> memref<10000x128xf32, #tpu.memory_space<hbm>>
      tpu.enqueue_indirect_dma source(%dma_start3A_208 : memref<10000x128xf32, #tpu.memory_space<hbm>>) target(%dma_start3A_202 : memref<128x128xf32, #tpu.memory_space<vmem>>) offsets(%dma_start3A_205 : memref<128xi32, #tpu.memory_space<vmem>>) semaphore(%arg11 : memref<!tpu.dma_semaphore, #tpu.memory_space<semaphore_mem>>)
    }
    %scan3A_116 = arith.constant 19 : i32
    %dma_wait3A_117 = arith.constant 38 : i32
    %dma_wait3A_118 = arith.constant 0 : i32
    %dma_wait3A_119 = arith.constant 0 : i32
    %dma_wait3A_120 = arith.constant 0 : i32
    %dma_wait3A_121 = tpu.memref_slice %arg8[%dma_wait3A_118, %dma_wait3A_119, %dma_wait3A_120] : memref<2x128x128xf32, #tpu.memory_space<vmem>> -> memref<1x128x128xf32, #tpu.memory_space<vmem>>
    %dma_wait3A_122 = tpu.memref_squeeze %dma_wait3A_121 : memref<1x128x128xf32, #tpu.memory_space<vmem>> -> memref<128x128xf32, #tpu.memory_space<vmem>>
    %dma_wait3A_123 = arith.constant 0 : i32
    %dma_wait3A_124 = tpu.memref_slice %arg6[%dma_wait3A_117, %dma_wait3A_123] : memref<40x128xi32, #tpu.memory_space<vmem>> -> memref<1x128xi32, #tpu.memory_space<vmem>>
    %dma_wait3A_125 = tpu.memref_squeeze %dma_wait3A_124 : memref<1x128xi32, #tpu.memory_space<vmem>> -> memref<128xi32, #tpu.memory_space<vmem>>
    %dma_wait3A_126 = arith.constant 0 : i32
    %dma_wait3A_127 = arith.constant 0 : i32
    %dma_wait3A_128 = tpu.memref_slice %arg2[%dma_wait3A_126, %dma_wait3A_127] : memref<10000x128xf32, #tpu.memory_space<hbm>> -> memref<10000x128xf32, #tpu.memory_space<hbm>>
    tpu.wait_indirect_dma semaphore(%arg10 : memref<!tpu.dma_semaphore, #tpu.memory_space<semaphore_mem>>) src(%dma_wait3A_128 : memref<10000x128xf32, #tpu.memory_space<hbm>>) dst(%dma_wait3A_122 : memref<128x128xf32, #tpu.memory_space<vmem>>)
    %run_scoped3A_129 = arith.constant 0 : i32
    %run_scoped3A_130 = arith.constant 38 : i32
    "tpu.region"() ({
      %run_scoped3A_150 = tpu.sem_alloc : memref<!tpu.dma_semaphore, #tpu.memory_space<semaphore_mem>>
      %dma_start3A_151 = arith.constant 0 : i32
      %dma_start3A_152 = arith.constant 0 : i32
      %dma_start3A_153 = tpu.memref_slice %arg8[%run_scoped3A_129, %dma_start3A_151, %dma_start3A_152] : memref<2x128x128xf32, #tpu.memory_space<vmem>> -> memref<1x128x128xf32, #tpu.memory_space<vmem>>
      %dma_start3A_154 = tpu.memref_squeeze %dma_start3A_153 : memref<1x128x128xf32, #tpu.memory_space<vmem>> -> memref<128x128xf32, #tpu.memory_space<vmem>>
      %dma_start3A_155 = arith.constant 0 : i32
      %dma_start3A_156 = tpu.memref_slice %arg7[%run_scoped3A_130, %dma_start3A_155] : memref<40x128xi32, #tpu.memory_space<vmem>> -> memref<1x128xi32, #tpu.memory_space<vmem>>
      %dma_start3A_157 = tpu.memref_squeeze %dma_start3A_156 : memref<1x128xi32, #tpu.memory_space<vmem>> -> memref<128xi32, #tpu.memory_space<vmem>>
      %dma_start3A_158 = arith.constant 0 : i32
      %dma_start3A_159 = arith.constant 0 : i32
      %dma_start3A_160 = tpu.memref_slice %arg9[%dma_start3A_158, %dma_start3A_159] : memref<10240x128xf32, #tpu.memory_space<vmem_shared>> -> memref<10240x128xf32, #tpu.memory_space<vmem_shared>>
      tpu.enqueue_indirect_dma source(%dma_start3A_154 : memref<128x128xf32, #tpu.memory_space<vmem>>) target(%dma_start3A_160 : memref<10240x128xf32, #tpu.memory_space<vmem_shared>>) offsets(%dma_start3A_157 : memref<128xi32, #tpu.memory_space<vmem>>) semaphore(%run_scoped3A_150 : memref<!tpu.dma_semaphore, #tpu.memory_space<semaphore_mem>>) {add = true}
      %dma_wait3A_161 = arith.constant 0 : i32
      %dma_wait3A_162 = arith.constant 0 : i32
      %dma_wait3A_163 = tpu.memref_slice %arg8[%run_scoped3A_129, %dma_wait3A_161, %dma_wait3A_162] : memref<2x128x128xf32, #tpu.memory_space<vmem>> -> memref<1x128x128xf32, #tpu.memory_space<vmem>>
      %dma_wait3A_164 = tpu.memref_squeeze %dma_wait3A_163 : memref<1x128x128xf32, #tpu.memory_space<vmem>> -> memref<128x128xf32, #tpu.memory_space<vmem>>
      %dma_wait3A_165 = arith.constant 0 : i32
      %dma_wait3A_166 = tpu.memref_slice %arg7[%run_scoped3A_130, %dma_wait3A_165] : memref<40x128xi32, #tpu.memory_space<vmem>> -> memref<1x128xi32, #tpu.memory_space<vmem>>
      %dma_wait3A_167 = tpu.memref_squeeze %dma_wait3A_166 : memref<1x128xi32, #tpu.memory_space<vmem>> -> memref<128xi32, #tpu.memory_space<vmem>>
      %dma_wait3A_168 = arith.constant 0 : i32
      %dma_wait3A_169 = arith.constant 0 : i32
      %dma_wait3A_170 = tpu.memref_slice %arg9[%dma_wait3A_168, %dma_wait3A_169] : memref<10240x128xf32, #tpu.memory_space<vmem_shared>> -> memref<10240x128xf32, #tpu.memory_space<vmem_shared>>
      tpu.wait_indirect_dma semaphore(%run_scoped3A_150 : memref<!tpu.dma_semaphore, #tpu.memory_space<semaphore_mem>>) src(%dma_wait3A_164 : memref<128x128xf32, #tpu.memory_space<vmem>>) dst(%dma_wait3A_170 : memref<10240x128xf32, #tpu.memory_space<vmem_shared>>)
      tpu.yield
    }) : () -> ()
    %dma_wait3A_131 = arith.constant 39 : i32
    %dma_wait3A_132 = arith.constant 1 : i32
    %dma_wait3A_133 = arith.constant 0 : i32
    %dma_wait3A_134 = arith.constant 0 : i32
    %dma_wait3A_135 = tpu.memref_slice %arg8[%dma_wait3A_132, %dma_wait3A_133, %dma_wait3A_134] : memref<2x128x128xf32, #tpu.memory_space<vmem>> -> memref<1x128x128xf32, #tpu.memory_space<vmem>>
    %dma_wait3A_136 = tpu.memref_squeeze %dma_wait3A_135 : memref<1x128x128xf32, #tpu.memory_space<vmem>> -> memref<128x128xf32, #tpu.memory_space<vmem>>
    %dma_wait3A_137 = arith.constant 0 : i32
    %dma_wait3A_138 = tpu.memref_slice %arg6[%dma_wait3A_131, %dma_wait3A_137] : memref<40x128xi32, #tpu.memory_space<vmem>> -> memref<1x128xi32, #tpu.memory_space<vmem>>
    %dma_wait3A_139 = tpu.memref_squeeze %dma_wait3A_138 : memref<1x128xi32, #tpu.memory_space<vmem>> -> memref<128xi32, #tpu.memory_space<vmem>>
    %dma_wait3A_140 = arith.constant 0 : i32
    %dma_wait3A_141 = arith.constant 0 : i32
    %dma_wait3A_142 = tpu.memref_slice %arg2[%dma_wait3A_140, %dma_wait3A_141] : memref<10000x128xf32, #tpu.memory_space<hbm>> -> memref<10000x128xf32, #tpu.memory_space<hbm>>
    tpu.wait_indirect_dma semaphore(%arg11 : memref<!tpu.dma_semaphore, #tpu.memory_space<semaphore_mem>>) src(%dma_wait3A_142 : memref<10000x128xf32, #tpu.memory_space<hbm>>) dst(%dma_wait3A_136 : memref<128x128xf32, #tpu.memory_space<vmem>>)
    %run_scoped3A_143 = arith.constant 1 : i32
    %run_scoped3A_144 = arith.constant 39 : i32
    "tpu.region"() ({
      %run_scoped3A_150 = tpu.sem_alloc : memref<!tpu.dma_semaphore, #tpu.memory_space<semaphore_mem>>
      %dma_start3A_151 = arith.constant 0 : i32
      %dma_start3A_152 = arith.constant 0 : i32
      %dma_start3A_153 = tpu.memref_slice %arg8[%run_scoped3A_143, %dma_start3A_151, %dma_start3A_152] : memref<2x128x128xf32, #tpu.memory_space<vmem>> -> memref<1x128x128xf32, #tpu.memory_space<vmem>>
      %dma_start3A_154 = tpu.memref_squeeze %dma_start3A_153 : memref<1x128x128xf32, #tpu.memory_space<vmem>> -> memref<128x128xf32, #tpu.memory_space<vmem>>
      %dma_start3A_155 = arith.constant 0 : i32
      %dma_start3A_156 = tpu.memref_slice %arg7[%run_scoped3A_144, %dma_start3A_155] : memref<40x128xi32, #tpu.memory_space<vmem>> -> memref<1x128xi32, #tpu.memory_space<vmem>>
      %dma_start3A_157 = tpu.memref_squeeze %dma_start3A_156 : memref<1x128xi32, #tpu.memory_space<vmem>> -> memref<128xi32, #tpu.memory_space<vmem>>
      %dma_start3A_158 = arith.constant 0 : i32
      %dma_start3A_159 = arith.constant 0 : i32
      %dma_start3A_160 = tpu.memref_slice %arg9[%dma_start3A_158, %dma_start3A_159] : memref<10240x128xf32, #tpu.memory_space<vmem_shared>> -> memref<10240x128xf32, #tpu.memory_space<vmem_shared>>
      tpu.enqueue_indirect_dma source(%dma_start3A_154 : memref<128x128xf32, #tpu.memory_space<vmem>>) target(%dma_start3A_160 : memref<10240x128xf32, #tpu.memory_space<vmem_shared>>) offsets(%dma_start3A_157 : memref<128xi32, #tpu.memory_space<vmem>>) semaphore(%run_scoped3A_150 : memref<!tpu.dma_semaphore, #tpu.memory_space<semaphore_mem>>) {add = true}
      %dma_wait3A_161 = arith.constant 0 : i32
      %dma_wait3A_162 = arith.constant 0 : i32
      %dma_wait3A_163 = tpu.memref_slice %arg8[%run_scoped3A_143, %dma_wait3A_161, %dma_wait3A_162] : memref<2x128x128xf32, #tpu.memory_space<vmem>> -> memref<1x128x128xf32, #tpu.memory_space<vmem>>
      %dma_wait3A_164 = tpu.memref_squeeze %dma_wait3A_163 : memref<1x128x128xf32, #tpu.memory_space<vmem>> -> memref<128x128xf32, #tpu.memory_space<vmem>>
      %dma_wait3A_165 = arith.constant 0 : i32
      %dma_wait3A_166 = tpu.memref_slice %arg7[%run_scoped3A_144, %dma_wait3A_165] : memref<40x128xi32, #tpu.memory_space<vmem>> -> memref<1x128xi32, #tpu.memory_space<vmem>>
      %dma_wait3A_167 = tpu.memref_squeeze %dma_wait3A_166 : memref<1x128xi32, #tpu.memory_space<vmem>> -> memref<128xi32, #tpu.memory_space<vmem>>
      %dma_wait3A_168 = arith.constant 0 : i32
      %dma_wait3A_169 = arith.constant 0 : i32
      %dma_wait3A_170 = tpu.memref_slice %arg9[%dma_wait3A_168, %dma_wait3A_169] : memref<10240x128xf32, #tpu.memory_space<vmem_shared>> -> memref<10240x128xf32, #tpu.memory_space<vmem_shared>>
      tpu.wait_indirect_dma semaphore(%run_scoped3A_150 : memref<!tpu.dma_semaphore, #tpu.memory_space<semaphore_mem>>) src(%dma_wait3A_164 : memref<128x128xf32, #tpu.memory_space<vmem>>) dst(%dma_wait3A_170 : memref<10240x128xf32, #tpu.memory_space<vmem_shared>>)
      tpu.yield
    }) : () -> ()
    %barrier3A_145 = arith.constant 0 : index
    tpu.barrier barrier_id(%barrier3A_145)
    %mul3A_146 = arith.constant 640 : i32
    %mul3A_147 = arith.muli %arg1, %mul3A_146 : i32
    %mul3A_148 = arith.constant 640 : i32
    %mul3A_149 = arith.muli %arg1, %mul3A_148 : i32
    "tpu.region"() ({
      %run_scoped3A_150 = tpu.sem_alloc : memref<!tpu.dma_semaphore, #tpu.memory_space<semaphore_mem>>
      %dma_start3A_151 = arith.constant 0 : i32
      %dma_start3A_152 = tpu.memref_slice %arg5[%arg0, %mul3A_149, %dma_start3A_151] : memref<2x10240x128xf32, #tpu.memory_space<hbm>> -> memref<1x640x128xf32, #tpu.memory_space<hbm>>
      %dma_start3A_153 = tpu.memref_squeeze %dma_start3A_152 : memref<1x640x128xf32, #tpu.memory_space<hbm>> -> memref<640x128xf32, #tpu.memory_space<hbm>>
      %dma_start3A_154 = arith.constant 0 : i32
      %dma_start3A_155 = tpu.memref_slice %arg9[%mul3A_147, %dma_start3A_154] : memref<10240x128xf32, #tpu.memory_space<vmem_shared>> -> memref<640x128xf32, #tpu.memory_space<vmem_shared>>
      tpu.enqueue_dma source(%dma_start3A_155 : memref<640x128xf32, #tpu.memory_space<vmem_shared>>) target(%dma_start3A_153 : memref<640x128xf32, #tpu.memory_space<hbm>>) target_semaphore(%run_scoped3A_150 : memref<!tpu.dma_semaphore, #tpu.memory_space<semaphore_mem>>)
      %dma_wait3A_156 = arith.constant 0 : i32
      %dma_wait3A_157 = tpu.memref_slice %arg5[%arg0, %mul3A_149, %dma_wait3A_156] : memref<2x10240x128xf32, #tpu.memory_space<hbm>> -> memref<1x640x128xf32, #tpu.memory_space<hbm>>
      %dma_wait3A_158 = tpu.memref_squeeze %dma_wait3A_157 : memref<1x640x128xf32, #tpu.memory_space<hbm>> -> memref<640x128xf32, #tpu.memory_space<hbm>>
      %dma_wait3A_159 = arith.constant 0 : i32
      %dma_wait3A_160 = tpu.memref_slice %arg9[%mul3A_147, %dma_wait3A_159] : memref<10240x128xf32, #tpu.memory_space<vmem_shared>> -> memref<640x128xf32, #tpu.memory_space<vmem_shared>>
      tpu.wait_dma2 semaphore(%run_scoped3A_150 : memref<!tpu.dma_semaphore, #tpu.memory_space<semaphore_mem>>) src(%dma_wait3A_160 : memref<640x128xf32, #tpu.memory_space<vmem_shared>>) dst(%dma_wait3A_158 : memref<640x128xf32, #tpu.memory_space<hbm>>)
      tpu.yield
    }) : () -> ()
    return
  }
}

module attributes {stable_mosaic.version = 14 : i64} {
  func.func @_linrelu_body(%arg0: i32, %arg1: memref<2000x128xf32, #tpu.memory_space<vmem>>, %arg2: memref<128x128xf32, #tpu.memory_space<vmem>>, %arg3: memref<1x128xf32, #tpu.memory_space<vmem>>, %arg4: memref<2000x128xf32, #tpu.memory_space<vmem>>) attributes {dimension_semantics = [#tpu.dimension_semantics<arbitrary>], iteration_bounds = array<i64: 5>, scalar_prefetch = 0 : i64, scratch_operands = 0 : i64, tpu.core_type = #tpu.core_type<tc>, window_params = [{transform_indices = @transform_0, window_bounds = array<i64: 2000, 128>}, {pipeline_mode = #tpu.pipeline_mode<synchronous>, transform_indices = @transform_1, window_bounds = array<i64: 128, 128>}, {pipeline_mode = #tpu.pipeline_mode<synchronous>, transform_indices = @transform_2, window_bounds = array<i64: 1, 128>}, {transform_indices = @transform_3, window_bounds = array<i64: 2000, 128>}]} {
    %get3A = arith.constant 0 : index
    %get3A_0 = arith.constant 0 : index
    %get3A_1 = vector.load %arg1[%get3A, %get3A_0] : memref<2000x128xf32, #tpu.memory_space<vmem>>, vector<2000x128xf32>
    %get3A_2 = arith.constant 0 : index
    %get3A_3 = arith.constant 0 : index
    %get3A_4 = vector.load %arg2[%get3A_2, %get3A_3] : memref<128x128xf32, #tpu.memory_space<vmem>>, vector<128x128xf32>
    %dot_general3A = arith.constant dense<0.000000e+00> : vector<2000x128xf32>
    %dot_general3A_5 = tpu.matmul %get3A_1, %get3A_4, %dot_general3A {dimension_numbers = #tpu.dot_dimension_numbers<[1], [0], [0], [1], [0, 0, 1, 1], [], []>, transpose_lhs_hint = false} : vector<2000x128xf32>, vector<128x128xf32>, vector<2000x128xf32> -> vector<2000x128xf32>
    %get3A_6 = arith.constant 0 : index
    %get3A_7 = arith.constant 0 : index
    %get3A_8 = vector.load %arg3[%get3A_6, %get3A_7] : memref<1x128xf32, #tpu.memory_space<vmem>>, vector<1x128xf32>
    %add3A = vector.broadcast %get3A_8 : vector<1x128xf32> to vector<2000x128xf32>
    %add3A_9 = arith.addf %dot_general3A_5, %add3A : vector<2000x128xf32>
    %max3A = arith.constant 0.000000e+00 : f32
    %max3A_10 = vector.broadcast %max3A : f32 to vector<2000x128xf32>
    %max3A_11 = arith.maximumf %add3A_9, %max3A_10 : vector<2000x128xf32>
    %swap3A = arith.constant 0 : index
    %swap3A_12 = arith.constant 0 : index
    %swap3A_13 = vector.load %arg4[%swap3A, %swap3A_12] : memref<2000x128xf32, #tpu.memory_space<vmem>>, vector<2000x128xf32>
    tpu.vector_store %arg4[%swap3A, %swap3A_12], %max3A_11 {strides = array<i32>} : memref<2000x128xf32, #tpu.memory_space<vmem>>, vector<2000x128xf32>,
    return
  }
  func.func @transform_0(%arg0: i32) -> (i32, i32) {
    %c0_i32 = arith.constant 0 : i32
    %c0_i32_0 = arith.constant 0 : i32
    return %arg0, %c0_i32 : i32, i32
  }
  func.func @transform_1(%arg0: i32) -> (i32, i32) {
    %c0_i32 = arith.constant 0 : i32
    %c0_i32_0 = arith.constant 0 : i32
    %c0_i32_1 = arith.constant 0 : i32
    return %c0_i32, %c0_i32_0 : i32, i32
  }
  func.func @transform_2(%arg0: i32) -> (i32, i32) {
    %c0_i32 = arith.constant 0 : i32
    %c0_i32_0 = arith.constant 0 : i32
    %c0_i32_1 = arith.constant 0 : i32
    return %c0_i32, %c0_i32_0 : i32, i32
  }
  func.func @transform_3(%arg0: i32) -> (i32, i32) {
    %c0_i32 = arith.constant 0 : i32
    %c0_i32_0 = arith.constant 0 : i32
    return %arg0, %c0_i32 : i32, i32
  }
}

module attributes {stable_mosaic.version = 14 : i64} {
  func.func @_combine_body(%arg0: i32, %arg1: memref<2x2000x128xf32, #tpu.memory_space<vmem>>, %arg2: memref<2000x128xf32, #tpu.memory_space<vmem>>, %arg3: memref<128x128xf32, #tpu.memory_space<vmem>>, %arg4: memref<2000x128xf32, #tpu.memory_space<vmem>>) attributes {dimension_semantics = [#tpu.dimension_semantics<arbitrary>], iteration_bounds = array<i64: 5>, scalar_prefetch = 0 : i64, scratch_operands = 0 : i64, tpu.core_type = #tpu.core_type<tc>, window_params = [{transform_indices = @transform_0, window_bounds = array<i64: 2, 2000, 128>}, {transform_indices = @transform_1, window_bounds = array<i64: 2000, 128>}, {pipeline_mode = #tpu.pipeline_mode<synchronous>, transform_indices = @transform_2, window_bounds = array<i64: 128, 128>}, {transform_indices = @transform_3, window_bounds = array<i64: 2000, 128>}]} {
    %get3A = arith.constant 0 : index
    %get3A_0 = arith.constant 0 : index
    %get3A_1 = arith.constant 0 : index
    %get3A_2 = vector.load %arg1[%get3A, %get3A_0, %get3A_1] : memref<2x2000x128xf32, #tpu.memory_space<vmem>>, vector<1x2000x128xf32>
    %get3A_3 = vector.shape_cast %get3A_2 : vector<1x2000x128xf32> to vector<2000x128xf32>
    %get3A_4 = arith.constant 1 : index
    %get3A_5 = arith.constant 0 : index
    %get3A_6 = arith.constant 0 : index
    %get3A_7 = vector.load %arg1[%get3A_4, %get3A_5, %get3A_6] : memref<2x2000x128xf32, #tpu.memory_space<vmem>>, vector<1x2000x128xf32>
    %get3A_8 = vector.shape_cast %get3A_7 : vector<1x2000x128xf32> to vector<2000x128xf32>
    %add3A = arith.addf %get3A_3, %get3A_8 : vector<2000x128xf32>
    %mul3A = arith.constant 0.899999976 : f32
    %mul3A_9 = vector.broadcast %mul3A : f32 to vector<2000x128xf32>
    %mul3A_10 = arith.mulf %mul3A_9, %add3A : vector<2000x128xf32>
    %get3A_11 = arith.constant 0 : index
    %get3A_12 = arith.constant 0 : index
    %get3A_13 = vector.load %arg2[%get3A_11, %get3A_12] : memref<2000x128xf32, #tpu.memory_space<vmem>>, vector<2000x128xf32>
    %mul3A_14 = arith.constant 1.000000e-01 : f32
    %mul3A_15 = vector.broadcast %mul3A_14 : f32 to vector<2000x128xf32>
    %mul3A_16 = arith.mulf %mul3A_15, %get3A_13 : vector<2000x128xf32>
    %add3A_17 = arith.addf %mul3A_10, %mul3A_16 : vector<2000x128xf32>
    %mul3A_18 = arith.constant 0.594534874 : f32
    %mul3A_19 = vector.broadcast %mul3A_18 : f32 to vector<2000x128xf32>
    %mul3A_20 = arith.mulf %mul3A_19, %add3A_17 : vector<2000x128xf32>
    %get3A_21 = arith.constant 0 : index
    %get3A_22 = arith.constant 0 : index
    %get3A_23 = vector.load %arg3[%get3A_21, %get3A_22] : memref<128x128xf32, #tpu.memory_space<vmem>>, vector<128x128xf32>
    %dot_general3A = arith.constant dense<0.000000e+00> : vector<2000x128xf32>
    %dot_general3A_24 = tpu.matmul %add3A_17, %get3A_23, %dot_general3A {dimension_numbers = #tpu.dot_dimension_numbers<[1], [0], [0], [1], [0, 0, 1, 1], [], []>, transpose_lhs_hint = false} : vector<2000x128xf32>, vector<128x128xf32>, vector<2000x128xf32> -> vector<2000x128xf32>
    %mul3A_25 = arith.constant 0.405465096 : f32
    %mul3A_26 = vector.broadcast %mul3A_25 : f32 to vector<2000x128xf32>
    %mul3A_27 = arith.mulf %mul3A_26, %dot_general3A_24 : vector<2000x128xf32>
    %add3A_28 = arith.addf %mul3A_20, %mul3A_27 : vector<2000x128xf32>
    %max3A = arith.constant 0.000000e+00 : f32
    %max3A_29 = vector.broadcast %max3A : f32 to vector<2000x128xf32>
    %max3A_30 = arith.maximumf %add3A_28, %max3A_29 : vector<2000x128xf32>
    %swap3A = arith.constant 0 : index
    %swap3A_31 = arith.constant 0 : index
    %swap3A_32 = vector.load %arg4[%swap3A, %swap3A_31] : memref<2000x128xf32, #tpu.memory_space<vmem>>, vector<2000x128xf32>
    tpu.vector_store %arg4[%swap3A, %swap3A_31], %max3A_30 {strides = array<i32>} : memref<2000x128xf32, #tpu.memory_space<vmem>>, vector<2000x128xf32>,
    return
  }
  func.func @transform_0(%arg0: i32) -> (i32, i32, i32) {
    %c0_i32 = arith.constant 0 : i32
    %c0_i32_0 = arith.constant 0 : i32
    %c0_i32_1 = arith.constant 0 : i32
    return %c0_i32, %arg0, %c0_i32_0 : i32, i32, i32
  }
  func.func @transform_1(%arg0: i32) -> (i32, i32) {
    %c0_i32 = arith.constant 0 : i32
    %c0_i32_0 = arith.constant 0 : i32
    return %arg0, %c0_i32 : i32, i32
  }
  func.func @transform_2(%arg0: i32) -> (i32, i32) {
    %c0_i32 = arith.constant 0 : i32
    %c0_i32_0 = arith.constant 0 : i32
    %c0_i32_1 = arith.constant 0 : i32
    return %c0_i32, %c0_i32_0 : i32, i32
  }
  func.func @transform_3(%arg0: i32) -> (i32, i32) {
    %c0_i32 = arith.constant 0 : i32
    %c0_i32_0 = arith.constant 0 : i32
    return %arg0, %c0_i32 : i32, i32
  }
}

module attributes {stable_mosaic.version = 14 : i64} {
  func.func @_combine_final_body(%arg0: i32, %arg1: memref<2x2000x128xf32, #tpu.memory_space<vmem>>, %arg2: memref<2000x128xf32, #tpu.memory_space<vmem>>, %arg3: memref<128x128xf32, #tpu.memory_space<vmem>>, %arg4: memref<128x128xf32, #tpu.memory_space<vmem>>, %arg5: memref<1x128xf32, #tpu.memory_space<vmem>>, %arg6: memref<2000x128xf32, #tpu.memory_space<vmem>>) attributes {dimension_semantics = [#tpu.dimension_semantics<arbitrary>], iteration_bounds = array<i64: 5>, scalar_prefetch = 0 : i64, scratch_operands = 0 : i64, tpu.core_type = #tpu.core_type<tc>, window_params = [{transform_indices = @transform_0, window_bounds = array<i64: 2, 2000, 128>}, {transform_indices = @transform_1, window_bounds = array<i64: 2000, 128>}, {pipeline_mode = #tpu.pipeline_mode<synchronous>, transform_indices = @transform_2, window_bounds = array<i64: 128, 128>}, {pipeline_mode = #tpu.pipeline_mode<synchronous>, transform_indices = @transform_3, window_bounds = array<i64: 128, 128>}, {pipeline_mode = #tpu.pipeline_mode<synchronous>, transform_indices = @transform_4, window_bounds = array<i64: 1, 128>}, {transform_indices = @transform_5, window_bounds = array<i64: 2000, 128>}]} {
    %get3A = arith.constant 0 : index
    %get3A_0 = arith.constant 0 : index
    %get3A_1 = arith.constant 0 : index
    %get3A_2 = vector.load %arg1[%get3A, %get3A_0, %get3A_1] : memref<2x2000x128xf32, #tpu.memory_space<vmem>>, vector<1x2000x128xf32>
    %get3A_3 = vector.shape_cast %get3A_2 : vector<1x2000x128xf32> to vector<2000x128xf32>
    %get3A_4 = arith.constant 1 : index
    %get3A_5 = arith.constant 0 : index
    %get3A_6 = arith.constant 0 : index
    %get3A_7 = vector.load %arg1[%get3A_4, %get3A_5, %get3A_6] : memref<2x2000x128xf32, #tpu.memory_space<vmem>>, vector<1x2000x128xf32>
    %get3A_8 = vector.shape_cast %get3A_7 : vector<1x2000x128xf32> to vector<2000x128xf32>
    %add3A = arith.addf %get3A_3, %get3A_8 : vector<2000x128xf32>
    %mul3A = arith.constant 0.899999976 : f32
    %mul3A_9 = vector.broadcast %mul3A : f32 to vector<2000x128xf32>
    %mul3A_10 = arith.mulf %mul3A_9, %add3A : vector<2000x128xf32>
    %get3A_11 = arith.constant 0 : index
    %get3A_12 = arith.constant 0 : index
    %get3A_13 = vector.load %arg2[%get3A_11, %get3A_12] : memref<2000x128xf32, #tpu.memory_space<vmem>>, vector<2000x128xf32>
    %mul3A_14 = arith.constant 1.000000e-01 : f32
    %mul3A_15 = vector.broadcast %mul3A_14 : f32 to vector<2000x128xf32>
    %mul3A_16 = arith.mulf %mul3A_15, %get3A_13 : vector<2000x128xf32>
    %add3A_17 = arith.addf %mul3A_10, %mul3A_16 : vector<2000x128xf32>
    %mul3A_18 = arith.constant 0.776856422 : f32
    %mul3A_19 = vector.broadcast %mul3A_18 : f32 to vector<2000x128xf32>
    %mul3A_20 = arith.mulf %mul3A_19, %add3A_17 : vector<2000x128xf32>
    %get3A_21 = arith.constant 0 : index
    %get3A_22 = arith.constant 0 : index
    %get3A_23 = vector.load %arg3[%get3A_21, %get3A_22] : memref<128x128xf32, #tpu.memory_space<vmem>>, vector<128x128xf32>
    %dot_general3A = arith.constant dense<0.000000e+00> : vector<2000x128xf32>
    %dot_general3A_24 = tpu.matmul %add3A_17, %get3A_23, %dot_general3A {dimension_numbers = #tpu.dot_dimension_numbers<[1], [0], [0], [1], [0, 0, 1, 1], [], []>, transpose_lhs_hint = false} : vector<2000x128xf32>, vector<128x128xf32>, vector<2000x128xf32> -> vector<2000x128xf32>
    %mul3A_25 = arith.constant 0.223143548 : f32
    %mul3A_26 = vector.broadcast %mul3A_25 : f32 to vector<2000x128xf32>
    %mul3A_27 = arith.mulf %mul3A_26, %dot_general3A_24 : vector<2000x128xf32>
    %add3A_28 = arith.addf %mul3A_20, %mul3A_27 : vector<2000x128xf32>
    %max3A = arith.constant 0.000000e+00 : f32
    %max3A_29 = vector.broadcast %max3A : f32 to vector<2000x128xf32>
    %max3A_30 = arith.maximumf %add3A_28, %max3A_29 : vector<2000x128xf32>
    %get3A_31 = arith.constant 0 : index
    %get3A_32 = arith.constant 0 : index
    %get3A_33 = vector.load %arg4[%get3A_31, %get3A_32] : memref<128x128xf32, #tpu.memory_space<vmem>>, vector<128x128xf32>
    %dot_general3A_34 = arith.constant dense<0.000000e+00> : vector<2000x128xf32>
    %dot_general3A_35 = tpu.matmul %max3A_30, %get3A_33, %dot_general3A_34 {dimension_numbers = #tpu.dot_dimension_numbers<[1], [0], [0], [1], [0, 0, 1, 1], [], []>, transpose_lhs_hint = false} : vector<2000x128xf32>, vector<128x128xf32>, vector<2000x128xf32> -> vector<2000x128xf32>
    %get3A_36 = arith.constant 0 : index
    %get3A_37 = arith.constant 0 : index
    %get3A_38 = vector.load %arg5[%get3A_36, %get3A_37] : memref<1x128xf32, #tpu.memory_space<vmem>>, vector<1x128xf32>
    %add3A_39 = vector.broadcast %get3A_38 : vector<1x128xf32> to vector<2000x128xf32>
    %add3A_40 = arith.addf %dot_general3A_35, %add3A_39 : vector<2000x128xf32>
    %reduce_max3A = arith.constant dense<0xFF800000> : vector<2000xf32>
    %reduce_max3A_41 = vector.multi_reduction <maximumf>, %add3A_40, %reduce_max3A [1] : vector<2000x128xf32> to vector<2000xf32>
    %broadcast_in_dim3A = vector.shape_cast %reduce_max3A_41 : vector<2000xf32> to vector<2000x1xf32>
    %sub3A = vector.broadcast %broadcast_in_dim3A : vector<2000x1xf32> to vector<2000x128xf32>
    %sub3A_42 = arith.subf %add3A_40, %sub3A : vector<2000x128xf32>
    %exp3A = math.exp %sub3A_42 : vector<2000x128xf32>
    %reduce_sum3A = arith.constant dense<0.000000e+00> : vector<2000xf32>
    %reduce_sum3A_43 = vector.multi_reduction <add>, %exp3A, %reduce_sum3A [1] : vector<2000x128xf32> to vector<2000xf32>
    %broadcast_in_dim3A_44 = vector.shape_cast %reduce_sum3A_43 : vector<2000xf32> to vector<2000x1xf32>
    %sub3A_45 = vector.broadcast %broadcast_in_dim3A : vector<2000x1xf32> to vector<2000x128xf32>
    %sub3A_46 = arith.subf %add3A_40, %sub3A_45 : vector<2000x128xf32>
    %log3A = math.log %broadcast_in_dim3A_44 : vector<2000x1xf32>
    %sub3A_47 = vector.broadcast %log3A : vector<2000x1xf32> to vector<2000x128xf32>
    %sub3A_48 = arith.subf %sub3A_46, %sub3A_47 : vector<2000x128xf32>
    %swap3A = arith.constant 0 : index
    %swap3A_49 = arith.constant 0 : index
    %swap3A_50 = vector.load %arg6[%swap3A, %swap3A_49] : memref<2000x128xf32, #tpu.memory_space<vmem>>, vector<2000x128xf32>
    tpu.vector_store %arg6[%swap3A, %swap3A_49], %sub3A_48 {strides = array<i32>} : memref<2000x128xf32, #tpu.memory_space<vmem>>, vector<2000x128xf32>,
    return
  }
  func.func @transform_0(%arg0: i32) -> (i32, i32, i32) {
    %c0_i32 = arith.constant 0 : i32
    %c0_i32_0 = arith.constant 0 : i32
    %c0_i32_1 = arith.constant 0 : i32
    return %c0_i32, %arg0, %c0_i32_0 : i32, i32, i32
  }
  func.func @transform_1(%arg0: i32) -> (i32, i32) {
    %c0_i32 = arith.constant 0 : i32
    %c0_i32_0 = arith.constant 0 : i32
    return %arg0, %c0_i32 : i32, i32
  }
  func.func @transform_2(%arg0: i32) -> (i32, i32) {
    %c0_i32 = arith.constant 0 : i32
    %c0_i32_0 = arith.constant 0 : i32
    %c0_i32_1 = arith.constant 0 : i32
    return %c0_i32, %c0_i32_0 : i32, i32
  }
  func.func @transform_3(%arg0: i32) -> (i32, i32) {
    %c0_i32 = arith.constant 0 : i32
    %c0_i32_0 = arith.constant 0 : i32
    %c0_i32_1 = arith.constant 0 : i32
    return %c0_i32, %c0_i32_0 : i32, i32
  }
  func.func @transform_4(%arg0: i32) -> (i32, i32) {
    %c0_i32 = arith.constant 0 : i32
    %c0_i32_0 = arith.constant 0 : i32
    %c0_i32_1 = arith.constant 0 : i32
    return %c0_i32, %c0_i32_0 : i32, i32
  }
  func.func @transform_5(%arg0: i32) -> (i32, i32) {
    %c0_i32 = arith.constant 0 : i32
    %c0_i32_0 = arith.constant 0 : i32
    return %arg0, %c0_i32 : i32, i32
  }
}

</mosaic_0001>

<sc_bundles>
// kernel: kernel.10.cloned.1.call-start
scs
__scs_entry_jumppad:
0x0: {  	(pc) =	sbr.rel $0x88, $3  }
0x1: {  	(tag) =	ssettag $0x0;
	lr =	simm.s32 $0x1  }
0x2: {  	[smem:$0x3F9A] =	sst lr;
	_ =	strace $0xD0000000  }
0x3: {  	_ = 	snop  }
0x4: {  	_ = 	snop  }
0x5: {  	_ = 	snop  }
0x6: {  	_ = 	snop  }
0x7: {  	_ = 	snop  }
__scs_overlays_trampoline_lowered:
0x8: {  	[smem:$0x3FA9] =	sst s0  }
0x9: {  	[smem:$0x3FAA] =	sst s1  }
0xa: {  	[smem:$0x3FAB] =	sst s2  }
0xb: {  	[smem:$0x3FAC] =	sst s3  }
0xc: {  	[smem:$0x3FAD] =	sst s4  }
0xd: {  	[smem:$0x3FAE] =	sst s5  }
0xe: {  	[smem:$0x3FAF] =	sst s6  }
0xf: {  	[smem:$0x3FB0] =	sst s7  }
0x10: {  	[smem:$0x3FB1] =	sst s8  }
0x11: {  	[smem:$0x3FB2] =	sst s9;
	s0 =	simm.s32 @!p0 $0x0  }
0x12: {  	s1 =	sld [smem:$0x3F98];
	s0 =	simm.s32 @p0 $0x1  }
0x13: {  	[smem:$0x3FB3] =	sst s0;
	s0 =	simm.s32 @!p1 $0x0  }
0x14: {  	s2 =	sld [smem:$0x3F97];
	s0 =	simm.s32 @p1 $0x1  }
0x15: {  	[smem:$0x3FB4] =	sst s0;
	s0 =	simm.s32 @!p2 $0x0  }
0x16: {  	s3 =	sld [smem:$0x3FDB];
	s0 =	simm.s32 @p2 $0x1  }
0x17: {  	s4 =	simm.s32 $0x1BF5;
	[smem:$0x3FB6] =	sst s0  }
0x18: {  	s0 =	sld [smem:$0x3F99];
	_ =	swait.ge [sflag:s4], $0x0  }
0x19: {  	s7 =	sld [smem:$0x3F9A]  }
0x1a: {  	s8 =	sadd.s32 $0xFFFFE003, lr  }
0x1b: {  	s9 =	sadd.s32 $0xFFFFFEF7, lr;
	s5 =	simm.s32 $0xFFFFFFFF;
	p2 =	slt.u32 s8, $0xFFFFF086  }
0x1c: {  	p1 =	slt.u32 s9, $0xF7A;
	s5 =	simm.s32 @!p2 $0x0  }
0x1d: {  	s5 =	simm.s32 @p1 $0x1;
	p0 =	seq.s32 s7, s2  }
0x1e: {  	s7 =	smul.u32 @!p0 $0xF7A, s2;
	p2 =	seq.s32 @!p0 s5, $0x0  }
0x1f: {  	s9 =	smul.u32 $0xF7A, s1;
	s8 =	simm.s32 @!p0 $0x1BF5;
	p2 =	por !p2, p0  }
0x20: {  	[sflag:s8] =	ssyncset.s32 @!p0 $0xFFFFF086;
	s6 =	sadd.s32 @!p0 s3, s7;
	s7 =	simm.s32 @!p0 $0x108  }
0x21: {  	s3 =	sadd.s32 s3, s9;
	s6 =	sadd.s32 @!p0 $0x88, s6;
	s7 =	simm.s32 @p2 $0x1082  }
0x22: {  	[simem:s7], [sflag:s8] =	dma.local @!p0 [hbm:s6], $0xF7A  }
0x23: {  	s9 =	sor.u32 $0xD0000000, s2;
	s6 =	simm.s32 $0x108;
	_ =	swait.ge @!p0 [sflag:s8], $0x0  }
0x24: {  	s3 =	sadd.s32 $0x88, s3;
	s6 =	simm.s32 @!p1 $0x1082;
	[sflag:s4] =	ssyncset.s32 $0xFFFFF086  }
0x25: {  	[simem:s6], [sflag:s4] =	dma.local [hbm:s3], $0xF7A  }
0x26: {  	[smem:$0x3F9A] =	sst s1;
	(tag) =	ssettag s2;
	_ =	strace s9  }
0x27: {  	s1 =	sld [smem:$0x3FAA]  }
0x28: {  	s2 =	sld [smem:$0x3FAB]  }
0x29: {  	s4 =	sld [smem:$0x3FAD]  }
0x2a: {  	p0 =	seq.s32 s5, $0x0;
	s5 =	sld [smem:$0x3FAE]  }
0x2b: {  	s6 =	sld [smem:$0x3FAF]  }
0x2c: {  	s7 =	sld [smem:$0x3FB0]  }
0x2d: {  	s3 =	simm.s32 $0x108;
	s8 =	sld [smem:$0x3FB1]  }
0x2e: {  	s3 =	simm.s32 @!p0 $0x1082;
	s9 =	sld [smem:$0x3FB2]  }
0x2f: {  	lr =	sadd.s32 s0, s3;
	s0 =	sld [smem:$0x3FA9]  }
0x30: {  	s3 =	sld [smem:$0x3FAC]  }
0x31: {  	[smem:$0x3FB5] =	sst s10  }
0x32: {  	s10 =	sld [smem:$0x3FB3];
	_ =	sdelay $0x3  }
0x33: {  	p0 =	seq.s32 s10, $0x1;
	s10 =	sld [smem:$0x3FB5];
	_ =	sdelay $0x3  }
0x34: {  	[smem:$0x3FB5] =	sst s10  }
0x35: {  	s10 =	sld [smem:$0x3FB4];
	_ =	sdelay $0x3  }
0x36: {  	p1 =	seq.s32 s10, $0x1;
	s10 =	sld [smem:$0x3FB5];
	_ =	sdelay $0x3  }
0x37: {  	[smem:$0x3FB5] =	sst s10  }
0x38: {  	s10 =	sld [smem:$0x3FB6]  }
0x39: {  	_ = 	snop;
	(pc) =	sbr.ind lr, $3  }
0x3a: {  	_ = 	snop  }
0x3b: {  	_ = 	snop  }
0x3c: {  	p2 =	seq.s32 s10, $0x1;
	s10 =	sld [smem:$0x3FB5]  }
0x3d: {  	_ =	shalt  }
0x3e: {  	_ =	shalt  }
0x3f: {  	_ =	shalt  }
0x40: {  	_ =	shalt  }
0x41: {  	_ =	shalt  }
0x42: {  	_ =	shalt  }
0x43: {  	_ =	shalt  }
0x44: {  	_ =	shalt  }
0x45: {  	_ =	shalt  }
0x46: {  	_ =	shalt  }
0x47: {  	_ =	shalt  }
0x48: {  	_ =	shalt  }
0x49: {  	_ =	shalt  }
0x4a: {  	_ =	shalt  }
0x4b: {  	_ =	shalt  }
0x4c: {  	_ =	shalt  }
0x4d: {  	_ =	shalt  }
0x4e: {  	_ =	shalt  }
0x4f: {  	_ =	shalt  }
0x50: {  	_ =	shalt  }
0x51: {  	_ =	shalt  }
0x52: {  	_ =	shalt  }
0x53: {  	_ =	shalt  }
0x54: {  	_ =	shalt  }
0x55: {  	_ =	shalt  }
0x56: {  	_ =	shalt  }
0x57: {  	_ =	shalt  }
0x58: {  	_ =	shalt  }
0x59: {  	_ =	shalt  }
0x5a: {  	_ =	shalt  }
0x5b: {  	_ =	shalt  }
0x5c: {  	_ =	shalt  }
0x5d: {  	_ =	shalt  }
0x5e: {  	_ =	shalt  }
0x5f: {  	_ =	shalt  }
0x60: {  	_ =	shalt  }
0x61: {  	_ =	shalt  }
0x62: {  	_ =	shalt  }
0x63: {  	_ =	shalt  }
0x64: {  	_ =	shalt  }
0x65: {  	_ =	shalt  }
0x66: {  	_ =	shalt  }
0x67: {  	_ =	shalt  }
0x68: {  	_ =	shalt  }
0x69: {  	_ =	shalt  }
0x6a: {  	_ =	shalt  }
0x6b: {  	_ =	shalt  }
0x6c: {  	_ =	shalt  }
0x6d: {  	_ =	shalt  }
0x6e: {  	_ =	shalt  }
0x6f: {  	_ =	shalt  }
0x70: {  	_ =	shalt  }
0x71: {  	_ =	shalt  }
0x72: {  	_ =	shalt  }
0x73: {  	_ =	shalt  }
0x74: {  	_ =	shalt  }
0x75: {  	_ =	shalt  }
0x76: {  	_ =	shalt  }
0x77: {  	_ =	shalt  }
0x78: {  	_ =	shalt  }
0x79: {  	_ =	shalt  }
0x7a: {  	_ =	shalt  }
0x7b: {  	_ =	shalt  }
0x7c: {  	_ =	shalt  }
0x7d: {  	_ =	shalt  }
0x7e: {  	_ =	shalt  }
0x7f: {  	_ =	shalt  }
0x80: {  	_ =	shalt  }
0x81: {  	_ =	shalt  }
0x82: {  	_ =	shalt  }
0x83: {  	_ =	shalt  }
0x84: {  	_ =	shalt  }
0x85: {  	_ =	shalt  }
0x86: {  	_ =	shalt  }
0x87: {  	_ =	shalt  }
.Lfunc_end0:
.L_simem_size_0:
called_computation.1_lowered:
.L_overlay_start_0:
0x88: {  	s2 =	sld [smem:$0x3FD9]  }
0x89: {  	s3 =	sld [smem:$0x3FFE];
	_ =	sdelay $0x1  }
0x8a: {  	s1 =	srdreg.scid  }
0x8b: {  	s0 =	sand.u32 $0x1, s1  }
0x8c: {  	s17 =	sshll.u32 s0, $0xA;
	s2 =	sadd.s32 s3, s2  }
0x8d: {  	s2 =	sadd.s32 s2, s17  }
0x8e: {  	[smem:$0x3FC1] =	sst s2  }
0x8f: {  	_ = 	snop  }
0x90: {  	s2 =	sld [smem:$0x3FD0];
	(tm) =	ssettm $0x1  }
0x91: {  	s18 =	sld [smem:$0x3FFB];
	_ =	sdelay $0x3  }
0x92: {  	_ =	strace s18  }
0x93: {  	s3 =	sld [smem:$0x3FFC];
	_ =	sdelay $0x3  }
0x94: {  	_ =	strace s3  }
0x95: {  	s3 =	sld [smem:$0x3FFD];
	_ =	sdelay $0x3  }
0x96: {  	_ =	strace s3  }
0x97: {  	_ =	strace $0x8FFFFFFF  }
0x98: {  	s19 =	sld [smem:$0x3FDB];
	_ =	sdelay $0x1  }
0x99: {  	s4 =	simm.s32 $_scs_section_size  }
0x9a: {  	s5 =	simm.s32 $_size__tile_overlayer_lowered;
	s6 =	simm.s32 $_tile_overlayer_lowered  }
0x9b: {  	s22 =	simm.s32 $0x1BFF;
	s21 =	sshll.u32 s6, $0x1;
	s3 =	sadd.s32 s4, s19  }
0x9c: {  	s7 =	simm.s32 $0x0;
	s20 =	sshll.u32 s5, $0x1;
	s5 =	sadd.s32 s21, s3  }
0x9d: {  	[timem:s7], [sflag:s22] =	dma.local [hbm:s5], s20  }
0x9e: {  	_ =	swait.ge [sflag:s22], s20  }
0x9f: {  	s4 =	ssub.s32 $0x0, s20;
	[sflag:s22] =	ssyncset.done $0x0  }
0xa0: {  	[sflag:s22] =	ssyncadd.s32 s4;
	_ =	sdelay $0x1  }
0xa1: {  	s23 =	simm.s32 $0x1B8B  }
0xa2: {  	_ =	swait.ge [sflag:s23], $0x1  }
0xa3: {  	[sflag:s23] =	ssyncset.done $0x0  }
0xa4: {  	s25 =	simm.s32 $0x1B8E;
	s24 =	sld [smem:$0x3FFE];
	[sflag:s23] =	ssyncadd.s32 $0xFFFFFFFF  }
0xa5: {  	s26 =	simm.s32 $execute0_lowered;
	[smem:$0x3FD2] =	sst s25  }
0xa6: {  	s5 =	sshll.u32 s26, $0x1;
	_ =	strace $0x80000049;
	[dreg:$0x1] =	wrdreg $0xFFFFFFFF  }
0xa7: {  	s28 =	simm.s32 $_size_execute0_lowered;
	s3 =	sadd.s32 s3, s5;
	[dreg:$0x0] =	wrdreg $0x0  }
0xa8: {  	s5 =	sshll.u32 s28, $0x1;
	[dreg:$0x2] =	wrdreg s3  }
0xa9: {  	[dreg:$0x3] =	wrdreg s5  }
0xaa: {  	[dreg:$0x4] =	wrdreg $0xC0  }
0xab: {  	_ =	task [dreg:s7], $0x5FFFF  }
0xac: {  	[dreg:$0x1] =	wrdreg $0xFFFFFFFF  }
0xad: {  	[dreg:$0x0] =	wrdreg $0x60  }
0xae: {  	[dreg:$0x2] =	wrdreg s2  }
0xaf: {  	[dreg:$0x3] =	wrdreg s24  }
0xb0: {  	[dreg:$0x4] =	wrdreg $0xA8000  }
0xb1: {  	[dreg:$0x5] =	wrdreg $0x9  }
0xb2: {  	_ =	task.clear_ibuf [dreg:s7], $0x6FFFF;
	_ =	strace $0x90000049  }
0xb3: {  	s29 =	simm.s32 $0x9;
	_ =	strace $0x8000004B  }
0xb4: {  	_ =	swait.ge [sflag:s29], $0x1  }
0xb5: {  	[sflag:s29] =	ssyncadd.s32 $0xFFFFFFFF  }
0xb6: {  	_ =	strace $0x9000004B  }
0xb7: {  	_ =	sfence  }
0xb8: {  	s30 =	sld [smem:$0x0];
	_ =	sdelay $0x2  }
0xb9: {  	s31 =	sshll.u32 s1, $0xD;
	s1 =	sshrl.u32 s1, $0x2  }
0xba: {  	s3 =	sand.u32 $0x4000, s31;
	s1 =	sadd.s32 s1, s30  }
0xbb: {  	s0 =	sor.u32 s3, s0;
	s1 =	sshll.u32 s1, $0x11  }
0xbc: {  	s0 =	sor.u32 s1, s0  }
0xbd: {  	s0 =	sadd.s32 $0x8F2B, s0  }
0xbe: {  	[sflag:s0] =	ssyncadd.remote.s32 $0x1  }
0xbf: {  	_ =	sfence.sel $0xFFFF  }
0xc0: {  	[dreg:$0x0] =	wrdreg $0xFFFFFFFF;
	(pc) =	sbr.abs _section_cstart, $3  }
0xc1: {  	[dreg:$0x1] =	wrdreg $0xFFFFFFFF  }
0xc2: {  	_ =	task.clear_ibuf [dreg:s7], $0x2FFFF;
	_ =	strace $0x9FFFFFFF  }
0xc3: {  	(tm) =	ssettm $0x7FFFFFFF  }
tec
execute0_lowered:
.L_overlay_start_1:
0x0: {  	(tag) =	ssettag $0x1  }
0x1: {  	s1 =	rddreg [dreg:$0x0]  }
0x2: {  	s5 =	rddreg [dreg:$0x1]  }
0x3: {  	s2 =	rddreg [dreg:$0x2]  }
0x4: {  	s3 =	srdreg.scid;
	s0 =	rddreg [dreg:$0x3]  }
0x5: {  	s4 =	simm.s32 $0x0;
	s17 =	simm.s32 $0x3;
	s18 =	simm.s32 $0x1400  }
0x6: {  	s19 =	simm.s32 $0x80;
	s20 =	simm.s32 $0x6800;
	s21 =	simm.s32 $0x1  }
0x7: {  	s22 =	simm.s32 $0x2;
	s23 =	simm.s32 $0x2700;
	s6 =	sand.u32 $0x1, s3  }
0x8: {  	s24 =	simm.s32 $0x2780;
	s3 =	stileid.u32;
	s7 =	smul.u32 $0x140000, s6  }
0x9: {  	[smem:$0x7FF] =	sst s4;
	s12 =	sadd.s32 $0x2000, s5;
	s8 =	smul.u32 $0x14000, s3  }
0xa: {  	s31 =	sshll.u32 s6, $0x4;
	s9 =	smul.u32 $0x50000, s3;
	s6 =	ssub.s32 $0x2, s6  }
0xb: {  	s13 =	sadd.s32 $0xC000, s5;
	_ =	strace $0x8000004A;
	s10 =	sshrl.u32 s6, $0x1  }
0xc: {  	s7 =	sadd.s32 s8, s7;
	s8 =	sor.u32 s3, s31;
	s9 =	sshrl.u32 s9, $0x2  }
0xd: {  	s15 =	ssub.s32 s6, s10;
	s7 =	sshrl.u32 s7, $0x3;
	s8 =	smul.u32 $0x2800, s8  }
0xe: {  	s15 =	smax.u32 s15, $0x1;
	s14 =	sadd.s32 s7, s5;
	s5 =	sadd.s32 s9, s2  }
0xf: {  	s6 =	sadd.s32 $0x4000, s5;
	s7 =	sadd.s32 $0x8000, s5;
	s11 =	sshrl.u32 s8, $0x3  }
0x10: {  	s8 =	sadd.s32 $0xC000, s5;
	s9 =	sadd.s32 $0x10000, s5;
	s14 =	sadd.s32 $0x16000, s14  }
0x11: {  	s16 =	sadd.s32 $0x280, s11;
	s10 =	sadd.s32 s12, s11;
	s11 =	sadd.s32 s13, s11  }
0x12: {  	v0 =	vimm.f32 $0.0e+00;
	s12 =	sadd.s32 s12, s16;
	s13 =	sadd.s32 s13, s16;
	s16 =	simm.s32 $0x2800  }
.LBB2_1:
0x13: {  	s25 =	simm.s32 $0x0;
	s26 =	simm.s32 $0x200  }
.LBB2_2:
0x14: {  	p0 =	sne.s32 s26, $0xFE00;
	[tilespmem:s25+$0x2870] =	vst v0  }
0x15: {  	[tilespmem:s25+$0x2800] =	vst v0  }
0x16: {  	[tilespmem:s25+$0x2810] =	vst v0  }
.Ltmp0:
0x17: {  	[tilespmem:s25+$0x2820] =	vst v0;
	(pc) =	sbr.rel @p0 .LBB2_2-.Ltmp0, $4  }
0x18: {  	[tilespmem:s25+$0x2830] =	vst v0  }
0x19: {  	[tilespmem:s25+$0x2840] =	vst v0  }
0x1a: {  	[tilespmem:s25+$0x2850] =	vst v0  }
0x1b: {  	[tilespmem:s25+$0x2860] =	vst v0;
	s25 =	sshra.s32 s26, $0x2;
	s26 =	sadd.s32 $0x200, s26  }
0x1c: {  	[tilespmem:s25+$0x2870] =	vst v0  }
0x1d: {  	[tilespmem:s25+$0x2800] =	vst v0  }
0x1e: {  	[tilespmem:s25+$0x2810] =	vst v0  }
0x1f: {  	[tilespmem:s25+$0x2820] =	vst v0  }
0x20: {  	[tilespmem:s25+$0x2830] =	vst v0  }
0x21: {  	[tilespmem:s25+$0x2840] =	vst v0  }
0x22: {  	[tilespmem:s25+$0x2850] =	vst v0  }
0x23: {  	[tilespmem:s25+$0x2860] =	vst v0  }
0x24: {  	[spmem:s5] =	stream.linear.scatter [tilespmem:s16], [sflag:$0x3], $0x4000, $0x38;
	[tilespmem:$0x1E800] =	vst v63  }
0x25: {  	_ =	swait.ge [sflag:s17], $0x4000  }
0x26: {  	[sflag:s17] =	ssyncset.done $0x0  }
0x27: {  	[sflag:s17] =	ssyncadd.s32 $0xFFFFC000  }
0x28: {  	[spmem:s6] =	stream.linear.scatter [tilespmem:s16], [sflag:$0x3], $0x4000, $0x38;
	[tilespmem:$0x1E800] =	vst v63  }
0x29: {  	_ =	swait.ge [sflag:s17], $0x4000  }
0x2a: {  	[sflag:s17] =	ssyncset.done $0x0  }
0x2b: {  	[sflag:s17] =	ssyncadd.s32 $0xFFFFC000  }
0x2c: {  	[spmem:s7] =	stream.linear.scatter [tilespmem:s16], [sflag:$0x3], $0x4000, $0x38;
	[tilespmem:$0x1E800] =	vst v63  }
0x2d: {  	_ =	swait.ge [sflag:s17], $0x4000  }
0x2e: {  	[sflag:s17] =	ssyncset.done $0x0  }
0x2f: {  	[sflag:s17] =	ssyncadd.s32 $0xFFFFC000  }
0x30: {  	[spmem:s8] =	stream.linear.scatter [tilespmem:s16], [sflag:$0x3], $0x4000, $0x38;
	[tilespmem:$0x1E800] =	vst v63  }
0x31: {  	_ =	swait.ge [sflag:s17], $0x4000  }
0x32: {  	[sflag:s17] =	ssyncset.done $0x0  }
0x33: {  	[sflag:s17] =	ssyncadd.s32 $0xFFFFC000  }
0x34: {  	[spmem:s9] =	stream.linear.scatter [tilespmem:s16], [sflag:$0x3], $0x4000, $0x38;
	[tilespmem:$0x1E800] =	vst v63  }
0x35: {  	_ =	swait.ge [sflag:s17], $0x4000  }
0x36: {  	[sflag:s17] =	ssyncset.done $0x0  }
0x37: {  	[sflag:s17] =	ssyncadd.s32 $0xFFFFC000  }
0x38: {  	s28 =	simm.s32 $0x0;
	[bflag:$0x0] =	sbarrier.arrive $0xFFFF  }
0x39: {  	[tilespmem:s28], [sflag:$0x3] =	stream.linear.gather [hbm4b:s10+s28], $0x1400, $0x38;
	[tilespmem:$0x1E800] =	vst v63  }
0x3a: {  	_ =	swait.ge [sflag:s17], $0x1400  }
0x3b: {  	[sflag:s17] =	ssyncset.done $0x0  }
0x3c: {  	[sflag:s17] =	ssyncadd.s32 $0xFFFFEC00  }
0x3d: {  	[tilespmem:s18], [sflag:$0x3] =	stream.linear.gather [hbm4b:s11+s28], $0x1400, $0x38;
	[tilespmem:$0x1E800] =	vst v63  }
0x3e: {  	_ =	swait.ge [sflag:s17], $0x1400  }
0x3f: {  	[sflag:s17] =	ssyncset.done $0x0  }
0x40: {  	[sflag:s17] =	ssyncadd.s32 $0xFFFFEC00  }
0x41: {  	[tilespmem:s16], [sflag:$0x1] =	stream.indirect.gather [hbm4b:s1+s19], $0x80, s28, s19, $0xb8;
	[tilespmem:$0x1E800] =	vst v63  }
0x42: {  	_ = 	snop  }
0x43: {  	[tilespmem:s20], [sflag:$0x2] =	stream.indirect.gather [hbm4b:s1+s19], $0x80, s19, s19, $0xb8;
	[tilespmem:$0x1E800] =	vst v63  }
0x44: {  	_ =	swait.ge [sflag:s21], $0x4000  }
0x45: {  	[sflag:s21] =	ssyncset.done $0x0  }
0x46: {  	s29 =	simm.s32 $0x1400;
	[sflag:s21] =	ssyncadd.s32 $0xFFFFC000  }
0x47: {  	[spmem:s2] =	stream.indirect.scatter.add.f32 [tilespmem:s16], [sflag:$0x3], $0x80, s29, s19, $0xb8;
	[tilespmem:$0x1E800] =	vst v63  }
0x48: {  	_ =	swait.ge [sflag:s17], $0x4000  }
0x49: {  	[sflag:s17] =	ssyncset.done $0x0  }
0x4a: {  	s30 =	simm.s32 $0x100;
	[sflag:s17] =	ssyncadd.s32 $0xFFFFC000  }
0x4b: {  	[tilespmem:s16], [sflag:$0x1] =	stream.indirect.gather [hbm4b:s1+s19], $0x80, s30, s19, $0xb8;
	[tilespmem:$0x1E800] =	vst v63  }
0x4c: {  	_ =	swait.ge [sflag:s22], $0x4000  }
0x4d: {  	[sflag:s22] =	ssyncset.done $0x0  }
0x4e: {  	s31 =	simm.s32 $0x1480;
	[sflag:s22] =	ssyncadd.s32 $0xFFFFC000  }
0x4f: {  	[spmem:s2] =	stream.indirect.scatter.add.f32 [tilespmem:s20], [sflag:$0x3], $0x80, s31, s19, $0xb8;
	[tilespmem:$0x1E800] =	vst v63  }
0x50: {  	_ =	swait.ge [sflag:s17], $0x4000  }
0x51: {  	[sflag:s17] =	ssyncset.done $0x0  }
0x52: {  	s25 =	simm.s32 $0x400;
	s26 =	simm.s32 $0x180;
	[sflag:s17] =	ssyncadd.s32 $0xFFFFC000  }
.LBB2_4:
0x53: {  	[tilespmem:s20], [sflag:$0x2] =	stream.indirect.gather [hbm4b:s1+s19], $0x80, s26, s19, $0xb8;
	[tilespmem:$0x1E800] =	vst v63  }
0x54: {  	s26 =	smov.u32 s25  }
0x55: {  	p0 =	sne.s32 s25, $0x4800;
	s25 =	sadd.s32 $0x400, s25;
	_ =	swait.ge [sflag:s21], $0x4000  }
0x56: {  	s26 =	sshra.s32 s26, $0x2;
	[sflag:s21] =	ssyncset.done $0x0  }
0x57: {  	s28 =	sadd.s32 $0x1400, s26;
	[sflag:s21] =	ssyncadd.s32 $0xFFFFC000  }
0x58: {  	[spmem:s2] =	stream.indirect.scatter.add.f32 [tilespmem:s16], [sflag:$0x3], $0x80, s28, s19, $0xb8;
	[tilespmem:$0x1E800] =	vst v63  }
0x59: {  	_ =	swait.ge [sflag:s17], $0x4000  }
0x5a: {  	[sflag:s17] =	ssyncset.done $0x0  }
0x5b: {  	s28 =	sadd.s32 $0x100, s26;
	[sflag:s17] =	ssyncadd.s32 $0xFFFFC000  }
0x5c: {  	[tilespmem:s16], [sflag:$0x1] =	stream.indirect.gather [hbm4b:s1+s19], $0x80, s28, s19, $0xb8;
	[tilespmem:$0x1E800] =	vst v63  }
0x5d: {  	_ =	swait.ge [sflag:s22], $0x4000  }
0x5e: {  	[sflag:s22] =	ssyncset.done $0x0  }
.Ltmp1:
0x5f: {  	s28 =	sadd.s32 $0x1480, s26;
	[sflag:s22] =	ssyncadd.s32 $0xFFFFC000;
	(pc) =	sbr.rel @p0 .LBB2_4-.Ltmp1, $4  }
0x60: {  	[spmem:s2] =	stream.indirect.scatter.add.f32 [tilespmem:s20], [sflag:$0x3], $0x80, s28, s19, $0xb8;
	[tilespmem:$0x1E800] =	vst v63  }
0x61: {  	_ =	swait.ge [sflag:s17], $0x4000  }
0x62: {  	[sflag:s17] =	ssyncset.done $0x0  }
0x63: {  	s26 =	sadd.s32 $0x180, s26;
	[sflag:s17] =	ssyncadd.s32 $0xFFFFC000  }
0x64: {  	[tilespmem:s20], [sflag:$0x2] =	stream.indirect.gather [hbm4b:s1+s19], $0x80, s26, s19, $0xb8;
	[tilespmem:$0x1E800] =	vst v63  }
0x65: {  	_ =	swait.ge [sflag:s21], $0x4000  }
0x66: {  	[sflag:s21] =	ssyncset.done $0x0  }
0x67: {  	[sflag:s21] =	ssyncadd.s32 $0xFFFFC000  }
0x68: {  	[spmem:s2] =	stream.indirect.scatter.add.f32 [tilespmem:s16], [sflag:$0x3], $0x80, s23, s19, $0xb8;
	[tilespmem:$0x1E800] =	vst v63  }
0x69: {  	_ =	swait.ge [sflag:s17], $0x4000  }
0x6a: {  	[sflag:s17] =	ssyncset.done $0x0  }
0x6b: {  	[sflag:s17] =	ssyncadd.s32 $0xFFFFC000  }
0x6c: {  	_ =	swait.ge [sflag:s22], $0x4000  }
0x6d: {  	[sflag:s22] =	ssyncset.done $0x0  }
0x6e: {  	[sflag:s22] =	ssyncadd.s32 $0xFFFFC000  }
0x6f: {  	[spmem:s2] =	stream.indirect.scatter.add.f32 [tilespmem:s20], [sflag:$0x3], $0x80, s24, s19, $0xb8;
	[tilespmem:$0x1E800] =	vst v63  }
0x70: {  	_ =	swait.ge [sflag:s17], $0x4000  }
0x71: {  	[sflag:s17] =	ssyncset.done $0x0  }
0x72: {  	s25 =	simm.s32 $0x0;
	[sflag:s17] =	ssyncadd.s32 $0xFFFFC000  }
0x73: {  	[tilespmem:s25], [sflag:$0x3] =	stream.linear.gather [hbm4b:s12+s25], $0x1400, $0x38;
	[tilespmem:$0x1E800] =	vst v63  }
0x74: {  	_ =	swait.ge [sflag:s17], $0x1400  }
0x75: {  	[sflag:s17] =	ssyncset.done $0x0  }
0x76: {  	[sflag:s17] =	ssyncadd.s32 $0xFFFFEC00  }
0x77: {  	[tilespmem:s18], [sflag:$0x3] =	stream.linear.gather [hbm4b:s13+s25], $0x1400, $0x38;
	[tilespmem:$0x1E800] =	vst v63  }
0x78: {  	_ =	swait.ge [sflag:s17], $0x1400  }
0x79: {  	[sflag:s17] =	ssyncset.done $0x0  }
0x7a: {  	[sflag:s17] =	ssyncadd.s32 $0xFFFFEC00  }
0x7b: {  	[tilespmem:s16], [sflag:$0x1] =	stream.indirect.gather [hbm4b:s1+s19], $0x80, s25, s19, $0xb8;
	[tilespmem:$0x1E800] =	vst v63  }
0x7c: {  	_ = 	snop  }
0x7d: {  	[tilespmem:s20], [sflag:$0x2] =	stream.indirect.gather [hbm4b:s1+s19], $0x80, s19, s19, $0xb8;
	[tilespmem:$0x1E800] =	vst v63  }
0x7e: {  	_ =	swait.ge [sflag:s21], $0x4000  }
0x7f: {  	[sflag:s21] =	ssyncset.done $0x0  }
0x80: {  	s29 =	simm.s32 $0x1400;
	[sflag:s21] =	ssyncadd.s32 $0xFFFFC000  }
0x81: {  	[spmem:s2] =	stream.indirect.scatter.add.f32 [tilespmem:s16], [sflag:$0x3], $0x80, s29, s19, $0xb8;
	[tilespmem:$0x1E800] =	vst v63  }
0x82: {  	_ =	swait.ge [sflag:s17], $0x4000  }
0x83: {  	[sflag:s17] =	ssyncset.done $0x0  }
0x84: {  	s30 =	simm.s32 $0x100;
	[sflag:s17] =	ssyncadd.s32 $0xFFFFC000  }
0x85: {  	[tilespmem:s16], [sflag:$0x1] =	stream.indirect.gather [hbm4b:s1+s19], $0x80, s30, s19, $0xb8;
	[tilespmem:$0x1E800] =	vst v63  }
0x86: {  	_ =	swait.ge [sflag:s22], $0x4000  }
0x87: {  	[sflag:s22] =	ssyncset.done $0x0  }
0x88: {  	s31 =	simm.s32 $0x1480;
	[sflag:s22] =	ssyncadd.s32 $0xFFFFC000  }
0x89: {  	[spmem:s2] =	stream.indirect.scatter.add.f32 [tilespmem:s20], [sflag:$0x3], $0x80, s31, s19, $0xb8;
	[tilespmem:$0x1E800] =	vst v63  }
0x8a: {  	_ =	swait.ge [sflag:s17], $0x4000  }
0x8b: {  	[sflag:s17] =	ssyncset.done $0x0  }
0x8c: {  	s26 =	simm.s32 $0x180;
	s25 =	simm.s32 $0x400;
	[sflag:s17] =	ssyncadd.s32 $0xFFFFC000  }
.LBB2_6:
0x8d: {  	[tilespmem:s20], [sflag:$0x2] =	stream.indirect.gather [hbm4b:s1+s19], $0x80, s26, s19, $0xb8;
	[tilespmem:$0x1E800] =	vst v63  }
0x8e: {  	s26 =	smov.u32 s25  }
0x8f: {  	p0 =	sne.s32 s25, $0x4800;
	s25 =	sadd.s32 $0x400, s25;
	_ =	swait.ge [sflag:s21], $0x4000  }
0x90: {  	s26 =	sshra.s32 s26, $0x2;
	[sflag:s21] =	ssyncset.done $0x0  }
0x91: {  	s28 =	sadd.s32 $0x1400, s26;
	[sflag:s21] =	ssyncadd.s32 $0xFFFFC000  }
0x92: {  	[spmem:s2] =	stream.indirect.scatter.add.f32 [tilespmem:s16], [sflag:$0x3], $0x80, s28, s19, $0xb8;
	[tilespmem:$0x1E800] =	vst v63  }
0x93: {  	_ =	swait.ge [sflag:s17], $0x4000  }
0x94: {  	[sflag:s17] =	ssyncset.done $0x0  }
0x95: {  	s28 =	sadd.s32 $0x100, s26;
	[sflag:s17] =	ssyncadd.s32 $0xFFFFC000  }
0x96: {  	[tilespmem:s16], [sflag:$0x1] =	stream.indirect.gather [hbm4b:s1+s19], $0x80, s28, s19, $0xb8;
	[tilespmem:$0x1E800] =	vst v63  }
0x97: {  	_ =	swait.ge [sflag:s22], $0x4000  }
0x98: {  	[sflag:s22] =	ssyncset.done $0x0  }
.Ltmp2:
0x99: {  	s28 =	sadd.s32 $0x1480, s26;
	[sflag:s22] =	ssyncadd.s32 $0xFFFFC000;
	(pc) =	sbr.rel @p0 .LBB2_6-.Ltmp2, $4  }
0x9a: {  	[spmem:s2] =	stream.indirect.scatter.add.f32 [tilespmem:s20], [sflag:$0x3], $0x80, s28, s19, $0xb8;
	[tilespmem:$0x1E800] =	vst v63  }
0x9b: {  	_ =	swait.ge [sflag:s17], $0x4000  }
0x9c: {  	[sflag:s17] =	ssyncset.done $0x0  }
0x9d: {  	s26 =	sadd.s32 $0x180, s26;
	[sflag:s17] =	ssyncadd.s32 $0xFFFFC000  }
0x9e: {  	[tilespmem:s20], [sflag:$0x2] =	stream.indirect.gather [hbm4b:s1+s19], $0x80, s26, s19, $0xb8;
	[tilespmem:$0x1E800] =	vst v63  }
0x9f: {  	_ =	swait.ge [sflag:s21], $0x4000  }
0xa0: {  	[sflag:s21] =	ssyncset.done $0x0  }
0xa1: {  	[sflag:s21] =	ssyncadd.s32 $0xFFFFC000  }
0xa2: {  	[spmem:s2] =	stream.indirect.scatter.add.f32 [tilespmem:s16], [sflag:$0x3], $0x80, s23, s19, $0xb8;
	[tilespmem:$0x1E800] =	vst v63  }
0xa3: {  	_ =	swait.ge [sflag:s17], $0x4000  }
0xa4: {  	[sflag:s17] =	ssyncset.done $0x0  }
0xa5: {  	[sflag:s17] =	ssyncadd.s32 $0xFFFFC000  }
0xa6: {  	_ =	swait.ge [sflag:s22], $0x4000  }
0xa7: {  	[sflag:s22] =	ssyncset.done $0x0  }
0xa8: {  	[sflag:s22] =	ssyncadd.s32 $0xFFFFC000  }
0xa9: {  	[spmem:s2] =	stream.indirect.scatter.add.f32 [tilespmem:s20], [sflag:$0x3], $0x80, s24, s19, $0xb8;
	[tilespmem:$0x1E800] =	vst v63  }
0xaa: {  	_ =	swait.ge [sflag:s17], $0x4000  }
0xab: {  	s25 =	sshll.u32 s3, $0x6;
	s4 =	sadd.s32 $0x1, s4;
	[sflag:s17] =	ssyncset.done $0x0  }
0xac: {  	s31 =	sshrl.u32 s5, $0x3;
	p0 =	sne.s32 s4, s15;
	[sflag:s17] =	ssyncadd.s32 $0xFFFFC000  }
.Ltmp3:
0xad: {  	s25 =	sor.u32 $0x1C03, s25;
	[bflag:$0x0] =	sbarrier.arrive $0xFFFF;
	(pc) =	sbr.rel @p0 .LBB2_1-.Ltmp3, $4  }
0xae: {  	[hbm:s14], [sflag:s25] =	dma.local [spmem:s31], $0x2800  }
0xaf: {  	_ =	swait.ge [sflag:s17], $0x2800  }
0xb0: {  	[sflag:s17] =	ssyncset.done $0x0  }
0xb1: {  	[sflag:s17] =	ssyncadd.s32 $0xFFFFD800  }
0xb2: {  	_ =	sfence.sel $0x180000  }
0xb3: {  	[bflag:$0x0] =	sbarrier.arrive $0xFFFF  }
0xb4: {  	p0 =	sne.s32 s3, $0x0;
	_ =	strace $0x9000004A  }
0xb5: {  	s0 =	sadd.s32 @!p0 $0x100000, s0;
	[bflag:$0x2] =	sbarrier.arrive $0xFFFF  }
0xb6: {  	[sflag:s0] =	ssyncadd.tile.s32 @!p0 $0x1;
	_ =	shalt  }
.Lfunc_end2:
_tile_overlayer_lowered:
.L_overlay_start_2:
0xb7: {  	(tag) =	ssettag $0x2  }
0xb8: {  	s0 =	rddreg [dreg:$0x0];
	s2 =	stileid.u32  }
0xb9: {  	s1 =	rddreg [dreg:$0x1];
	p0 =	sne.s32 s2, $0x0  }
0xba: {  	s3 =	rddreg [dreg:$0x2];
	[bflag:$0x3] =	sbarrier.arrive $0xFFFF;
	s2 =	simm.s32 @!p0 $0x1C03  }
0xbb: {  	[timem:s3], [sflag:s2] =	dma.local @!p0 [hbm:s0], s1  }
0xbc: {  	s0 =	simm.s32 @!p0 $0x3  }
0xbd: {  	_ =	swait.ge @!p0 [sflag:s0], s1  }
0xbe: {  	s1 =	ssub.s32 @!p0 $0x0, s1;
	[sflag:s0] =	ssyncset.done @!p0 $0x0  }
0xbf: {  	[sflag:s0] =	ssyncadd.s32 @!p0 s1  }
0xc0: {  	[bflag:$0x3] =	sbarrier.arrive $0xFFFF  }
0xc1: {  	_ =	shalt  }

// kernel: kernel.7.cloned.1.call-start
scs
__scs_entry_jumppad:
0x0: {  	(pc) =	sbr.rel $0x88, $3  }
0x1: {  	(tag) =	ssettag $0x0;
	lr =	simm.s32 $0x1  }
0x2: {  	[smem:$0x3F9A] =	sst lr;
	_ =	strace $0xD0000000  }
0x3: {  	_ = 	snop  }
0x4: {  	_ = 	snop  }
0x5: {  	_ = 	snop  }
0x6: {  	_ = 	snop  }
0x7: {  	_ = 	snop  }
__scs_overlays_trampoline_lowered:
0x8: {  	[smem:$0x3FA9] =	sst s0  }
0x9: {  	[smem:$0x3FAA] =	sst s1  }
0xa: {  	[smem:$0x3FAB] =	sst s2  }
0xb: {  	[smem:$0x3FAC] =	sst s3  }
0xc: {  	[smem:$0x3FAD] =	sst s4  }
0xd: {  	[smem:$0x3FAE] =	sst s5  }
0xe: {  	[smem:$0x3FAF] =	sst s6  }
0xf: {  	[smem:$0x3FB0] =	sst s7  }
0x10: {  	[smem:$0x3FB1] =	sst s8  }
0x11: {  	[smem:$0x3FB2] =	sst s9;
	s0 =	simm.s32 @!p0 $0x0  }
0x12: {  	s1 =	sld [smem:$0x3F98];
	s0 =	simm.s32 @p0 $0x1  }
0x13: {  	[smem:$0x3FB3] =	sst s0;
	s0 =	simm.s32 @!p1 $0x0  }
0x14: {  	s2 =	sld [smem:$0x3F97];
	s0 =	simm.s32 @p1 $0x1  }
0x15: {  	[smem:$0x3FB4] =	sst s0;
	s0 =	simm.s32 @!p2 $0x0  }
0x16: {  	s3 =	sld [smem:$0x3FDB];
	s0 =	simm.s32 @p2 $0x1  }
0x17: {  	s4 =	simm.s32 $0x1BF5;
	[smem:$0x3FB6] =	sst s0  }
0x18: {  	s0 =	sld [smem:$0x3F99];
	_ =	swait.ge [sflag:s4], $0x0  }
0x19: {  	s7 =	sld [smem:$0x3F9A]  }
0x1a: {  	s8 =	sadd.s32 $0xFFFFE003, lr  }
0x1b: {  	s9 =	sadd.s32 $0xFFFFFEF7, lr;
	s5 =	simm.s32 $0xFFFFFFFF;
	p2 =	slt.u32 s8, $0xFFFFF086  }
0x1c: {  	p1 =	slt.u32 s9, $0xF7A;
	s5 =	simm.s32 @!p2 $0x0  }
0x1d: {  	s5 =	simm.s32 @p1 $0x1;
	p0 =	seq.s32 s7, s2  }
0x1e: {  	s7 =	smul.u32 @!p0 $0xF7A, s2;
	p2 =	seq.s32 @!p0 s5, $0x0  }
0x1f: {  	s9 =	smul.u32 $0xF7A, s1;
	s8 =	simm.s32 @!p0 $0x1BF5;
	p2 =	por !p2, p0  }
0x20: {  	[sflag:s8] =	ssyncset.s32 @!p0 $0xFFFFF086;
	s6 =	sadd.s32 @!p0 s3, s7;
	s7 =	simm.s32 @!p0 $0x108  }
0x21: {  	s3 =	sadd.s32 s3, s9;
	s6 =	sadd.s32 @!p0 $0x88, s6;
	s7 =	simm.s32 @p2 $0x1082  }
0x22: {  	[simem:s7], [sflag:s8] =	dma.local @!p0 [hbm:s6], $0xF7A  }
0x23: {  	s9 =	sor.u32 $0xD0000000, s2;
	s6 =	simm.s32 $0x108;
	_ =	swait.ge @!p0 [sflag:s8], $0x0  }
0x24: {  	s3 =	sadd.s32 $0x88, s3;
	s6 =	simm.s32 @!p1 $0x1082;
	[sflag:s4] =	ssyncset.s32 $0xFFFFF086  }
0x25: {  	[simem:s6], [sflag:s4] =	dma.local [hbm:s3], $0xF7A  }
0x26: {  	[smem:$0x3F9A] =	sst s1;
	(tag) =	ssettag s2;
	_ =	strace s9  }
0x27: {  	s1 =	sld [smem:$0x3FAA]  }
0x28: {  	s2 =	sld [smem:$0x3FAB]  }
0x29: {  	s4 =	sld [smem:$0x3FAD]  }
0x2a: {  	p0 =	seq.s32 s5, $0x0;
	s5 =	sld [smem:$0x3FAE]  }
0x2b: {  	s6 =	sld [smem:$0x3FAF]  }
0x2c: {  	s7 =	sld [smem:$0x3FB0]  }
0x2d: {  	s3 =	simm.s32 $0x108;
	s8 =	sld [smem:$0x3FB1]  }
0x2e: {  	s3 =	simm.s32 @!p0 $0x1082;
	s9 =	sld [smem:$0x3FB2]  }
0x2f: {  	lr =	sadd.s32 s0, s3;
	s0 =	sld [smem:$0x3FA9]  }
0x30: {  	s3 =	sld [smem:$0x3FAC]  }
0x31: {  	[smem:$0x3FB5] =	sst s10  }
0x32: {  	s10 =	sld [smem:$0x3FB3];
	_ =	sdelay $0x3  }
0x33: {  	p0 =	seq.s32 s10, $0x1;
	s10 =	sld [smem:$0x3FB5];
	_ =	sdelay $0x3  }
0x34: {  	[smem:$0x3FB5] =	sst s10  }
0x35: {  	s10 =	sld [smem:$0x3FB4];
	_ =	sdelay $0x3  }
0x36: {  	p1 =	seq.s32 s10, $0x1;
	s10 =	sld [smem:$0x3FB5];
	_ =	sdelay $0x3  }
0x37: {  	[smem:$0x3FB5] =	sst s10  }
0x38: {  	s10 =	sld [smem:$0x3FB6]  }
0x39: {  	_ = 	snop;
	(pc) =	sbr.ind lr, $3  }
0x3a: {  	_ = 	snop  }
0x3b: {  	_ = 	snop  }
0x3c: {  	p2 =	seq.s32 s10, $0x1;
	s10 =	sld [smem:$0x3FB5]  }
0x3d: {  	_ =	shalt  }
0x3e: {  	_ =	shalt  }
0x3f: {  	_ =	shalt  }
0x40: {  	_ =	shalt  }
0x41: {  	_ =	shalt  }
0x42: {  	_ =	shalt  }
0x43: {  	_ =	shalt  }
0x44: {  	_ =	shalt  }
0x45: {  	_ =	shalt  }
0x46: {  	_ =	shalt  }
0x47: {  	_ =	shalt  }
0x48: {  	_ =	shalt  }
0x49: {  	_ =	shalt  }
0x4a: {  	_ =	shalt  }
0x4b: {  	_ =	shalt  }
0x4c: {  	_ =	shalt  }
0x4d: {  	_ =	shalt  }
0x4e: {  	_ =	shalt  }
0x4f: {  	_ =	shalt  }
0x50: {  	_ =	shalt  }
0x51: {  	_ =	shalt  }
0x52: {  	_ =	shalt  }
0x53: {  	_ =	shalt  }
0x54: {  	_ =	shalt  }
0x55: {  	_ =	shalt  }
0x56: {  	_ =	shalt  }
0x57: {  	_ =	shalt  }
0x58: {  	_ =	shalt  }
0x59: {  	_ =	shalt  }
0x5a: {  	_ =	shalt  }
0x5b: {  	_ =	shalt  }
0x5c: {  	_ =	shalt  }
0x5d: {  	_ =	shalt  }
0x5e: {  	_ =	shalt  }
0x5f: {  	_ =	shalt  }
0x60: {  	_ =	shalt  }
0x61: {  	_ =	shalt  }
0x62: {  	_ =	shalt  }
0x63: {  	_ =	shalt  }
0x64: {  	_ =	shalt  }
0x65: {  	_ =	shalt  }
0x66: {  	_ =	shalt  }
0x67: {  	_ =	shalt  }
0x68: {  	_ =	shalt  }
0x69: {  	_ =	shalt  }
0x6a: {  	_ =	shalt  }
0x6b: {  	_ =	shalt  }
0x6c: {  	_ =	shalt  }
0x6d: {  	_ =	shalt  }
0x6e: {  	_ =	shalt  }
0x6f: {  	_ =	shalt  }
0x70: {  	_ =	shalt  }
0x71: {  	_ =	shalt  }
0x72: {  	_ =	shalt  }
0x73: {  	_ =	shalt  }
0x74: {  	_ =	shalt  }
0x75: {  	_ =	shalt  }
0x76: {  	_ =	shalt  }
0x77: {  	_ =	shalt  }
0x78: {  	_ =	shalt  }
0x79: {  	_ =	shalt  }
0x7a: {  	_ =	shalt  }
0x7b: {  	_ =	shalt  }
0x7c: {  	_ =	shalt  }
0x7d: {  	_ =	shalt  }
0x7e: {  	_ =	shalt  }
0x7f: {  	_ =	shalt  }
0x80: {  	_ =	shalt  }
0x81: {  	_ =	shalt  }
0x82: {  	_ =	shalt  }
0x83: {  	_ =	shalt  }
0x84: {  	_ =	shalt  }
0x85: {  	_ =	shalt  }
0x86: {  	_ =	shalt  }
0x87: {  	_ =	shalt  }
.Lfunc_end0:
.L_simem_size_0:
called_computation_lowered:
.L_overlay_start_0:
0x88: {  	s2 =	sld [smem:$0x3FD9]  }
0x89: {  	s3 =	sld [smem:$0x3FFE];
	_ =	sdelay $0x1  }
0x8a: {  	s1 =	srdreg.scid  }
0x8b: {  	s0 =	sand.u32 $0x1, s1  }
0x8c: {  	s17 =	sshll.u32 s0, $0xA;
	s2 =	sadd.s32 s3, s2  }
0x8d: {  	s2 =	sadd.s32 s2, s17  }
0x8e: {  	[smem:$0x3FC1] =	sst s2  }
0x8f: {  	_ = 	snop  }
0x90: {  	s2 =	sld [smem:$0x3FD0];
	(tm) =	ssettm $0x1  }
0x91: {  	s18 =	sld [smem:$0x3FFB];
	_ =	sdelay $0x3  }
0x92: {  	_ =	strace s18  }
0x93: {  	s3 =	sld [smem:$0x3FFC];
	_ =	sdelay $0x3  }
0x94: {  	_ =	strace s3  }
0x95: {  	s3 =	sld [smem:$0x3FFD];
	_ =	sdelay $0x3  }
0x96: {  	_ =	strace s3  }
0x97: {  	_ =	strace $0x8FFFFFFF  }
0x98: {  	s19 =	sld [smem:$0x3FDB];
	_ =	sdelay $0x1  }
0x99: {  	s4 =	simm.s32 $_scs_section_size  }
0x9a: {  	s5 =	simm.s32 $_size__tile_overlayer_lowered;
	s6 =	simm.s32 $_tile_overlayer_lowered  }
0x9b: {  	s22 =	simm.s32 $0x1BFF;
	s21 =	sshll.u32 s6, $0x1;
	s3 =	sadd.s32 s4, s19  }
0x9c: {  	s7 =	simm.s32 $0x0;
	s20 =	sshll.u32 s5, $0x1;
	s5 =	sadd.s32 s21, s3  }
0x9d: {  	[timem:s7], [sflag:s22] =	dma.local [hbm:s5], s20  }
0x9e: {  	_ =	swait.ge [sflag:s22], s20  }
0x9f: {  	s4 =	ssub.s32 $0x0, s20;
	[sflag:s22] =	ssyncset.done $0x0  }
0xa0: {  	[sflag:s22] =	ssyncadd.s32 s4;
	_ =	sdelay $0x1  }
0xa1: {  	s23 =	simm.s32 $0x1B8B  }
0xa2: {  	_ =	swait.ge [sflag:s23], $0x1  }
0xa3: {  	[sflag:s23] =	ssyncset.done $0x0  }
0xa4: {  	s25 =	simm.s32 $0x1B8E;
	s24 =	sld [smem:$0x3FFE];
	[sflag:s23] =	ssyncadd.s32 $0xFFFFFFFF  }
0xa5: {  	s26 =	simm.s32 $execute0_lowered;
	[smem:$0x3FD2] =	sst s25  }
0xa6: {  	s5 =	sshll.u32 s26, $0x1;
	_ =	strace $0x80000046;
	[dreg:$0x1] =	wrdreg $0xFFFFFFFF  }
0xa7: {  	s28 =	simm.s32 $_size_execute0_lowered;
	s3 =	sadd.s32 s3, s5;
	[dreg:$0x0] =	wrdreg $0x0  }
0xa8: {  	s5 =	sshll.u32 s28, $0x1;
	[dreg:$0x2] =	wrdreg s3  }
0xa9: {  	[dreg:$0x3] =	wrdreg s5  }
0xaa: {  	[dreg:$0x4] =	wrdreg $0xC0  }
0xab: {  	_ =	task [dreg:s7], $0x5FFFF  }
0xac: {  	[dreg:$0x1] =	wrdreg $0xFFFFFFFF  }
0xad: {  	[dreg:$0x0] =	wrdreg $0x60  }
0xae: {  	[dreg:$0x2] =	wrdreg s2  }
0xaf: {  	[dreg:$0x3] =	wrdreg s24  }
0xb0: {  	[dreg:$0x4] =	wrdreg $0xA8000  }
0xb1: {  	[dreg:$0x5] =	wrdreg $0x9  }
0xb2: {  	_ =	task.clear_ibuf [dreg:s7], $0x6FFFF;
	_ =	strace $0x90000046  }
0xb3: {  	s29 =	simm.s32 $0x9;
	_ =	strace $0x80000048  }
0xb4: {  	_ =	swait.ge [sflag:s29], $0x1  }
0xb5: {  	[sflag:s29] =	ssyncadd.s32 $0xFFFFFFFF  }
0xb6: {  	_ =	strace $0x90000048  }
0xb7: {  	_ =	sfence  }
0xb8: {  	s30 =	sld [smem:$0x0];
	_ =	sdelay $0x2  }
0xb9: {  	s31 =	sshll.u32 s1, $0xD;
	s1 =	sshrl.u32 s1, $0x2  }
0xba: {  	s3 =	sand.u32 $0x4000, s31;
	s1 =	sadd.s32 s1, s30  }
0xbb: {  	s0 =	sor.u32 s3, s0;
	s1 =	sshll.u32 s1, $0x11  }
0xbc: {  	s0 =	sor.u32 s1, s0  }
0xbd: {  	s0 =	sadd.s32 $0x8F2B, s0  }
0xbe: {  	[sflag:s0] =	ssyncadd.remote.s32 $0x1  }
0xbf: {  	_ =	sfence.sel $0xFFFF  }
0xc0: {  	[dreg:$0x0] =	wrdreg $0xFFFFFFFF;
	(pc) =	sbr.abs _section_cstart, $3  }
0xc1: {  	[dreg:$0x1] =	wrdreg $0xFFFFFFFF  }
0xc2: {  	_ =	task.clear_ibuf [dreg:s7], $0x2FFFF;
	_ =	strace $0x9FFFFFFF  }
0xc3: {  	(tm) =	ssettm $0x7FFFFFFF  }
tec
execute0_lowered:
.L_overlay_start_1:
0x0: {  	(tag) =	ssettag $0x1  }
0x1: {  	s1 =	rddreg [dreg:$0x0]  }
0x2: {  	s5 =	rddreg [dreg:$0x1]  }
0x3: {  	s2 =	rddreg [dreg:$0x2]  }
0x4: {  	s3 =	srdreg.scid;
	s0 =	rddreg [dreg:$0x3]  }
0x5: {  	s4 =	simm.s32 $0x0;
	s17 =	simm.s32 $0x3;
	s18 =	simm.s32 $0x1400  }
0x6: {  	s19 =	simm.s32 $0x80;
	s20 =	simm.s32 $0x6800;
	s21 =	simm.s32 $0x1  }
0x7: {  	s22 =	simm.s32 $0x2;
	s23 =	simm.s32 $0x2700;
	s6 =	sand.u32 $0x1, s3  }
0x8: {  	s24 =	simm.s32 $0x2780;
	s3 =	stileid.u32;
	s7 =	smul.u32 $0x140000, s6  }
0x9: {  	[smem:$0x7FF] =	sst s4;
	s12 =	sadd.s32 $0x2000, s5;
	s8 =	smul.u32 $0x14000, s3  }
0xa: {  	s31 =	sshll.u32 s6, $0x4;
	s9 =	smul.u32 $0x50000, s3;
	s6 =	ssub.s32 $0x2, s6  }
0xb: {  	s13 =	sadd.s32 $0xC000, s5;
	_ =	strace $0x80000047;
	s10 =	sshrl.u32 s6, $0x1  }
0xc: {  	s7 =	sadd.s32 s8, s7;
	s8 =	sor.u32 s3, s31;
	s9 =	sshrl.u32 s9, $0x2  }
0xd: {  	s15 =	ssub.s32 s6, s10;
	s7 =	sshrl.u32 s7, $0x3;
	s8 =	smul.u32 $0x2800, s8  }
0xe: {  	s15 =	smax.u32 s15, $0x1;
	s14 =	sadd.s32 s7, s5;
	s5 =	sadd.s32 s9, s2  }
0xf: {  	s6 =	sadd.s32 $0x4000, s5;
	s7 =	sadd.s32 $0x8000, s5;
	s11 =	sshrl.u32 s8, $0x3  }
0x10: {  	s8 =	sadd.s32 $0xC000, s5;
	s9 =	sadd.s32 $0x10000, s5;
	s14 =	sadd.s32 $0x16000, s14  }
0x11: {  	s16 =	sadd.s32 $0x280, s11;
	s10 =	sadd.s32 s12, s11;
	s11 =	sadd.s32 s13, s11  }
0x12: {  	v0 =	vimm.f32 $0.0e+00;
	s12 =	sadd.s32 s12, s16;
	s13 =	sadd.s32 s13, s16;
	s16 =	simm.s32 $0x2800  }
.LBB2_1:
0x13: {  	s25 =	simm.s32 $0x0;
	s26 =	simm.s32 $0x200  }
.LBB2_2:
0x14: {  	p0 =	sne.s32 s26, $0xFE00;
	[tilespmem:s25+$0x2870] =	vst v0  }
0x15: {  	[tilespmem:s25+$0x2800] =	vst v0  }
0x16: {  	[tilespmem:s25+$0x2810] =	vst v0  }
.Ltmp0:
0x17: {  	[tilespmem:s25+$0x2820] =	vst v0;
	(pc) =	sbr.rel @p0 .LBB2_2-.Ltmp0, $4  }
0x18: {  	[tilespmem:s25+$0x2830] =	vst v0  }
0x19: {  	[tilespmem:s25+$0x2840] =	vst v0  }
0x1a: {  	[tilespmem:s25+$0x2850] =	vst v0  }
0x1b: {  	[tilespmem:s25+$0x2860] =	vst v0;
	s25 =	sshra.s32 s26, $0x2;
	s26 =	sadd.s32 $0x200, s26  }
0x1c: {  	[tilespmem:s25+$0x2870] =	vst v0  }
0x1d: {  	[tilespmem:s25+$0x2800] =	vst v0  }
0x1e: {  	[tilespmem:s25+$0x2810] =	vst v0  }
0x1f: {  	[tilespmem:s25+$0x2820] =	vst v0  }
0x20: {  	[tilespmem:s25+$0x2830] =	vst v0  }
0x21: {  	[tilespmem:s25+$0x2840] =	vst v0  }
0x22: {  	[tilespmem:s25+$0x2850] =	vst v0  }
0x23: {  	[tilespmem:s25+$0x2860] =	vst v0  }
0x24: {  	[spmem:s5] =	stream.linear.scatter [tilespmem:s16], [sflag:$0x3], $0x4000, $0x38;
	[tilespmem:$0x1E800] =	vst v63  }
0x25: {  	_ =	swait.ge [sflag:s17], $0x4000  }
0x26: {  	[sflag:s17] =	ssyncset.done $0x0  }
0x27: {  	[sflag:s17] =	ssyncadd.s32 $0xFFFFC000  }
0x28: {  	[spmem:s6] =	stream.linear.scatter [tilespmem:s16], [sflag:$0x3], $0x4000, $0x38;
	[tilespmem:$0x1E800] =	vst v63  }
0x29: {  	_ =	swait.ge [sflag:s17], $0x4000  }
0x2a: {  	[sflag:s17] =	ssyncset.done $0x0  }
0x2b: {  	[sflag:s17] =	ssyncadd.s32 $0xFFFFC000  }
0x2c: {  	[spmem:s7] =	stream.linear.scatter [tilespmem:s16], [sflag:$0x3], $0x4000, $0x38;
	[tilespmem:$0x1E800] =	vst v63  }
0x2d: {  	_ =	swait.ge [sflag:s17], $0x4000  }
0x2e: {  	[sflag:s17] =	ssyncset.done $0x0  }
0x2f: {  	[sflag:s17] =	ssyncadd.s32 $0xFFFFC000  }
0x30: {  	[spmem:s8] =	stream.linear.scatter [tilespmem:s16], [sflag:$0x3], $0x4000, $0x38;
	[tilespmem:$0x1E800] =	vst v63  }
0x31: {  	_ =	swait.ge [sflag:s17], $0x4000  }
0x32: {  	[sflag:s17] =	ssyncset.done $0x0  }
0x33: {  	[sflag:s17] =	ssyncadd.s32 $0xFFFFC000  }
0x34: {  	[spmem:s9] =	stream.linear.scatter [tilespmem:s16], [sflag:$0x3], $0x4000, $0x38;
	[tilespmem:$0x1E800] =	vst v63  }
0x35: {  	_ =	swait.ge [sflag:s17], $0x4000  }
0x36: {  	[sflag:s17] =	ssyncset.done $0x0  }
0x37: {  	[sflag:s17] =	ssyncadd.s32 $0xFFFFC000  }
0x38: {  	s28 =	simm.s32 $0x0;
	[bflag:$0x0] =	sbarrier.arrive $0xFFFF  }
0x39: {  	[tilespmem:s28], [sflag:$0x3] =	stream.linear.gather [hbm4b:s10+s28], $0x1400, $0x38;
	[tilespmem:$0x1E800] =	vst v63  }
0x3a: {  	_ =	swait.ge [sflag:s17], $0x1400  }
0x3b: {  	[sflag:s17] =	ssyncset.done $0x0  }
0x3c: {  	[sflag:s17] =	ssyncadd.s32 $0xFFFFEC00  }
0x3d: {  	[tilespmem:s18], [sflag:$0x3] =	stream.linear.gather [hbm4b:s11+s28], $0x1400, $0x38;
	[tilespmem:$0x1E800] =	vst v63  }
0x3e: {  	_ =	swait.ge [sflag:s17], $0x1400  }
0x3f: {  	[sflag:s17] =	ssyncset.done $0x0  }
0x40: {  	[sflag:s17] =	ssyncadd.s32 $0xFFFFEC00  }
0x41: {  	[tilespmem:s16], [sflag:$0x1] =	stream.indirect.gather [hbm4b:s1+s19], $0x80, s28, s19, $0xb8;
	[tilespmem:$0x1E800] =	vst v63  }
0x42: {  	_ = 	snop  }
0x43: {  	[tilespmem:s20], [sflag:$0x2] =	stream.indirect.gather [hbm4b:s1+s19], $0x80, s19, s19, $0xb8;
	[tilespmem:$0x1E800] =	vst v63  }
0x44: {  	_ =	swait.ge [sflag:s21], $0x4000  }
0x45: {  	[sflag:s21] =	ssyncset.done $0x0  }
0x46: {  	s29 =	simm.s32 $0x1400;
	[sflag:s21] =	ssyncadd.s32 $0xFFFFC000  }
0x47: {  	[spmem:s2] =	stream.indirect.scatter.add.f32 [tilespmem:s16], [sflag:$0x3], $0x80, s29, s19, $0xb8;
	[tilespmem:$0x1E800] =	vst v63  }
0x48: {  	_ =	swait.ge [sflag:s17], $0x4000  }
0x49: {  	[sflag:s17] =	ssyncset.done $0x0  }
0x4a: {  	s30 =	simm.s32 $0x100;
	[sflag:s17] =	ssyncadd.s32 $0xFFFFC000  }
0x4b: {  	[tilespmem:s16], [sflag:$0x1] =	stream.indirect.gather [hbm4b:s1+s19], $0x80, s30, s19, $0xb8;
	[tilespmem:$0x1E800] =	vst v63  }
0x4c: {  	_ =	swait.ge [sflag:s22], $0x4000  }
0x4d: {  	[sflag:s22] =	ssyncset.done $0x0  }
0x4e: {  	s31 =	simm.s32 $0x1480;
	[sflag:s22] =	ssyncadd.s32 $0xFFFFC000  }
0x4f: {  	[spmem:s2] =	stream.indirect.scatter.add.f32 [tilespmem:s20], [sflag:$0x3], $0x80, s31, s19, $0xb8;
	[tilespmem:$0x1E800] =	vst v63  }
0x50: {  	_ =	swait.ge [sflag:s17], $0x4000  }
0x51: {  	[sflag:s17] =	ssyncset.done $0x0  }
0x52: {  	s25 =	simm.s32 $0x400;
	s26 =	simm.s32 $0x180;
	[sflag:s17] =	ssyncadd.s32 $0xFFFFC000  }
.LBB2_4:
0x53: {  	[tilespmem:s20], [sflag:$0x2] =	stream.indirect.gather [hbm4b:s1+s19], $0x80, s26, s19, $0xb8;
	[tilespmem:$0x1E800] =	vst v63  }
0x54: {  	s26 =	smov.u32 s25  }
0x55: {  	p0 =	sne.s32 s25, $0x4800;
	s25 =	sadd.s32 $0x400, s25;
	_ =	swait.ge [sflag:s21], $0x4000  }
0x56: {  	s26 =	sshra.s32 s26, $0x2;
	[sflag:s21] =	ssyncset.done $0x0  }
0x57: {  	s28 =	sadd.s32 $0x1400, s26;
	[sflag:s21] =	ssyncadd.s32 $0xFFFFC000  }
0x58: {  	[spmem:s2] =	stream.indirect.scatter.add.f32 [tilespmem:s16], [sflag:$0x3], $0x80, s28, s19, $0xb8;
	[tilespmem:$0x1E800] =	vst v63  }
0x59: {  	_ =	swait.ge [sflag:s17], $0x4000  }
0x5a: {  	[sflag:s17] =	ssyncset.done $0x0  }
0x5b: {  	s28 =	sadd.s32 $0x100, s26;
	[sflag:s17] =	ssyncadd.s32 $0xFFFFC000  }
0x5c: {  	[tilespmem:s16], [sflag:$0x1] =	stream.indirect.gather [hbm4b:s1+s19], $0x80, s28, s19, $0xb8;
	[tilespmem:$0x1E800] =	vst v63  }
0x5d: {  	_ =	swait.ge [sflag:s22], $0x4000  }
0x5e: {  	[sflag:s22] =	ssyncset.done $0x0  }
.Ltmp1:
0x5f: {  	s28 =	sadd.s32 $0x1480, s26;
	[sflag:s22] =	ssyncadd.s32 $0xFFFFC000;
	(pc) =	sbr.rel @p0 .LBB2_4-.Ltmp1, $4  }
0x60: {  	[spmem:s2] =	stream.indirect.scatter.add.f32 [tilespmem:s20], [sflag:$0x3], $0x80, s28, s19, $0xb8;
	[tilespmem:$0x1E800] =	vst v63  }
0x61: {  	_ =	swait.ge [sflag:s17], $0x4000  }
0x62: {  	[sflag:s17] =	ssyncset.done $0x0  }
0x63: {  	s26 =	sadd.s32 $0x180, s26;
	[sflag:s17] =	ssyncadd.s32 $0xFFFFC000  }
0x64: {  	[tilespmem:s20], [sflag:$0x2] =	stream.indirect.gather [hbm4b:s1+s19], $0x80, s26, s19, $0xb8;
	[tilespmem:$0x1E800] =	vst v63  }
0x65: {  	_ =	swait.ge [sflag:s21], $0x4000  }
0x66: {  	[sflag:s21] =	ssyncset.done $0x0  }
0x67: {  	[sflag:s21] =	ssyncadd.s32 $0xFFFFC000  }
0x68: {  	[spmem:s2] =	stream.indirect.scatter.add.f32 [tilespmem:s16], [sflag:$0x3], $0x80, s23, s19, $0xb8;
	[tilespmem:$0x1E800] =	vst v63  }
0x69: {  	_ =	swait.ge [sflag:s17], $0x4000  }
0x6a: {  	[sflag:s17] =	ssyncset.done $0x0  }
0x6b: {  	[sflag:s17] =	ssyncadd.s32 $0xFFFFC000  }
0x6c: {  	_ =	swait.ge [sflag:s22], $0x4000  }
0x6d: {  	[sflag:s22] =	ssyncset.done $0x0  }
0x6e: {  	[sflag:s22] =	ssyncadd.s32 $0xFFFFC000  }
0x6f: {  	[spmem:s2] =	stream.indirect.scatter.add.f32 [tilespmem:s20], [sflag:$0x3], $0x80, s24, s19, $0xb8;
	[tilespmem:$0x1E800] =	vst v63  }
0x70: {  	_ =	swait.ge [sflag:s17], $0x4000  }
0x71: {  	[sflag:s17] =	ssyncset.done $0x0  }
0x72: {  	s25 =	simm.s32 $0x0;
	[sflag:s17] =	ssyncadd.s32 $0xFFFFC000  }
0x73: {  	[tilespmem:s25], [sflag:$0x3] =	stream.linear.gather [hbm4b:s12+s25], $0x1400, $0x38;
	[tilespmem:$0x1E800] =	vst v63  }
0x74: {  	_ =	swait.ge [sflag:s17], $0x1400  }
0x75: {  	[sflag:s17] =	ssyncset.done $0x0  }
0x76: {  	[sflag:s17] =	ssyncadd.s32 $0xFFFFEC00  }
0x77: {  	[tilespmem:s18], [sflag:$0x3] =	stream.linear.gather [hbm4b:s13+s25], $0x1400, $0x38;
	[tilespmem:$0x1E800] =	vst v63  }
0x78: {  	_ =	swait.ge [sflag:s17], $0x1400  }
0x79: {  	[sflag:s17] =	ssyncset.done $0x0  }
0x7a: {  	[sflag:s17] =	ssyncadd.s32 $0xFFFFEC00  }
0x7b: {  	[tilespmem:s16], [sflag:$0x1] =	stream.indirect.gather [hbm4b:s1+s19], $0x80, s25, s19, $0xb8;
	[tilespmem:$0x1E800] =	vst v63  }
0x7c: {  	_ = 	snop  }
0x7d: {  	[tilespmem:s20], [sflag:$0x2] =	stream.indirect.gather [hbm4b:s1+s19], $0x80, s19, s19, $0xb8;
	[tilespmem:$0x1E800] =	vst v63  }
0x7e: {  	_ =	swait.ge [sflag:s21], $0x4000  }
0x7f: {  	[sflag:s21] =	ssyncset.done $0x0  }
0x80: {  	s29 =	simm.s32 $0x1400;
	[sflag:s21] =	ssyncadd.s32 $0xFFFFC000  }
0x81: {  	[spmem:s2] =	stream.indirect.scatter.add.f32 [tilespmem:s16], [sflag:$0x3], $0x80, s29, s19, $0xb8;
	[tilespmem:$0x1E800] =	vst v63  }
0x82: {  	_ =	swait.ge [sflag:s17], $0x4000  }
0x83: {  	[sflag:s17] =	ssyncset.done $0x0  }
0x84: {  	s30 =	simm.s32 $0x100;
	[sflag:s17] =	ssyncadd.s32 $0xFFFFC000  }
0x85: {  	[tilespmem:s16], [sflag:$0x1] =	stream.indirect.gather [hbm4b:s1+s19], $0x80, s30, s19, $0xb8;
	[tilespmem:$0x1E800] =	vst v63  }
0x86: {  	_ =	swait.ge [sflag:s22], $0x4000  }
0x87: {  	[sflag:s22] =	ssyncset.done $0x0  }
0x88: {  	s31 =	simm.s32 $0x1480;
	[sflag:s22] =	ssyncadd.s32 $0xFFFFC000  }
0x89: {  	[spmem:s2] =	stream.indirect.scatter.add.f32 [tilespmem:s20], [sflag:$0x3], $0x80, s31, s19, $0xb8;
	[tilespmem:$0x1E800] =	vst v63  }
0x8a: {  	_ =	swait.ge [sflag:s17], $0x4000  }
0x8b: {  	[sflag:s17] =	ssyncset.done $0x0  }
0x8c: {  	s26 =	simm.s32 $0x180;
	s25 =	simm.s32 $0x400;
	[sflag:s17] =	ssyncadd.s32 $0xFFFFC000  }
.LBB2_6:
0x8d: {  	[tilespmem:s20], [sflag:$0x2] =	stream.indirect.gather [hbm4b:s1+s19], $0x80, s26, s19, $0xb8;
	[tilespmem:$0x1E800] =	vst v63  }
0x8e: {  	s26 =	smov.u32 s25  }
0x8f: {  	p0 =	sne.s32 s25, $0x4800;
	s25 =	sadd.s32 $0x400, s25;
	_ =	swait.ge [sflag:s21], $0x4000  }
0x90: {  	s26 =	sshra.s32 s26, $0x2;
	[sflag:s21] =	ssyncset.done $0x0  }
0x91: {  	s28 =	sadd.s32 $0x1400, s26;
	[sflag:s21] =	ssyncadd.s32 $0xFFFFC000  }
0x92: {  	[spmem:s2] =	stream.indirect.scatter.add.f32 [tilespmem:s16], [sflag:$0x3], $0x80, s28, s19, $0xb8;
	[tilespmem:$0x1E800] =	vst v63  }
0x93: {  	_ =	swait.ge [sflag:s17], $0x4000  }
0x94: {  	[sflag:s17] =	ssyncset.done $0x0  }
0x95: {  	s28 =	sadd.s32 $0x100, s26;
	[sflag:s17] =	ssyncadd.s32 $0xFFFFC000  }
0x96: {  	[tilespmem:s16], [sflag:$0x1] =	stream.indirect.gather [hbm4b:s1+s19], $0x80, s28, s19, $0xb8;
	[tilespmem:$0x1E800] =	vst v63  }
0x97: {  	_ =	swait.ge [sflag:s22], $0x4000  }
0x98: {  	[sflag:s22] =	ssyncset.done $0x0  }
.Ltmp2:
0x99: {  	s28 =	sadd.s32 $0x1480, s26;
	[sflag:s22] =	ssyncadd.s32 $0xFFFFC000;
	(pc) =	sbr.rel @p0 .LBB2_6-.Ltmp2, $4  }
0x9a: {  	[spmem:s2] =	stream.indirect.scatter.add.f32 [tilespmem:s20], [sflag:$0x3], $0x80, s28, s19, $0xb8;
	[tilespmem:$0x1E800] =	vst v63  }
0x9b: {  	_ =	swait.ge [sflag:s17], $0x4000  }
0x9c: {  	[sflag:s17] =	ssyncset.done $0x0  }
0x9d: {  	s26 =	sadd.s32 $0x180, s26;
	[sflag:s17] =	ssyncadd.s32 $0xFFFFC000  }
0x9e: {  	[tilespmem:s20], [sflag:$0x2] =	stream.indirect.gather [hbm4b:s1+s19], $0x80, s26, s19, $0xb8;
	[tilespmem:$0x1E800] =	vst v63  }
0x9f: {  	_ =	swait.ge [sflag:s21], $0x4000  }
0xa0: {  	[sflag:s21] =	ssyncset.done $0x0  }
0xa1: {  	[sflag:s21] =	ssyncadd.s32 $0xFFFFC000  }
0xa2: {  	[spmem:s2] =	stream.indirect.scatter.add.f32 [tilespmem:s16], [sflag:$0x3], $0x80, s23, s19, $0xb8;
	[tilespmem:$0x1E800] =	vst v63  }
0xa3: {  	_ =	swait.ge [sflag:s17], $0x4000  }
0xa4: {  	[sflag:s17] =	ssyncset.done $0x0  }
0xa5: {  	[sflag:s17] =	ssyncadd.s32 $0xFFFFC000  }
0xa6: {  	_ =	swait.ge [sflag:s22], $0x4000  }
0xa7: {  	[sflag:s22] =	ssyncset.done $0x0  }
0xa8: {  	[sflag:s22] =	ssyncadd.s32 $0xFFFFC000  }
0xa9: {  	[spmem:s2] =	stream.indirect.scatter.add.f32 [tilespmem:s20], [sflag:$0x3], $0x80, s24, s19, $0xb8;
	[tilespmem:$0x1E800] =	vst v63  }
0xaa: {  	_ =	swait.ge [sflag:s17], $0x4000  }
0xab: {  	s25 =	sshll.u32 s3, $0x6;
	s4 =	sadd.s32 $0x1, s4;
	[sflag:s17] =	ssyncset.done $0x0  }
0xac: {  	s31 =	sshrl.u32 s5, $0x3;
	p0 =	sne.s32 s4, s15;
	[sflag:s17] =	ssyncadd.s32 $0xFFFFC000  }
.Ltmp3:
0xad: {  	s25 =	sor.u32 $0x1C03, s25;
	[bflag:$0x0] =	sbarrier.arrive $0xFFFF;
	(pc) =	sbr.rel @p0 .LBB2_1-.Ltmp3, $4  }
0xae: {  	[hbm:s14], [sflag:s25] =	dma.local [spmem:s31], $0x2800  }
0xaf: {  	_ =	swait.ge [sflag:s17], $0x2800  }
0xb0: {  	[sflag:s17] =	ssyncset.done $0x0  }
0xb1: {  	[sflag:s17] =	ssyncadd.s32 $0xFFFFD800  }
0xb2: {  	_ =	sfence.sel $0x180000  }
0xb3: {  	[bflag:$0x0] =	sbarrier.arrive $0xFFFF  }
0xb4: {  	p0 =	sne.s32 s3, $0x0;
	_ =	strace $0x90000047  }
0xb5: {  	s0 =	sadd.s32 @!p0 $0x100000, s0;
	[bflag:$0x2] =	sbarrier.arrive $0xFFFF  }
0xb6: {  	[sflag:s0] =	ssyncadd.tile.s32 @!p0 $0x1;
	_ =	shalt  }
.Lfunc_end2:
_tile_overlayer_lowered:
.L_overlay_start_2:
0xb7: {  	(tag) =	ssettag $0x2  }
0xb8: {  	s0 =	rddreg [dreg:$0x0];
	s2 =	stileid.u32  }
0xb9: {  	s1 =	rddreg [dreg:$0x1];
	p0 =	sne.s32 s2, $0x0  }
0xba: {  	s3 =	rddreg [dreg:$0x2];
	[bflag:$0x3] =	sbarrier.arrive $0xFFFF;
	s2 =	simm.s32 @!p0 $0x1C03  }
0xbb: {  	[timem:s3], [sflag:s2] =	dma.local @!p0 [hbm:s0], s1  }
0xbc: {  	s0 =	simm.s32 @!p0 $0x3  }
0xbd: {  	_ =	swait.ge @!p0 [sflag:s0], s1  }
0xbe: {  	s1 =	ssub.s32 @!p0 $0x0, s1;
	[sflag:s0] =	ssyncset.done @!p0 $0x0  }
0xbf: {  	[sflag:s0] =	ssyncadd.s32 @!p0 s1  }
0xc0: {  	[bflag:$0x3] =	sbarrier.arrive $0xFFFF  }
0xc1: {  	_ =	shalt  }

</sc_bundles>
